<compile_context>
chip_gen: v7x
topology: tpu7x:2x2x1
jax: 0.10.2.dev20260603
libtpu: 0.0.44.dev20260713+nightly
codegen_flags: <defaults>
</compile_context>

<pallas_src>
import functools

import jax
import jax.numpy as jnp
from jax import lax
from jax.experimental import pallas as pl
from jax.experimental.pallas import tpu as pltpu
from jax.experimental.pallas import tpu_sc as plsc

D_MODEL = 64
SCALE = float(D_MODEL) ** 0.5
NUM_CORES = 2
NUM_SUBCORES = 16
NUM_WORKERS = NUM_CORES * NUM_SUBCORES
B_TOTAL = 4096 * 200
B_PER_W = B_TOTAL // NUM_WORKERS
CHUNK = 256
NBUF = 4
NCHUNK = B_PER_W // CHUNK
NOUTER = NCHUNK // NBUF


def _emb_body(table_hbm, idx_hbm, out_hbm, idx_v,
              r0, r1, r2, r3, sg0, sg1, sg2, sg3, ss0, ss1, ss2, ss3):
    rows = [r0, r1, r2, r3]
    sg = [sg0, sg1, sg2, sg3]
    ss = [ss0, ss1, ss2, ss3]

    wid = lax.axis_index("s") * NUM_CORES + lax.axis_index("c")
    base = pl.multiple_of(wid * B_PER_W, B_PER_W)
    pltpu.sync_copy(idx_hbm.at[pl.ds(base, B_PER_W)], idx_v)

    def start_gather(ci, b):
        off = pl.multiple_of(ci * CHUNK, CHUNK)
        pltpu.async_copy(
            table_hbm.at[idx_v.at[pl.ds(off, CHUNK)]], rows[b], sg[b])

    def wait_gather(b):
        pltpu.make_async_copy(
            table_hbm.at[idx_v.at[pl.ds(0, CHUNK)]], rows[b], sg[b]).wait()

    def start_store(ci, b):
        off = pl.multiple_of(base + ci * CHUNK, CHUNK)
        pltpu.async_copy(rows[b], out_hbm.at[pl.ds(off, CHUNK)], ss[b])

    def wait_store(b):
        pltpu.make_async_copy(
            rows[b], out_hbm.at[pl.ds(0, CHUNK)], ss[b]).wait()

    def scale(b):
        r = rows[b]

        @plsc.parallel_loop(0, CHUNK, step=1, unroll=8)
        def _(i):
            for j in range(D_MODEL // 16):
                sl = (i, pl.ds(j * 16, 16))
                r[sl] = r[sl] * SCALE

    def stage(ci, b, issue_ahead, wait_ahead_store):
        if issue_ahead:
            bn = (b + NBUF - 1) % NBUF
            if wait_ahead_store:
                wait_store(bn)
            start_gather(ci + NBUF - 1, bn)
        wait_gather(b)
        scale(b)
        start_store(ci, b)

    for b in range(NBUF - 1):
        start_gather(b, b)

    for b in range(NBUF):
        stage(b, b, issue_ahead=True, wait_ahead_store=(b >= 1))

    def outer_body(oi, carry):
        for b in range(NBUF):
            ci = oi * NBUF + b
            stage(ci, b, issue_ahead=True, wait_ahead_store=True)
        return carry

    lax.fori_loop(1, NOUTER - 1, outer_body, 0, unroll=False)

    for b in range(NBUF):
        ci = (NOUTER - 1) * NBUF + b
        stage(ci, b, issue_ahead=(b < 1), wait_ahead_store=True)

    for b in range(NBUF):
        wait_store(b)


@jax.jit
def kernel(data, table):
    b, s = data.shape
    idx = data.reshape(-1).astype(jnp.int32)
    mesh = plsc.VectorSubcoreMesh(
        core_axis_name="c", subcore_axis_name="s", num_cores=NUM_CORES
    )
    gather = pl.kernel(
        _emb_body,
        out_type=jax.ShapeDtypeStruct((b * s, D_MODEL), jnp.float32),
        mesh=mesh,
        scratch_types=(
            [pltpu.VMEM((B_PER_W,), jnp.int32)]
            + [pltpu.VMEM((CHUNK, D_MODEL), jnp.float32) for _ in range(NBUF)]
            + [pltpu.SemaphoreType.DMA for _ in range(2 * NBUF)]
        ),
        compiler_params=pltpu.CompilerParams(use_tc_tiling_on_sc=False),
    )
    out = gather(table, idx)
    return out.reshape(b, s, D_MODEL)

# --- scband reference (transcript-rebuilt; emitter-appended) ---
"""Pipeline reference for scband-embedding-20031727468711 (READ-ONLY COPY).

The authoritative reference and input builder live on the scoring server;
editing this copy changes nothing except your own understanding.
"""

import jax, jax.numpy as jnp
import numpy as np

D_MODEL = 64
TOKEN_SIZE = 1000000
PAD_IDX = 0


def setup_inputs(seed: int = 0) -> dict:
    key = jax.random.key(seed)
    k1, k2 = jax.random.split(key)
    data = jax.random.randint(k1, (4096, 200), 0, TOKEN_SIZE, dtype=jnp.int64 if jax.config.jax_enable_x64 else jnp.int32)
    table = jax.random.normal(k2, (TOKEN_SIZE, D_MODEL), dtype=jnp.float32)
    # nn.Embedding with padding_idx initializes that row to zeros
    table = table.at[PAD_IDX].set(0.0)
    return {"data": data, "table": table}


def reference(data, table):
    # embedding lookup (gather) then scale by sqrt(d_model)
    emb = jnp.take(table, data, axis=0)
    return emb * (D_MODEL ** 0.5)

if __name__ == "__main__":
    import jax
    _d = setup_inputs()
    print(jax.jit(kernel)(*tuple(_d.values())))

</pallas_src>

<mosaic_0001>
#map = affine_map<(d0, d1) -> (0, 0)>
#map1 = affine_map<(d0, d1) -> (0)>
module attributes {stable_mosaic.version = 14 : i64} {
  func.func @_emb_body(%arg0: i32, %arg1: i32, %arg2: memref<1000000x64xf32, #tpu.memory_space<hbm>>, %arg3: memref<819200xi32, #tpu.memory_space<hbm>>, %arg4: memref<819200x64xf32, #tpu.memory_space<hbm>>, %arg5: memref<25600xi32, #tpu.memory_space<vmem>>, %arg6: memref<256x64xf32, #tpu.memory_space<vmem>>, %arg7: memref<256x64xf32, #tpu.memory_space<vmem>>, %arg8: memref<256x64xf32, #tpu.memory_space<vmem>>, %arg9: memref<256x64xf32, #tpu.memory_space<vmem>>, %arg10: memref<!tpu.dma_semaphore, #tpu.memory_space<semaphore_mem>>, %arg11: memref<!tpu.dma_semaphore, #tpu.memory_space<semaphore_mem>>, %arg12: memref<!tpu.dma_semaphore, #tpu.memory_space<semaphore_mem>>, %arg13: memref<!tpu.dma_semaphore, #tpu.memory_space<semaphore_mem>>, %arg14: memref<!tpu.dma_semaphore, #tpu.memory_space<semaphore_mem>>, %arg15: memref<!tpu.dma_semaphore, #tpu.memory_space<semaphore_mem>>, %arg16: memref<!tpu.dma_semaphore, #tpu.memory_space<semaphore_mem>>, %arg17: memref<!tpu.dma_semaphore, #tpu.memory_space<semaphore_mem>>) attributes {dimension_semantics = [#tpu.dimension_semantics<core_parallel>, #tpu.dimension_semantics<subcore_parallel>], iteration_bounds = array<i64: 2, 16>, scalar_prefetch = 0 : i64, scratch_operands = 13 : i64, tpu.core_type = #tpu.core_type<sc_vector_subcore>, window_params = [{transform_indices = #map}, {transform_indices = #map1}, {transform_indices = #map}]} {
    %mul3A = arith.constant 2 : i32
    %mul3A_0 = arith.muli %arg1, %mul3A : i32
    %add3A = arith.addi %mul3A_0, %arg0 : i32
    %mul3A_1 = arith.constant 25600 : i32
    %mul3A_2 = arith.muli %add3A, %mul3A_1 : i32
    %multiple_of3A = tpu.assume_multiple %mul3A_2, 25600 : i32
    "tpu.region"() ({
      %run_scoped3A = tpu.sem_alloc : memref<!tpu.dma_semaphore, #tpu.memory_space<semaphore_mem>>
      %dma_start3A_221 = tpu.memref_slice %arg3[%multiple_of3A] : memref<819200xi32, #tpu.memory_space<hbm>> -> memref<25600xi32, #tpu.memory_space<hbm>>
      %dma_start3A_222 = tpu.memref_slice %arg3[%multiple_of3A] : memref<819200xi32, #tpu.memory_space<hbm>> -> memref<25600xi32, #tpu.memory_space<hbm>>
      tpu.enqueue_dma source(%dma_start3A_222 : memref<25600xi32, #tpu.memory_space<hbm>>) target(%arg5 : memref<25600xi32, #tpu.memory_space<vmem>>) target_semaphore(%run_scoped3A : memref<!tpu.dma_semaphore, #tpu.memory_space<semaphore_mem>>)
      %dma_wait3A_223 = tpu.memref_slice %arg3[%multiple_of3A] : memref<819200xi32, #tpu.memory_space<hbm>> -> memref<25600xi32, #tpu.memory_space<hbm>>
      %dma_wait3A_224 = tpu.memref_slice %arg3[%multiple_of3A] : memref<819200xi32, #tpu.memory_space<hbm>> -> memref<25600xi32, #tpu.memory_space<hbm>>
      tpu.wait_dma2 semaphore(%run_scoped3A : memref<!tpu.dma_semaphore, #tpu.memory_space<semaphore_mem>>) src(%dma_wait3A_224 : memref<25600xi32, #tpu.memory_space<hbm>>) dst(%arg5 : memref<25600xi32, #tpu.memory_space<vmem>>)
      tpu.yield
    }) : () -> ()
    %multiple_of3A_3 = arith.constant 0 : i32
    %multiple_of3A_4 = tpu.assume_multiple %multiple_of3A_3, 256 : i32
    %dma_start3A = tpu.memref_slice %arg5[%multiple_of3A_4] : memref<25600xi32, #tpu.memory_space<vmem>> -> memref<256xi32, #tpu.memory_space<vmem>>
    %dma_start3A_5 = arith.constant 0 : i32
    %dma_start3A_6 = arith.constant 0 : i32
    %dma_start3A_7 = tpu.memref_slice %arg2[%dma_start3A_5, %dma_start3A_6] : memref<1000000x64xf32, #tpu.memory_space<hbm>> -> memref<1000000x64xf32, #tpu.memory_space<hbm>>
    tpu.enqueue_indirect_dma source(%dma_start3A_7 : memref<1000000x64xf32, #tpu.memory_space<hbm>>) target(%arg6 : memref<256x64xf32, #tpu.memory_space<vmem>>) offsets(%dma_start3A : memref<256xi32, #tpu.memory_space<vmem>>) semaphore(%arg10 : memref<!tpu.dma_semaphore, #tpu.memory_space<semaphore_mem>>)
    %multiple_of3A_8 = arith.constant 256 : i32
    %multiple_of3A_9 = tpu.assume_multiple %multiple_of3A_8, 256 : i32
    %dma_start3A_10 = tpu.memref_slice %arg5[%multiple_of3A_9] : memref<25600xi32, #tpu.memory_space<vmem>> -> memref<256xi32, #tpu.memory_space<vmem>>
    %dma_start3A_11 = arith.constant 0 : i32
    %dma_start3A_12 = arith.constant 0 : i32
    %dma_start3A_13 = tpu.memref_slice %arg2[%dma_start3A_11, %dma_start3A_12] : memref<1000000x64xf32, #tpu.memory_space<hbm>> -> memref<1000000x64xf32, #tpu.memory_space<hbm>>
    tpu.enqueue_indirect_dma source(%dma_start3A_13 : memref<1000000x64xf32, #tpu.memory_space<hbm>>) target(%arg7 : memref<256x64xf32, #tpu.memory_space<vmem>>) offsets(%dma_start3A_10 : memref<256xi32, #tpu.memory_space<vmem>>) semaphore(%arg11 : memref<!tpu.dma_semaphore, #tpu.memory_space<semaphore_mem>>)
    %multiple_of3A_14 = arith.constant 512 : i32
    %multiple_of3A_15 = tpu.assume_multiple %multiple_of3A_14, 256 : i32
    %dma_start3A_16 = tpu.memref_slice %arg5[%multiple_of3A_15] : memref<25600xi32, #tpu.memory_space<vmem>> -> memref<256xi32, #tpu.memory_space<vmem>>
    %dma_start3A_17 = arith.constant 0 : i32
    %dma_start3A_18 = arith.constant 0 : i32
    %dma_start3A_19 = tpu.memref_slice %arg2[%dma_start3A_17, %dma_start3A_18] : memref<1000000x64xf32, #tpu.memory_space<hbm>> -> memref<1000000x64xf32, #tpu.memory_space<hbm>>
    tpu.enqueue_indirect_dma source(%dma_start3A_19 : memref<1000000x64xf32, #tpu.memory_space<hbm>>) target(%arg8 : memref<256x64xf32, #tpu.memory_space<vmem>>) offsets(%dma_start3A_16 : memref<256xi32, #tpu.memory_space<vmem>>) semaphore(%arg12 : memref<!tpu.dma_semaphore, #tpu.memory_space<semaphore_mem>>)
    %multiple_of3A_20 = arith.constant 768 : i32
    %multiple_of3A_21 = tpu.assume_multiple %multiple_of3A_20, 256 : i32
    %dma_start3A_22 = tpu.memref_slice %arg5[%multiple_of3A_21] : memref<25600xi32, #tpu.memory_space<vmem>> -> memref<256xi32, #tpu.memory_space<vmem>>
    %dma_start3A_23 = arith.constant 0 : i32
    %dma_start3A_24 = arith.constant 0 : i32
    %dma_start3A_25 = tpu.memref_slice %arg2[%dma_start3A_23, %dma_start3A_24] : memref<1000000x64xf32, #tpu.memory_space<hbm>> -> memref<1000000x64xf32, #tpu.memory_space<hbm>>
    tpu.enqueue_indirect_dma source(%dma_start3A_25 : memref<1000000x64xf32, #tpu.memory_space<hbm>>) target(%arg9 : memref<256x64xf32, #tpu.memory_space<vmem>>) offsets(%dma_start3A_22 : memref<256xi32, #tpu.memory_space<vmem>>) semaphore(%arg13 : memref<!tpu.dma_semaphore, #tpu.memory_space<semaphore_mem>>)
    %dma_wait3A = arith.constant 0 : i32
    %dma_wait3A_26 = tpu.memref_slice %arg5[%dma_wait3A] : memref<25600xi32, #tpu.memory_space<vmem>> -> memref<256xi32, #tpu.memory_space<vmem>>
    %dma_wait3A_27 = arith.constant 0 : i32
    %dma_wait3A_28 = arith.constant 0 : i32
    %dma_wait3A_29 = tpu.memref_slice %arg2[%dma_wait3A_27, %dma_wait3A_28] : memref<1000000x64xf32, #tpu.memory_space<hbm>> -> memref<1000000x64xf32, #tpu.memory_space<hbm>>
    tpu.wait_indirect_dma semaphore(%arg10 : memref<!tpu.dma_semaphore, #tpu.memory_space<semaphore_mem>>) src(%dma_wait3A_29 : memref<1000000x64xf32, #tpu.memory_space<hbm>>) dst(%arg6 : memref<256x64xf32, #tpu.memory_space<vmem>>)
    %parallel_loop3A = arith.constant 0 : i32
    %parallel_loop3A_30 = arith.constant 256 : i32
    %parallel_loop3A_31 = arith.constant 1 : i32
    scf.for %parallel_loop3A_221 = %parallel_loop3A to %parallel_loop3A_30 step %parallel_loop3A_31  : i32 {
      %parallel_loop3A_222 = arith.index_cast %parallel_loop3A_221 : i32 to index
      %parallel_loop3A_223 = arith.constant 0 : index
      %parallel_loop3A_224 = tpu.vector_load %arg6[%parallel_loop3A_222, %parallel_loop3A_223] {strides = array<i32>} : memref<256x64xf32, #tpu.memory_space<vmem>>, vector<1x16xf32>,
      %parallel_loop3A_225 = vector.shape_cast %parallel_loop3A_224 : vector<1x16xf32> to vector<16xf32>
      %parallel_loop3A_226 = arith.constant 8.000000e+00 : f32
      %parallel_loop3A_227 = vector.broadcast %parallel_loop3A_226 : f32 to vector<16xf32>
      %parallel_loop3A_228 = arith.mulf %parallel_loop3A_225, %parallel_loop3A_227 : vector<16xf32>
      %parallel_loop3A_229 = arith.index_cast %parallel_loop3A_221 : i32 to index
      %parallel_loop3A_230 = arith.constant 0 : index
      %parallel_loop3A_231 = tpu.vector_load %arg6[%parallel_loop3A_229, %parallel_loop3A_230] {strides = array<i32>} : memref<256x64xf32, #tpu.memory_space<vmem>>, vector<1x16xf32>,
      %parallel_loop3A_232 = vector.shape_cast %parallel_loop3A_231 : vector<1x16xf32> to vector<16xf32>
      %parallel_loop3A_233 = vector.shape_cast %parallel_loop3A_228 : vector<16xf32> to vector<1x16xf32>
      tpu.vector_store %arg6[%parallel_loop3A_229, %parallel_loop3A_230], %parallel_loop3A_233 {strides = array<i32>} : memref<256x64xf32, #tpu.memory_space<vmem>>, vector<1x16xf32>,
      %parallel_loop3A_234 = arith.index_cast %parallel_loop3A_221 : i32 to index
      %parallel_loop3A_235 = arith.constant 16 : index
      %parallel_loop3A_236 = tpu.vector_load %arg6[%parallel_loop3A_234, %parallel_loop3A_235] {strides = array<i32>} : memref<256x64xf32, #tpu.memory_space<vmem>>, vector<1x16xf32>,
      %parallel_loop3A_237 = vector.shape_cast %parallel_loop3A_236 : vector<1x16xf32> to vector<16xf32>
      %parallel_loop3A_238 = arith.constant 8.000000e+00 : f32
      %parallel_loop3A_239 = vector.broadcast %parallel_loop3A_238 : f32 to vector<16xf32>
      %parallel_loop3A_240 = arith.mulf %parallel_loop3A_237, %parallel_loop3A_239 : vector<16xf32>
      %parallel_loop3A_241 = arith.index_cast %parallel_loop3A_221 : i32 to index
      %parallel_loop3A_242 = arith.constant 16 : index
      %parallel_loop3A_243 = tpu.vector_load %arg6[%parallel_loop3A_241, %parallel_loop3A_242] {strides = array<i32>} : memref<256x64xf32, #tpu.memory_space<vmem>>, vector<1x16xf32>,
      %parallel_loop3A_244 = vector.shape_cast %parallel_loop3A_243 : vector<1x16xf32> to vector<16xf32>
      %parallel_loop3A_245 = vector.shape_cast %parallel_loop3A_240 : vector<16xf32> to vector<1x16xf32>
      tpu.vector_store %arg6[%parallel_loop3A_241, %parallel_loop3A_242], %parallel_loop3A_245 {strides = array<i32>} : memref<256x64xf32, #tpu.memory_space<vmem>>, vector<1x16xf32>,
      %parallel_loop3A_246 = arith.index_cast %parallel_loop3A_221 : i32 to index
      %parallel_loop3A_247 = arith.constant 32 : index
      %parallel_loop3A_248 = tpu.vector_load %arg6[%parallel_loop3A_246, %parallel_loop3A_247] {strides = array<i32>} : memref<256x64xf32, #tpu.memory_space<vmem>>, vector<1x16xf32>,
      %parallel_loop3A_249 = vector.shape_cast %parallel_loop3A_248 : vector<1x16xf32> to vector<16xf32>
      %parallel_loop3A_250 = arith.constant 8.000000e+00 : f32
      %parallel_loop3A_251 = vector.broadcast %parallel_loop3A_250 : f32 to vector<16xf32>
      %parallel_loop3A_252 = arith.mulf %parallel_loop3A_249, %parallel_loop3A_251 : vector<16xf32>
      %parallel_loop3A_253 = arith.index_cast %parallel_loop3A_221 : i32 to index
      %parallel_loop3A_254 = arith.constant 32 : index
      %parallel_loop3A_255 = tpu.vector_load %arg6[%parallel_loop3A_253, %parallel_loop3A_254] {strides = array<i32>} : memref<256x64xf32, #tpu.memory_space<vmem>>, vector<1x16xf32>,
      %parallel_loop3A_256 = vector.shape_cast %parallel_loop3A_255 : vector<1x16xf32> to vector<16xf32>
      %parallel_loop3A_257 = vector.shape_cast %parallel_loop3A_252 : vector<16xf32> to vector<1x16xf32>
      tpu.vector_store %arg6[%parallel_loop3A_253, %parallel_loop3A_254], %parallel_loop3A_257 {strides = array<i32>} : memref<256x64xf32, #tpu.memory_space<vmem>>, vector<1x16xf32>,
      %parallel_loop3A_258 = arith.index_cast %parallel_loop3A_221 : i32 to index
      %parallel_loop3A_259 = arith.constant 48 : index
      %parallel_loop3A_260 = tpu.vector_load %arg6[%parallel_loop3A_258, %parallel_loop3A_259] {strides = array<i32>} : memref<256x64xf32, #tpu.memory_space<vmem>>, vector<1x16xf32>,
      %parallel_loop3A_261 = vector.shape_cast %parallel_loop3A_260 : vector<1x16xf32> to vector<16xf32>
      %parallel_loop3A_262 = arith.constant 8.000000e+00 : f32
      %parallel_loop3A_263 = vector.broadcast %parallel_loop3A_262 : f32 to vector<16xf32>
      %parallel_loop3A_264 = arith.mulf %parallel_loop3A_261, %parallel_loop3A_263 : vector<16xf32>
      %parallel_loop3A_265 = arith.index_cast %parallel_loop3A_221 : i32 to index
      %parallel_loop3A_266 = arith.constant 48 : index
      %parallel_loop3A_267 = tpu.vector_load %arg6[%parallel_loop3A_265, %parallel_loop3A_266] {strides = array<i32>} : memref<256x64xf32, #tpu.memory_space<vmem>>, vector<1x16xf32>,
      %parallel_loop3A_268 = vector.shape_cast %parallel_loop3A_267 : vector<1x16xf32> to vector<16xf32>
      %parallel_loop3A_269 = vector.shape_cast %parallel_loop3A_264 : vector<16xf32> to vector<1x16xf32>
      tpu.vector_store %arg6[%parallel_loop3A_265, %parallel_loop3A_266], %parallel_loop3A_269 {strides = array<i32>} : memref<256x64xf32, #tpu.memory_space<vmem>>, vector<1x16xf32>,
    } {sc.loop_unroll_factor = 8 : i64, sc.parallel_access}
    %add3A_32 = arith.constant 0 : i32
    %add3A_33 = arith.addi %multiple_of3A, %add3A_32 : i32
    %multiple_of3A_34 = tpu.assume_multiple %add3A_33, 256 : i32
    %dma_start3A_35 = arith.constant 0 : i32
    %dma_start3A_36 = tpu.memref_slice %arg4[%multiple_of3A_34, %dma_start3A_35] : memref<819200x64xf32, #tpu.memory_space<hbm>> -> memref<256x64xf32, #tpu.memory_space<hbm>>
    %dma_start3A_37 = arith.constant 0 : i32
    %dma_start3A_38 = tpu.memref_slice %arg4[%multiple_of3A_34, %dma_start3A_37] : memref<819200x64xf32, #tpu.memory_space<hbm>> -> memref<256x64xf32, #tpu.memory_space<hbm>>
    tpu.enqueue_dma source(%arg6 : memref<256x64xf32, #tpu.memory_space<vmem>>) target(%dma_start3A_38 : memref<256x64xf32, #tpu.memory_space<hbm>>) target_semaphore(%arg14 : memref<!tpu.dma_semaphore, #tpu.memory_space<semaphore_mem>>)
    %dma_wait3A_39 = arith.constant 0 : i32
    %dma_wait3A_40 = arith.constant 0 : i32
    %dma_wait3A_41 = tpu.memref_slice %arg4[%dma_wait3A_39, %dma_wait3A_40] : memref<819200x64xf32, #tpu.memory_space<hbm>> -> memref<256x64xf32, #tpu.memory_space<hbm>>
    %dma_wait3A_42 = arith.constant 0 : i32
    %dma_wait3A_43 = arith.constant 0 : i32
    %dma_wait3A_44 = tpu.memref_slice %arg4[%dma_wait3A_42, %dma_wait3A_43] : memref<819200x64xf32, #tpu.memory_space<hbm>> -> memref<256x64xf32, #tpu.memory_space<hbm>>
    tpu.wait_dma2 semaphore(%arg14 : memref<!tpu.dma_semaphore, #tpu.memory_space<semaphore_mem>>) src(%arg6 : memref<256x64xf32, #tpu.memory_space<vmem>>) dst(%dma_wait3A_44 : memref<256x64xf32, #tpu.memory_space<hbm>>)
    %multiple_of3A_45 = arith.constant 1024 : i32
    %multiple_of3A_46 = tpu.assume_multiple %multiple_of3A_45, 256 : i32
    %dma_start3A_47 = tpu.memref_slice %arg5[%multiple_of3A_46] : memref<25600xi32, #tpu.memory_space<vmem>> -> memref<256xi32, #tpu.memory_space<vmem>>
    %dma_start3A_48 = arith.constant 0 : i32
    %dma_start3A_49 = arith.constant 0 : i32
    %dma_start3A_50 = tpu.memref_slice %arg2[%dma_start3A_48, %dma_start3A_49] : memref<1000000x64xf32, #tpu.memory_space<hbm>> -> memref<1000000x64xf32, #tpu.memory_space<hbm>>
    tpu.enqueue_indirect_dma source(%dma_start3A_50 : memref<1000000x64xf32, #tpu.memory_space<hbm>>) target(%arg6 : memref<256x64xf32, #tpu.memory_space<vmem>>) offsets(%dma_start3A_47 : memref<256xi32, #tpu.memory_space<vmem>>) semaphore(%arg10 : memref<!tpu.dma_semaphore, #tpu.memory_space<semaphore_mem>>)
    %dma_wait3A_51 = arith.constant 0 : i32
    %dma_wait3A_52 = tpu.memref_slice %arg5[%dma_wait3A_51] : memref<25600xi32, #tpu.memory_space<vmem>> -> memref<256xi32, #tpu.memory_space<vmem>>
    %dma_wait3A_53 = arith.constant 0 : i32
    %dma_wait3A_54 = arith.constant 0 : i32
    %dma_wait3A_55 = tpu.memref_slice %arg2[%dma_wait3A_53, %dma_wait3A_54] : memref<1000000x64xf32, #tpu.memory_space<hbm>> -> memref<1000000x64xf32, #tpu.memory_space<hbm>>
    tpu.wait_indirect_dma semaphore(%arg11 : memref<!tpu.dma_semaphore, #tpu.memory_space<semaphore_mem>>) src(%dma_wait3A_55 : memref<1000000x64xf32, #tpu.memory_space<hbm>>) dst(%arg7 : memref<256x64xf32, #tpu.memory_space<vmem>>)
    %parallel_loop3A_56 = arith.constant 0 : i32
    %parallel_loop3A_57 = arith.constant 256 : i32
    %parallel_loop3A_58 = arith.constant 1 : i32
    scf.for %parallel_loop3A_221 = %parallel_loop3A_56 to %parallel_loop3A_57 step %parallel_loop3A_58  : i32 {
      %parallel_loop3A_222 = arith.index_cast %parallel_loop3A_221 : i32 to index
      %parallel_loop3A_223 = arith.constant 0 : index
      %parallel_loop3A_224 = tpu.vector_load %arg7[%parallel_loop3A_222, %parallel_loop3A_223] {strides = array<i32>} : memref<256x64xf32, #tpu.memory_space<vmem>>, vector<1x16xf32>,
      %parallel_loop3A_225 = vector.shape_cast %parallel_loop3A_224 : vector<1x16xf32> to vector<16xf32>
      %parallel_loop3A_226 = arith.constant 8.000000e+00 : f32
      %parallel_loop3A_227 = vector.broadcast %parallel_loop3A_226 : f32 to vector<16xf32>
      %parallel_loop3A_228 = arith.mulf %parallel_loop3A_225, %parallel_loop3A_227 : vector<16xf32>
      %parallel_loop3A_229 = arith.index_cast %parallel_loop3A_221 : i32 to index
      %parallel_loop3A_230 = arith.constant 0 : index
      %parallel_loop3A_231 = tpu.vector_load %arg7[%parallel_loop3A_229, %parallel_loop3A_230] {strides = array<i32>} : memref<256x64xf32, #tpu.memory_space<vmem>>, vector<1x16xf32>,
      %parallel_loop3A_232 = vector.shape_cast %parallel_loop3A_231 : vector<1x16xf32> to vector<16xf32>
      %parallel_loop3A_233 = vector.shape_cast %parallel_loop3A_228 : vector<16xf32> to vector<1x16xf32>
      tpu.vector_store %arg7[%parallel_loop3A_229, %parallel_loop3A_230], %parallel_loop3A_233 {strides = array<i32>} : memref<256x64xf32, #tpu.memory_space<vmem>>, vector<1x16xf32>,
      %parallel_loop3A_234 = arith.index_cast %parallel_loop3A_221 : i32 to index
      %parallel_loop3A_235 = arith.constant 16 : index
      %parallel_loop3A_236 = tpu.vector_load %arg7[%parallel_loop3A_234, %parallel_loop3A_235] {strides = array<i32>} : memref<256x64xf32, #tpu.memory_space<vmem>>, vector<1x16xf32>,
      %parallel_loop3A_237 = vector.shape_cast %parallel_loop3A_236 : vector<1x16xf32> to vector<16xf32>
      %parallel_loop3A_238 = arith.constant 8.000000e+00 : f32
      %parallel_loop3A_239 = vector.broadcast %parallel_loop3A_238 : f32 to vector<16xf32>
      %parallel_loop3A_240 = arith.mulf %parallel_loop3A_237, %parallel_loop3A_239 : vector<16xf32>
      %parallel_loop3A_241 = arith.index_cast %parallel_loop3A_221 : i32 to index
      %parallel_loop3A_242 = arith.constant 16 : index
      %parallel_loop3A_243 = tpu.vector_load %arg7[%parallel_loop3A_241, %parallel_loop3A_242] {strides = array<i32>} : memref<256x64xf32, #tpu.memory_space<vmem>>, vector<1x16xf32>,
      %parallel_loop3A_244 = vector.shape_cast %parallel_loop3A_243 : vector<1x16xf32> to vector<16xf32>
      %parallel_loop3A_245 = vector.shape_cast %parallel_loop3A_240 : vector<16xf32> to vector<1x16xf32>
      tpu.vector_store %arg7[%parallel_loop3A_241, %parallel_loop3A_242], %parallel_loop3A_245 {strides = array<i32>} : memref<256x64xf32, #tpu.memory_space<vmem>>, vector<1x16xf32>,
      %parallel_loop3A_246 = arith.index_cast %parallel_loop3A_221 : i32 to index
      %parallel_loop3A_247 = arith.constant 32 : index
      %parallel_loop3A_248 = tpu.vector_load %arg7[%parallel_loop3A_246, %parallel_loop3A_247] {strides = array<i32>} : memref<256x64xf32, #tpu.memory_space<vmem>>, vector<1x16xf32>,
      %parallel_loop3A_249 = vector.shape_cast %parallel_loop3A_248 : vector<1x16xf32> to vector<16xf32>
      %parallel_loop3A_250 = arith.constant 8.000000e+00 : f32
      %parallel_loop3A_251 = vector.broadcast %parallel_loop3A_250 : f32 to vector<16xf32>
      %parallel_loop3A_252 = arith.mulf %parallel_loop3A_249, %parallel_loop3A_251 : vector<16xf32>
      %parallel_loop3A_253 = arith.index_cast %parallel_loop3A_221 : i32 to index
      %parallel_loop3A_254 = arith.constant 32 : index
      %parallel_loop3A_255 = tpu.vector_load %arg7[%parallel_loop3A_253, %parallel_loop3A_254] {strides = array<i32>} : memref<256x64xf32, #tpu.memory_space<vmem>>, vector<1x16xf32>,
      %parallel_loop3A_256 = vector.shape_cast %parallel_loop3A_255 : vector<1x16xf32> to vector<16xf32>
      %parallel_loop3A_257 = vector.shape_cast %parallel_loop3A_252 : vector<16xf32> to vector<1x16xf32>
      tpu.vector_store %arg7[%parallel_loop3A_253, %parallel_loop3A_254], %parallel_loop3A_257 {strides = array<i32>} : memref<256x64xf32, #tpu.memory_space<vmem>>, vector<1x16xf32>,
      %parallel_loop3A_258 = arith.index_cast %parallel_loop3A_221 : i32 to index
      %parallel_loop3A_259 = arith.constant 48 : index
      %parallel_loop3A_260 = tpu.vector_load %arg7[%parallel_loop3A_258, %parallel_loop3A_259] {strides = array<i32>} : memref<256x64xf32, #tpu.memory_space<vmem>>, vector<1x16xf32>,
      %parallel_loop3A_261 = vector.shape_cast %parallel_loop3A_260 : vector<1x16xf32> to vector<16xf32>
      %parallel_loop3A_262 = arith.constant 8.000000e+00 : f32
      %parallel_loop3A_263 = vector.broadcast %parallel_loop3A_262 : f32 to vector<16xf32>
      %parallel_loop3A_264 = arith.mulf %parallel_loop3A_261, %parallel_loop3A_263 : vector<16xf32>
      %parallel_loop3A_265 = arith.index_cast %parallel_loop3A_221 : i32 to index
      %parallel_loop3A_266 = arith.constant 48 : index
      %parallel_loop3A_267 = tpu.vector_load %arg7[%parallel_loop3A_265, %parallel_loop3A_266] {strides = array<i32>} : memref<256x64xf32, #tpu.memory_space<vmem>>, vector<1x16xf32>,
      %parallel_loop3A_268 = vector.shape_cast %parallel_loop3A_267 : vector<1x16xf32> to vector<16xf32>
      %parallel_loop3A_269 = vector.shape_cast %parallel_loop3A_264 : vector<16xf32> to vector<1x16xf32>
      tpu.vector_store %arg7[%parallel_loop3A_265, %parallel_loop3A_266], %parallel_loop3A_269 {strides = array<i32>} : memref<256x64xf32, #tpu.memory_space<vmem>>, vector<1x16xf32>,
    } {sc.loop_unroll_factor = 8 : i64, sc.parallel_access}
    %add3A_59 = arith.constant 256 : i32
    %add3A_60 = arith.addi %multiple_of3A, %add3A_59 : i32
    %multiple_of3A_61 = tpu.assume_multiple %add3A_60, 256 : i32
    %dma_start3A_62 = arith.constant 0 : i32
    %dma_start3A_63 = tpu.memref_slice %arg4[%multiple_of3A_61, %dma_start3A_62] : memref<819200x64xf32, #tpu.memory_space<hbm>> -> memref<256x64xf32, #tpu.memory_space<hbm>>
    %dma_start3A_64 = arith.constant 0 : i32
    %dma_start3A_65 = tpu.memref_slice %arg4[%multiple_of3A_61, %dma_start3A_64] : memref<819200x64xf32, #tpu.memory_space<hbm>> -> memref<256x64xf32, #tpu.memory_space<hbm>>
    tpu.enqueue_dma source(%arg7 : memref<256x64xf32, #tpu.memory_space<vmem>>) target(%dma_start3A_65 : memref<256x64xf32, #tpu.memory_space<hbm>>) target_semaphore(%arg15 : memref<!tpu.dma_semaphore, #tpu.memory_space<semaphore_mem>>)
    %dma_wait3A_66 = arith.constant 0 : i32
    %dma_wait3A_67 = arith.constant 0 : i32
    %dma_wait3A_68 = tpu.memref_slice %arg4[%dma_wait3A_66, %dma_wait3A_67] : memref<819200x64xf32, #tpu.memory_space<hbm>> -> memref<256x64xf32, #tpu.memory_space<hbm>>
    %dma_wait3A_69 = arith.constant 0 : i32
    %dma_wait3A_70 = arith.constant 0 : i32
    %dma_wait3A_71 = tpu.memref_slice %arg4[%dma_wait3A_69, %dma_wait3A_70] : memref<819200x64xf32, #tpu.memory_space<hbm>> -> memref<256x64xf32, #tpu.memory_space<hbm>>
    tpu.wait_dma2 semaphore(%arg15 : memref<!tpu.dma_semaphore, #tpu.memory_space<semaphore_mem>>) src(%arg7 : memref<256x64xf32, #tpu.memory_space<vmem>>) dst(%dma_wait3A_71 : memref<256x64xf32, #tpu.memory_space<hbm>>)
    %multiple_of3A_72 = arith.constant 1280 : i32
    %multiple_of3A_73 = tpu.assume_multiple %multiple_of3A_72, 256 : i32
    %dma_start3A_74 = tpu.memref_slice %arg5[%multiple_of3A_73] : memref<25600xi32, #tpu.memory_space<vmem>> -> memref<256xi32, #tpu.memory_space<vmem>>
    %dma_start3A_75 = arith.constant 0 : i32
    %dma_start3A_76 = arith.constant 0 : i32
    %dma_start3A_77 = tpu.memref_slice %arg2[%dma_start3A_75, %dma_start3A_76] : memref<1000000x64xf32, #tpu.memory_space<hbm>> -> memref<1000000x64xf32, #tpu.memory_space<hbm>>
    tpu.enqueue_indirect_dma source(%dma_start3A_77 : memref<1000000x64xf32, #tpu.memory_space<hbm>>) target(%arg7 : memref<256x64xf32, #tpu.memory_space<vmem>>) offsets(%dma_start3A_74 : memref<256xi32, #tpu.memory_space<vmem>>) semaphore(%arg11 : memref<!tpu.dma_semaphore, #tpu.memory_space<semaphore_mem>>)
    %dma_wait3A_78 = arith.constant 0 : i32
    %dma_wait3A_79 = tpu.memref_slice %arg5[%dma_wait3A_78] : memref<25600xi32, #tpu.memory_space<vmem>> -> memref<256xi32, #tpu.memory_space<vmem>>
    %dma_wait3A_80 = arith.constant 0 : i32
    %dma_wait3A_81 = arith.constant 0 : i32
    %dma_wait3A_82 = tpu.memref_slice %arg2[%dma_wait3A_80, %dma_wait3A_81] : memref<1000000x64xf32, #tpu.memory_space<hbm>> -> memref<1000000x64xf32, #tpu.memory_space<hbm>>
    tpu.wait_indirect_dma semaphore(%arg12 : memref<!tpu.dma_semaphore, #tpu.memory_space<semaphore_mem>>) src(%dma_wait3A_82 : memref<1000000x64xf32, #tpu.memory_space<hbm>>) dst(%arg8 : memref<256x64xf32, #tpu.memory_space<vmem>>)
    %parallel_loop3A_83 = arith.constant 0 : i32
    %parallel_loop3A_84 = arith.constant 256 : i32
    %parallel_loop3A_85 = arith.constant 1 : i32
    scf.for %parallel_loop3A_221 = %parallel_loop3A_83 to %parallel_loop3A_84 step %parallel_loop3A_85  : i32 {
      %parallel_loop3A_222 = arith.index_cast %parallel_loop3A_221 : i32 to index
      %parallel_loop3A_223 = arith.constant 0 : index
      %parallel_loop3A_224 = tpu.vector_load %arg8[%parallel_loop3A_222, %parallel_loop3A_223] {strides = array<i32>} : memref<256x64xf32, #tpu.memory_space<vmem>>, vector<1x16xf32>,
      %parallel_loop3A_225 = vector.shape_cast %parallel_loop3A_224 : vector<1x16xf32> to vector<16xf32>
      %parallel_loop3A_226 = arith.constant 8.000000e+00 : f32
      %parallel_loop3A_227 = vector.broadcast %parallel_loop3A_226 : f32 to vector<16xf32>
      %parallel_loop3A_228 = arith.mulf %parallel_loop3A_225, %parallel_loop3A_227 : vector<16xf32>
      %parallel_loop3A_229 = arith.index_cast %parallel_loop3A_221 : i32 to index
      %parallel_loop3A_230 = arith.constant 0 : index
      %parallel_loop3A_231 = tpu.vector_load %arg8[%parallel_loop3A_229, %parallel_loop3A_230] {strides = array<i32>} : memref<256x64xf32, #tpu.memory_space<vmem>>, vector<1x16xf32>,
      %parallel_loop3A_232 = vector.shape_cast %parallel_loop3A_231 : vector<1x16xf32> to vector<16xf32>
      %parallel_loop3A_233 = vector.shape_cast %parallel_loop3A_228 : vector<16xf32> to vector<1x16xf32>
      tpu.vector_store %arg8[%parallel_loop3A_229, %parallel_loop3A_230], %parallel_loop3A_233 {strides = array<i32>} : memref<256x64xf32, #tpu.memory_space<vmem>>, vector<1x16xf32>,
      %parallel_loop3A_234 = arith.index_cast %parallel_loop3A_221 : i32 to index
      %parallel_loop3A_235 = arith.constant 16 : index
      %parallel_loop3A_236 = tpu.vector_load %arg8[%parallel_loop3A_234, %parallel_loop3A_235] {strides = array<i32>} : memref<256x64xf32, #tpu.memory_space<vmem>>, vector<1x16xf32>,
      %parallel_loop3A_237 = vector.shape_cast %parallel_loop3A_236 : vector<1x16xf32> to vector<16xf32>
      %parallel_loop3A_238 = arith.constant 8.000000e+00 : f32
      %parallel_loop3A_239 = vector.broadcast %parallel_loop3A_238 : f32 to vector<16xf32>
      %parallel_loop3A_240 = arith.mulf %parallel_loop3A_237, %parallel_loop3A_239 : vector<16xf32>
      %parallel_loop3A_241 = arith.index_cast %parallel_loop3A_221 : i32 to index
      %parallel_loop3A_242 = arith.constant 16 : index
      %parallel_loop3A_243 = tpu.vector_load %arg8[%parallel_loop3A_241, %parallel_loop3A_242] {strides = array<i32>} : memref<256x64xf32, #tpu.memory_space<vmem>>, vector<1x16xf32>,
      %parallel_loop3A_244 = vector.shape_cast %parallel_loop3A_243 : vector<1x16xf32> to vector<16xf32>
      %parallel_loop3A_245 = vector.shape_cast %parallel_loop3A_240 : vector<16xf32> to vector<1x16xf32>
      tpu.vector_store %arg8[%parallel_loop3A_241, %parallel_loop3A_242], %parallel_loop3A_245 {strides = array<i32>} : memref<256x64xf32, #tpu.memory_space<vmem>>, vector<1x16xf32>,
      %parallel_loop3A_246 = arith.index_cast %parallel_loop3A_221 : i32 to index
      %parallel_loop3A_247 = arith.constant 32 : index
      %parallel_loop3A_248 = tpu.vector_load %arg8[%parallel_loop3A_246, %parallel_loop3A_247] {strides = array<i32>} : memref<256x64xf32, #tpu.memory_space<vmem>>, vector<1x16xf32>,
      %parallel_loop3A_249 = vector.shape_cast %parallel_loop3A_248 : vector<1x16xf32> to vector<16xf32>
      %parallel_loop3A_250 = arith.constant 8.000000e+00 : f32
      %parallel_loop3A_251 = vector.broadcast %parallel_loop3A_250 : f32 to vector<16xf32>
      %parallel_loop3A_252 = arith.mulf %parallel_loop3A_249, %parallel_loop3A_251 : vector<16xf32>
      %parallel_loop3A_253 = arith.index_cast %parallel_loop3A_221 : i32 to index
      %parallel_loop3A_254 = arith.constant 32 : index
      %parallel_loop3A_255 = tpu.vector_load %arg8[%parallel_loop3A_253, %parallel_loop3A_254] {strides = array<i32>} : memref<256x64xf32, #tpu.memory_space<vmem>>, vector<1x16xf32>,
      %parallel_loop3A_256 = vector.shape_cast %parallel_loop3A_255 : vector<1x16xf32> to vector<16xf32>
      %parallel_loop3A_257 = vector.shape_cast %parallel_loop3A_252 : vector<16xf32> to vector<1x16xf32>
      tpu.vector_store %arg8[%parallel_loop3A_253, %parallel_loop3A_254], %parallel_loop3A_257 {strides = array<i32>} : memref<256x64xf32, #tpu.memory_space<vmem>>, vector<1x16xf32>,
      %parallel_loop3A_258 = arith.index_cast %parallel_loop3A_221 : i32 to index
      %parallel_loop3A_259 = arith.constant 48 : index
      %parallel_loop3A_260 = tpu.vector_load %arg8[%parallel_loop3A_258, %parallel_loop3A_259] {strides = array<i32>} : memref<256x64xf32, #tpu.memory_space<vmem>>, vector<1x16xf32>,
      %parallel_loop3A_261 = vector.shape_cast %parallel_loop3A_260 : vector<1x16xf32> to vector<16xf32>
      %parallel_loop3A_262 = arith.constant 8.000000e+00 : f32
      %parallel_loop3A_263 = vector.broadcast %parallel_loop3A_262 : f32 to vector<16xf32>
      %parallel_loop3A_264 = arith.mulf %parallel_loop3A_261, %parallel_loop3A_263 : vector<16xf32>
      %parallel_loop3A_265 = arith.index_cast %parallel_loop3A_221 : i32 to index
      %parallel_loop3A_266 = arith.constant 48 : index
      %parallel_loop3A_267 = tpu.vector_load %arg8[%parallel_loop3A_265, %parallel_loop3A_266] {strides = array<i32>} : memref<256x64xf32, #tpu.memory_space<vmem>>, vector<1x16xf32>,
      %parallel_loop3A_268 = vector.shape_cast %parallel_loop3A_267 : vector<1x16xf32> to vector<16xf32>
      %parallel_loop3A_269 = vector.shape_cast %parallel_loop3A_264 : vector<16xf32> to vector<1x16xf32>
      tpu.vector_store %arg8[%parallel_loop3A_265, %parallel_loop3A_266], %parallel_loop3A_269 {strides = array<i32>} : memref<256x64xf32, #tpu.memory_space<vmem>>, vector<1x16xf32>,
    } {sc.loop_unroll_factor = 8 : i64, sc.parallel_access}
    %add3A_86 = arith.constant 512 : i32
    %add3A_87 = arith.addi %multiple_of3A, %add3A_86 : i32
    %multiple_of3A_88 = tpu.assume_multiple %add3A_87, 256 : i32
    %dma_start3A_89 = arith.constant 0 : i32
    %dma_start3A_90 = tpu.memref_slice %arg4[%multiple_of3A_88, %dma_start3A_89] : memref<819200x64xf32, #tpu.memory_space<hbm>> -> memref<256x64xf32, #tpu.memory_space<hbm>>
    %dma_start3A_91 = arith.constant 0 : i32
    %dma_start3A_92 = tpu.memref_slice %arg4[%multiple_of3A_88, %dma_start3A_91] : memref<819200x64xf32, #tpu.memory_space<hbm>> -> memref<256x64xf32, #tpu.memory_space<hbm>>
    tpu.enqueue_dma source(%arg8 : memref<256x64xf32, #tpu.memory_space<vmem>>) target(%dma_start3A_92 : memref<256x64xf32, #tpu.memory_space<hbm>>) target_semaphore(%arg16 : memref<!tpu.dma_semaphore, #tpu.memory_space<semaphore_mem>>)
    %dma_wait3A_93 = arith.constant 0 : i32
    %dma_wait3A_94 = arith.constant 0 : i32
    %dma_wait3A_95 = tpu.memref_slice %arg4[%dma_wait3A_93, %dma_wait3A_94] : memref<819200x64xf32, #tpu.memory_space<hbm>> -> memref<256x64xf32, #tpu.memory_space<hbm>>
    %dma_wait3A_96 = arith.constant 0 : i32
    %dma_wait3A_97 = arith.constant 0 : i32
    %dma_wait3A_98 = tpu.memref_slice %arg4[%dma_wait3A_96, %dma_wait3A_97] : memref<819200x64xf32, #tpu.memory_space<hbm>> -> memref<256x64xf32, #tpu.memory_space<hbm>>
    tpu.wait_dma2 semaphore(%arg16 : memref<!tpu.dma_semaphore, #tpu.memory_space<semaphore_mem>>) src(%arg8 : memref<256x64xf32, #tpu.memory_space<vmem>>) dst(%dma_wait3A_98 : memref<256x64xf32, #tpu.memory_space<hbm>>)
    %multiple_of3A_99 = arith.constant 1536 : i32
    %multiple_of3A_100 = tpu.assume_multiple %multiple_of3A_99, 256 : i32
    %dma_start3A_101 = tpu.memref_slice %arg5[%multiple_of3A_100] : memref<25600xi32, #tpu.memory_space<vmem>> -> memref<256xi32, #tpu.memory_space<vmem>>
    %dma_start3A_102 = arith.constant 0 : i32
    %dma_start3A_103 = arith.constant 0 : i32
    %dma_start3A_104 = tpu.memref_slice %arg2[%dma_start3A_102, %dma_start3A_103] : memref<1000000x64xf32, #tpu.memory_space<hbm>> -> memref<1000000x64xf32, #tpu.memory_space<hbm>>
    tpu.enqueue_indirect_dma source(%dma_start3A_104 : memref<1000000x64xf32, #tpu.memory_space<hbm>>) target(%arg8 : memref<256x64xf32, #tpu.memory_space<vmem>>) offsets(%dma_start3A_101 : memref<256xi32, #tpu.memory_space<vmem>>) semaphore(%arg12 : memref<!tpu.dma_semaphore, #tpu.memory_space<semaphore_mem>>)
    %dma_wait3A_105 = arith.constant 0 : i32
    %dma_wait3A_106 = tpu.memref_slice %arg5[%dma_wait3A_105] : memref<25600xi32, #tpu.memory_space<vmem>> -> memref<256xi32, #tpu.memory_space<vmem>>
    %dma_wait3A_107 = arith.constant 0 : i32
    %dma_wait3A_108 = arith.constant 0 : i32
    %dma_wait3A_109 = tpu.memref_slice %arg2[%dma_wait3A_107, %dma_wait3A_108] : memref<1000000x64xf32, #tpu.memory_space<hbm>> -> memref<1000000x64xf32, #tpu.memory_space<hbm>>
    tpu.wait_indirect_dma semaphore(%arg13 : memref<!tpu.dma_semaphore, #tpu.memory_space<semaphore_mem>>) src(%dma_wait3A_109 : memref<1000000x64xf32, #tpu.memory_space<hbm>>) dst(%arg9 : memref<256x64xf32, #tpu.memory_space<vmem>>)
    %parallel_loop3A_110 = arith.constant 0 : i32
    %parallel_loop3A_111 = arith.constant 256 : i32
    %parallel_loop3A_112 = arith.constant 1 : i32
    scf.for %parallel_loop3A_221 = %parallel_loop3A_110 to %parallel_loop3A_111 step %parallel_loop3A_112  : i32 {
      %parallel_loop3A_222 = arith.index_cast %parallel_loop3A_221 : i32 to index
      %parallel_loop3A_223 = arith.constant 0 : index
      %parallel_loop3A_224 = tpu.vector_load %arg9[%parallel_loop3A_222, %parallel_loop3A_223] {strides = array<i32>} : memref<256x64xf32, #tpu.memory_space<vmem>>, vector<1x16xf32>,
      %parallel_loop3A_225 = vector.shape_cast %parallel_loop3A_224 : vector<1x16xf32> to vector<16xf32>
      %parallel_loop3A_226 = arith.constant 8.000000e+00 : f32
      %parallel_loop3A_227 = vector.broadcast %parallel_loop3A_226 : f32 to vector<16xf32>
      %parallel_loop3A_228 = arith.mulf %parallel_loop3A_225, %parallel_loop3A_227 : vector<16xf32>
      %parallel_loop3A_229 = arith.index_cast %parallel_loop3A_221 : i32 to index
      %parallel_loop3A_230 = arith.constant 0 : index
      %parallel_loop3A_231 = tpu.vector_load %arg9[%parallel_loop3A_229, %parallel_loop3A_230] {strides = array<i32>} : memref<256x64xf32, #tpu.memory_space<vmem>>, vector<1x16xf32>,
      %parallel_loop3A_232 = vector.shape_cast %parallel_loop3A_231 : vector<1x16xf32> to vector<16xf32>
      %parallel_loop3A_233 = vector.shape_cast %parallel_loop3A_228 : vector<16xf32> to vector<1x16xf32>
      tpu.vector_store %arg9[%parallel_loop3A_229, %parallel_loop3A_230], %parallel_loop3A_233 {strides = array<i32>} : memref<256x64xf32, #tpu.memory_space<vmem>>, vector<1x16xf32>,
      %parallel_loop3A_234 = arith.index_cast %parallel_loop3A_221 : i32 to index
      %parallel_loop3A_235 = arith.constant 16 : index
      %parallel_loop3A_236 = tpu.vector_load %arg9[%parallel_loop3A_234, %parallel_loop3A_235] {strides = array<i32>} : memref<256x64xf32, #tpu.memory_space<vmem>>, vector<1x16xf32>,
      %parallel_loop3A_237 = vector.shape_cast %parallel_loop3A_236 : vector<1x16xf32> to vector<16xf32>
      %parallel_loop3A_238 = arith.constant 8.000000e+00 : f32
      %parallel_loop3A_239 = vector.broadcast %parallel_loop3A_238 : f32 to vector<16xf32>
      %parallel_loop3A_240 = arith.mulf %parallel_loop3A_237, %parallel_loop3A_239 : vector<16xf32>
      %parallel_loop3A_241 = arith.index_cast %parallel_loop3A_221 : i32 to index
      %parallel_loop3A_242 = arith.constant 16 : index
      %parallel_loop3A_243 = tpu.vector_load %arg9[%parallel_loop3A_241, %parallel_loop3A_242] {strides = array<i32>} : memref<256x64xf32, #tpu.memory_space<vmem>>, vector<1x16xf32>,
      %parallel_loop3A_244 = vector.shape_cast %parallel_loop3A_243 : vector<1x16xf32> to vector<16xf32>
      %parallel_loop3A_245 = vector.shape_cast %parallel_loop3A_240 : vector<16xf32> to vector<1x16xf32>
      tpu.vector_store %arg9[%parallel_loop3A_241, %parallel_loop3A_242], %parallel_loop3A_245 {strides = array<i32>} : memref<256x64xf32, #tpu.memory_space<vmem>>, vector<1x16xf32>,
      %parallel_loop3A_246 = arith.index_cast %parallel_loop3A_221 : i32 to index
      %parallel_loop3A_247 = arith.constant 32 : index
      %parallel_loop3A_248 = tpu.vector_load %arg9[%parallel_loop3A_246, %parallel_loop3A_247] {strides = array<i32>} : memref<256x64xf32, #tpu.memory_space<vmem>>, vector<1x16xf32>,
      %parallel_loop3A_249 = vector.shape_cast %parallel_loop3A_248 : vector<1x16xf32> to vector<16xf32>
      %parallel_loop3A_250 = arith.constant 8.000000e+00 : f32
      %parallel_loop3A_251 = vector.broadcast %parallel_loop3A_250 : f32 to vector<16xf32>
      %parallel_loop3A_252 = arith.mulf %parallel_loop3A_249, %parallel_loop3A_251 : vector<16xf32>
      %parallel_loop3A_253 = arith.index_cast %parallel_loop3A_221 : i32 to index
      %parallel_loop3A_254 = arith.constant 32 : index
      %parallel_loop3A_255 = tpu.vector_load %arg9[%parallel_loop3A_253, %parallel_loop3A_254] {strides = array<i32>} : memref<256x64xf32, #tpu.memory_space<vmem>>, vector<1x16xf32>,
      %parallel_loop3A_256 = vector.shape_cast %parallel_loop3A_255 : vector<1x16xf32> to vector<16xf32>
      %parallel_loop3A_257 = vector.shape_cast %parallel_loop3A_252 : vector<16xf32> to vector<1x16xf32>
      tpu.vector_store %arg9[%parallel_loop3A_253, %parallel_loop3A_254], %parallel_loop3A_257 {strides = array<i32>} : memref<256x64xf32, #tpu.memory_space<vmem>>, vector<1x16xf32>,
      %parallel_loop3A_258 = arith.index_cast %parallel_loop3A_221 : i32 to index
      %parallel_loop3A_259 = arith.constant 48 : index
      %parallel_loop3A_260 = tpu.vector_load %arg9[%parallel_loop3A_258, %parallel_loop3A_259] {strides = array<i32>} : memref<256x64xf32, #tpu.memory_space<vmem>>, vector<1x16xf32>,
      %parallel_loop3A_261 = vector.shape_cast %parallel_loop3A_260 : vector<1x16xf32> to vector<16xf32>
      %parallel_loop3A_262 = arith.constant 8.000000e+00 : f32
      %parallel_loop3A_263 = vector.broadcast %parallel_loop3A_262 : f32 to vector<16xf32>
      %parallel_loop3A_264 = arith.mulf %parallel_loop3A_261, %parallel_loop3A_263 : vector<16xf32>
      %parallel_loop3A_265 = arith.index_cast %parallel_loop3A_221 : i32 to index
      %parallel_loop3A_266 = arith.constant 48 : index
      %parallel_loop3A_267 = tpu.vector_load %arg9[%parallel_loop3A_265, %parallel_loop3A_266] {strides = array<i32>} : memref<256x64xf32, #tpu.memory_space<vmem>>, vector<1x16xf32>,
      %parallel_loop3A_268 = vector.shape_cast %parallel_loop3A_267 : vector<1x16xf32> to vector<16xf32>
      %parallel_loop3A_269 = vector.shape_cast %parallel_loop3A_264 : vector<16xf32> to vector<1x16xf32>
      tpu.vector_store %arg9[%parallel_loop3A_265, %parallel_loop3A_266], %parallel_loop3A_269 {strides = array<i32>} : memref<256x64xf32, #tpu.memory_space<vmem>>, vector<1x16xf32>,
    } {sc.loop_unroll_factor = 8 : i64, sc.parallel_access}
    %add3A_113 = arith.constant 768 : i32
    %add3A_114 = arith.addi %multiple_of3A, %add3A_113 : i32
    %multiple_of3A_115 = tpu.assume_multiple %add3A_114, 256 : i32
    %dma_start3A_116 = arith.constant 0 : i32
    %dma_start3A_117 = tpu.memref_slice %arg4[%multiple_of3A_115, %dma_start3A_116] : memref<819200x64xf32, #tpu.memory_space<hbm>> -> memref<256x64xf32, #tpu.memory_space<hbm>>
    %dma_start3A_118 = arith.constant 0 : i32
    %dma_start3A_119 = tpu.memref_slice %arg4[%multiple_of3A_115, %dma_start3A_118] : memref<819200x64xf32, #tpu.memory_space<hbm>> -> memref<256x64xf32, #tpu.memory_space<hbm>>
    tpu.enqueue_dma source(%arg9 : memref<256x64xf32, #tpu.memory_space<vmem>>) target(%dma_start3A_119 : memref<256x64xf32, #tpu.memory_space<hbm>>) target_semaphore(%arg17 : memref<!tpu.dma_semaphore, #tpu.memory_space<semaphore_mem>>)
    %scan3A = arith.constant 0 : i32
    %scan3A_120 = arith.constant 1 : i32
    %scan3A_121 = arith.constant 23 : i32
    %scan3A_122 = arith.addi %scan3A_120, %scan3A_121 : i32
    %scan3A_123 = arith.constant 1 : i32
    scf.for %scan3A_221 = %scan3A_120 to %scan3A_122 step %scan3A_123  : i32 {
      %mul3A_222 = arith.constant 4 : i32
      %mul3A_223 = arith.muli %scan3A_221, %mul3A_222 : i32
      %add3A_224 = arith.constant 0 : i32
      %add3A_225 = arith.addi %mul3A_223, %add3A_224 : i32
      %dma_wait3A_226 = arith.constant 0 : i32
      %dma_wait3A_227 = arith.constant 0 : i32
      %dma_wait3A_228 = tpu.memref_slice %arg4[%dma_wait3A_226, %dma_wait3A_227] : memref<819200x64xf32, #tpu.memory_space<hbm>> -> memref<256x64xf32, #tpu.memory_space<hbm>>
      %dma_wait3A_229 = arith.constant 0 : i32
      %dma_wait3A_230 = arith.constant 0 : i32
      %dma_wait3A_231 = tpu.memref_slice %arg4[%dma_wait3A_229, %dma_wait3A_230] : memref<819200x64xf32, #tpu.memory_space<hbm>> -> memref<256x64xf32, #tpu.memory_space<hbm>>
      tpu.wait_dma2 semaphore(%arg17 : memref<!tpu.dma_semaphore, #tpu.memory_space<semaphore_mem>>) src(%arg9 : memref<256x64xf32, #tpu.memory_space<vmem>>) dst(%dma_wait3A_231 : memref<256x64xf32, #tpu.memory_space<hbm>>)
      %add3A_232 = arith.constant 4 : i32
      %add3A_233 = arith.addi %add3A_225, %add3A_232 : i32
      %sub3A = arith.constant 1 : i32
      %sub3A_234 = arith.subi %add3A_233, %sub3A : i32
      %mul3A_235 = arith.constant 256 : i32
      %mul3A_236 = arith.muli %sub3A_234, %mul3A_235 : i32
      %multiple_of3A_237 = tpu.assume_multiple %mul3A_236, 256 : i32
      %dma_start3A_238 = tpu.memref_slice %arg5[%multiple_of3A_237] : memref<25600xi32, #tpu.memory_space<vmem>> -> memref<256xi32, #tpu.memory_space<vmem>>
      %dma_start3A_239 = arith.constant 0 : i32
      %dma_start3A_240 = arith.constant 0 : i32
      %dma_start3A_241 = tpu.memref_slice %arg2[%dma_start3A_239, %dma_start3A_240] : memref<1000000x64xf32, #tpu.memory_space<hbm>> -> memref<1000000x64xf32, #tpu.memory_space<hbm>>
      tpu.enqueue_indirect_dma source(%dma_start3A_241 : memref<1000000x64xf32, #tpu.memory_space<hbm>>) target(%arg9 : memref<256x64xf32, #tpu.memory_space<vmem>>) offsets(%dma_start3A_238 : memref<256xi32, #tpu.memory_space<vmem>>) semaphore(%arg13 : memref<!tpu.dma_semaphore, #tpu.memory_space<semaphore_mem>>)
      %dma_wait3A_242 = arith.constant 0 : i32
      %dma_wait3A_243 = tpu.memref_slice %arg5[%dma_wait3A_242] : memref<25600xi32, #tpu.memory_space<vmem>> -> memref<256xi32, #tpu.memory_space<vmem>>
      %dma_wait3A_244 = arith.constant 0 : i32
      %dma_wait3A_245 = arith.constant 0 : i32
      %dma_wait3A_246 = tpu.memref_slice %arg2[%dma_wait3A_244, %dma_wait3A_245] : memref<1000000x64xf32, #tpu.memory_space<hbm>> -> memref<1000000x64xf32, #tpu.memory_space<hbm>>
      tpu.wait_indirect_dma semaphore(%arg10 : memref<!tpu.dma_semaphore, #tpu.memory_space<semaphore_mem>>) src(%dma_wait3A_246 : memref<1000000x64xf32, #tpu.memory_space<hbm>>) dst(%arg6 : memref<256x64xf32, #tpu.memory_space<vmem>>)
      %parallel_loop3A_247 = arith.constant 0 : i32
      %parallel_loop3A_248 = arith.constant 256 : i32
      %parallel_loop3A_249 = arith.constant 1 : i32
      scf.for %parallel_loop3A_369 = %parallel_loop3A_247 to %parallel_loop3A_248 step %parallel_loop3A_249  : i32 {
        %parallel_loop3A_370 = arith.index_cast %parallel_loop3A_369 : i32 to index
        %parallel_loop3A_371 = arith.constant 0 : index
        %parallel_loop3A_372 = tpu.vector_load %arg6[%parallel_loop3A_370, %parallel_loop3A_371] {strides = array<i32>} : memref<256x64xf32, #tpu.memory_space<vmem>>, vector<1x16xf32>,
        %parallel_loop3A_373 = vector.shape_cast %parallel_loop3A_372 : vector<1x16xf32> to vector<16xf32>
        %parallel_loop3A_374 = arith.constant 8.000000e+00 : f32
        %parallel_loop3A_375 = vector.broadcast %parallel_loop3A_374 : f32 to vector<16xf32>
        %parallel_loop3A_376 = arith.mulf %parallel_loop3A_373, %parallel_loop3A_375 : vector<16xf32>
        %parallel_loop3A_377 = arith.index_cast %parallel_loop3A_369 : i32 to index
        %parallel_loop3A_378 = arith.constant 0 : index
        %parallel_loop3A_379 = tpu.vector_load %arg6[%parallel_loop3A_377, %parallel_loop3A_378] {strides = array<i32>} : memref<256x64xf32, #tpu.memory_space<vmem>>, vector<1x16xf32>,
        %parallel_loop3A_380 = vector.shape_cast %parallel_loop3A_379 : vector<1x16xf32> to vector<16xf32>
        %parallel_loop3A_381 = vector.shape_cast %parallel_loop3A_376 : vector<16xf32> to vector<1x16xf32>
        tpu.vector_store %arg6[%parallel_loop3A_377, %parallel_loop3A_378], %parallel_loop3A_381 {strides = array<i32>} : memref<256x64xf32, #tpu.memory_space<vmem>>, vector<1x16xf32>,
        %parallel_loop3A_382 = arith.index_cast %parallel_loop3A_369 : i32 to index
        %parallel_loop3A_383 = arith.constant 16 : index
        %parallel_loop3A_384 = tpu.vector_load %arg6[%parallel_loop3A_382, %parallel_loop3A_383] {strides = array<i32>} : memref<256x64xf32, #tpu.memory_space<vmem>>, vector<1x16xf32>,
        %parallel_loop3A_385 = vector.shape_cast %parallel_loop3A_384 : vector<1x16xf32> to vector<16xf32>
        %parallel_loop3A_386 = arith.constant 8.000000e+00 : f32
        %parallel_loop3A_387 = vector.broadcast %parallel_loop3A_386 : f32 to vector<16xf32>
        %parallel_loop3A_388 = arith.mulf %parallel_loop3A_385, %parallel_loop3A_387 : vector<16xf32>
        %parallel_loop3A_389 = arith.index_cast %parallel_loop3A_369 : i32 to index
        %parallel_loop3A_390 = arith.constant 16 : index
        %parallel_loop3A_391 = tpu.vector_load %arg6[%parallel_loop3A_389, %parallel_loop3A_390] {strides = array<i32>} : memref<256x64xf32, #tpu.memory_space<vmem>>, vector<1x16xf32>,
        %parallel_loop3A_392 = vector.shape_cast %parallel_loop3A_391 : vector<1x16xf32> to vector<16xf32>
        %parallel_loop3A_393 = vector.shape_cast %parallel_loop3A_388 : vector<16xf32> to vector<1x16xf32>
        tpu.vector_store %arg6[%parallel_loop3A_389, %parallel_loop3A_390], %parallel_loop3A_393 {strides = array<i32>} : memref<256x64xf32, #tpu.memory_space<vmem>>, vector<1x16xf32>,
        %parallel_loop3A_394 = arith.index_cast %parallel_loop3A_369 : i32 to index
        %parallel_loop3A_395 = arith.constant 32 : index
        %parallel_loop3A_396 = tpu.vector_load %arg6[%parallel_loop3A_394, %parallel_loop3A_395] {strides = array<i32>} : memref<256x64xf32, #tpu.memory_space<vmem>>, vector<1x16xf32>,
        %parallel_loop3A_397 = vector.shape_cast %parallel_loop3A_396 : vector<1x16xf32> to vector<16xf32>
        %parallel_loop3A_398 = arith.constant 8.000000e+00 : f32
        %parallel_loop3A_399 = vector.broadcast %parallel_loop3A_398 : f32 to vector<16xf32>
        %parallel_loop3A_400 = arith.mulf %parallel_loop3A_397, %parallel_loop3A_399 : vector<16xf32>
        %parallel_loop3A_401 = arith.index_cast %parallel_loop3A_369 : i32 to index
        %parallel_loop3A_402 = arith.constant 32 : index
        %parallel_loop3A_403 = tpu.vector_load %arg6[%parallel_loop3A_401, %parallel_loop3A_402] {strides = array<i32>} : memref<256x64xf32, #tpu.memory_space<vmem>>, vector<1x16xf32>,
        %parallel_loop3A_404 = vector.shape_cast %parallel_loop3A_403 : vector<1x16xf32> to vector<16xf32>
        %parallel_loop3A_405 = vector.shape_cast %parallel_loop3A_400 : vector<16xf32> to vector<1x16xf32>
        tpu.vector_store %arg6[%parallel_loop3A_401, %parallel_loop3A_402], %parallel_loop3A_405 {strides = array<i32>} : memref<256x64xf32, #tpu.memory_space<vmem>>, vector<1x16xf32>,
        %parallel_loop3A_406 = arith.index_cast %parallel_loop3A_369 : i32 to index
        %parallel_loop3A_407 = arith.constant 48 : index
        %parallel_loop3A_408 = tpu.vector_load %arg6[%parallel_loop3A_406, %parallel_loop3A_407] {strides = array<i32>} : memref<256x64xf32, #tpu.memory_space<vmem>>, vector<1x16xf32>,
        %parallel_loop3A_409 = vector.shape_cast %parallel_loop3A_408 : vector<1x16xf32> to vector<16xf32>
        %parallel_loop3A_410 = arith.constant 8.000000e+00 : f32
        %parallel_loop3A_411 = vector.broadcast %parallel_loop3A_410 : f32 to vector<16xf32>
        %parallel_loop3A_412 = arith.mulf %parallel_loop3A_409, %parallel_loop3A_411 : vector<16xf32>
        %parallel_loop3A_413 = arith.index_cast %parallel_loop3A_369 : i32 to index
        %parallel_loop3A_414 = arith.constant 48 : index
        %parallel_loop3A_415 = tpu.vector_load %arg6[%parallel_loop3A_413, %parallel_loop3A_414] {strides = array<i32>} : memref<256x64xf32, #tpu.memory_space<vmem>>, vector<1x16xf32>,
        %parallel_loop3A_416 = vector.shape_cast %parallel_loop3A_415 : vector<1x16xf32> to vector<16xf32>
        %parallel_loop3A_417 = vector.shape_cast %parallel_loop3A_412 : vector<16xf32> to vector<1x16xf32>
        tpu.vector_store %arg6[%parallel_loop3A_413, %parallel_loop3A_414], %parallel_loop3A_417 {strides = array<i32>} : memref<256x64xf32, #tpu.memory_space<vmem>>, vector<1x16xf32>,
      } {sc.loop_unroll_factor = 8 : i64, sc.parallel_access}
      %mul3A_250 = arith.constant 256 : i32
      %mul3A_251 = arith.muli %add3A_225, %mul3A_250 : i32
      %add3A_252 = arith.addi %multiple_of3A, %mul3A_251 : i32
      %multiple_of3A_253 = tpu.assume_multiple %add3A_252, 256 : i32
      %dma_start3A_254 = arith.constant 0 : i32
      %dma_start3A_255 = tpu.memref_slice %arg4[%multiple_of3A_253, %dma_start3A_254] : memref<819200x64xf32, #tpu.memory_space<hbm>> -> memref<256x64xf32, #tpu.memory_space<hbm>>
      %dma_start3A_256 = arith.constant 0 : i32
      %dma_start3A_257 = tpu.memref_slice %arg4[%multiple_of3A_253, %dma_start3A_256] : memref<819200x64xf32, #tpu.memory_space<hbm>> -> memref<256x64xf32, #tpu.memory_space<hbm>>
      tpu.enqueue_dma source(%arg6 : memref<256x64xf32, #tpu.memory_space<vmem>>) target(%dma_start3A_257 : memref<256x64xf32, #tpu.memory_space<hbm>>) target_semaphore(%arg14 : memref<!tpu.dma_semaphore, #tpu.memory_space<semaphore_mem>>)
      %mul3A_258 = arith.constant 4 : i32
      %mul3A_259 = arith.muli %scan3A_221, %mul3A_258 : i32
      %add3A_260 = arith.constant 1 : i32
      %add3A_261 = arith.addi %mul3A_259, %add3A_260 : i32
      %dma_wait3A_262 = arith.constant 0 : i32
      %dma_wait3A_263 = arith.constant 0 : i32
      %dma_wait3A_264 = tpu.memref_slice %arg4[%dma_wait3A_262, %dma_wait3A_263] : memref<819200x64xf32, #tpu.memory_space<hbm>> -> memref<256x64xf32, #tpu.memory_space<hbm>>
      %dma_wait3A_265 = arith.constant 0 : i32
      %dma_wait3A_266 = arith.constant 0 : i32
      %dma_wait3A_267 = tpu.memref_slice %arg4[%dma_wait3A_265, %dma_wait3A_266] : memref<819200x64xf32, #tpu.memory_space<hbm>> -> memref<256x64xf32, #tpu.memory_space<hbm>>
      tpu.wait_dma2 semaphore(%arg14 : memref<!tpu.dma_semaphore, #tpu.memory_space<semaphore_mem>>) src(%arg6 : memref<256x64xf32, #tpu.memory_space<vmem>>) dst(%dma_wait3A_267 : memref<256x64xf32, #tpu.memory_space<hbm>>)
      %add3A_268 = arith.constant 4 : i32
      %add3A_269 = arith.addi %add3A_261, %add3A_268 : i32
      %sub3A_270 = arith.constant 1 : i32
      %sub3A_271 = arith.subi %add3A_269, %sub3A_270 : i32
      %mul3A_272 = arith.constant 256 : i32
      %mul3A_273 = arith.muli %sub3A_271, %mul3A_272 : i32
      %multiple_of3A_274 = tpu.assume_multiple %mul3A_273, 256 : i32
      %dma_start3A_275 = tpu.memref_slice %arg5[%multiple_of3A_274] : memref<25600xi32, #tpu.memory_space<vmem>> -> memref<256xi32, #tpu.memory_space<vmem>>
      %dma_start3A_276 = arith.constant 0 : i32
      %dma_start3A_277 = arith.constant 0 : i32
      %dma_start3A_278 = tpu.memref_slice %arg2[%dma_start3A_276, %dma_start3A_277] : memref<1000000x64xf32, #tpu.memory_space<hbm>> -> memref<1000000x64xf32, #tpu.memory_space<hbm>>
      tpu.enqueue_indirect_dma source(%dma_start3A_278 : memref<1000000x64xf32, #tpu.memory_space<hbm>>) target(%arg6 : memref<256x64xf32, #tpu.memory_space<vmem>>) offsets(%dma_start3A_275 : memref<256xi32, #tpu.memory_space<vmem>>) semaphore(%arg10 : memref<!tpu.dma_semaphore, #tpu.memory_space<semaphore_mem>>)
      %dma_wait3A_279 = arith.constant 0 : i32
      %dma_wait3A_280 = tpu.memref_slice %arg5[%dma_wait3A_279] : memref<25600xi32, #tpu.memory_space<vmem>> -> memref<256xi32, #tpu.memory_space<vmem>>
      %dma_wait3A_281 = arith.constant 0 : i32
      %dma_wait3A_282 = arith.constant 0 : i32
      %dma_wait3A_283 = tpu.memref_slice %arg2[%dma_wait3A_281, %dma_wait3A_282] : memref<1000000x64xf32, #tpu.memory_space<hbm>> -> memref<1000000x64xf32, #tpu.memory_space<hbm>>
      tpu.wait_indirect_dma semaphore(%arg11 : memref<!tpu.dma_semaphore, #tpu.memory_space<semaphore_mem>>) src(%dma_wait3A_283 : memref<1000000x64xf32, #tpu.memory_space<hbm>>) dst(%arg7 : memref<256x64xf32, #tpu.memory_space<vmem>>)
      %parallel_loop3A_284 = arith.constant 0 : i32
      %parallel_loop3A_285 = arith.constant 256 : i32
      %parallel_loop3A_286 = arith.constant 1 : i32
      scf.for %parallel_loop3A_369 = %parallel_loop3A_284 to %parallel_loop3A_285 step %parallel_loop3A_286  : i32 {
        %parallel_loop3A_370 = arith.index_cast %parallel_loop3A_369 : i32 to index
        %parallel_loop3A_371 = arith.constant 0 : index
        %parallel_loop3A_372 = tpu.vector_load %arg7[%parallel_loop3A_370, %parallel_loop3A_371] {strides = array<i32>} : memref<256x64xf32, #tpu.memory_space<vmem>>, vector<1x16xf32>,
        %parallel_loop3A_373 = vector.shape_cast %parallel_loop3A_372 : vector<1x16xf32> to vector<16xf32>
        %parallel_loop3A_374 = arith.constant 8.000000e+00 : f32
        %parallel_loop3A_375 = vector.broadcast %parallel_loop3A_374 : f32 to vector<16xf32>
        %parallel_loop3A_376 = arith.mulf %parallel_loop3A_373, %parallel_loop3A_375 : vector<16xf32>
        %parallel_loop3A_377 = arith.index_cast %parallel_loop3A_369 : i32 to index
        %parallel_loop3A_378 = arith.constant 0 : index
        %parallel_loop3A_379 = tpu.vector_load %arg7[%parallel_loop3A_377, %parallel_loop3A_378] {strides = array<i32>} : memref<256x64xf32, #tpu.memory_space<vmem>>, vector<1x16xf32>,
        %parallel_loop3A_380 = vector.shape_cast %parallel_loop3A_379 : vector<1x16xf32> to vector<16xf32>
        %parallel_loop3A_381 = vector.shape_cast %parallel_loop3A_376 : vector<16xf32> to vector<1x16xf32>
        tpu.vector_store %arg7[%parallel_loop3A_377, %parallel_loop3A_378], %parallel_loop3A_381 {strides = array<i32>} : memref<256x64xf32, #tpu.memory_space<vmem>>, vector<1x16xf32>,
        %parallel_loop3A_382 = arith.index_cast %parallel_loop3A_369 : i32 to index
        %parallel_loop3A_383 = arith.constant 16 : index
        %parallel_loop3A_384 = tpu.vector_load %arg7[%parallel_loop3A_382, %parallel_loop3A_383] {strides = array<i32>} : memref<256x64xf32, #tpu.memory_space<vmem>>, vector<1x16xf32>,
        %parallel_loop3A_385 = vector.shape_cast %parallel_loop3A_384 : vector<1x16xf32> to vector<16xf32>
        %parallel_loop3A_386 = arith.constant 8.000000e+00 : f32
        %parallel_loop3A_387 = vector.broadcast %parallel_loop3A_386 : f32 to vector<16xf32>
        %parallel_loop3A_388 = arith.mulf %parallel_loop3A_385, %parallel_loop3A_387 : vector<16xf32>
        %parallel_loop3A_389 = arith.index_cast %parallel_loop3A_369 : i32 to index
        %parallel_loop3A_390 = arith.constant 16 : index
        %parallel_loop3A_391 = tpu.vector_load %arg7[%parallel_loop3A_389, %parallel_loop3A_390] {strides = array<i32>} : memref<256x64xf32, #tpu.memory_space<vmem>>, vector<1x16xf32>,
        %parallel_loop3A_392 = vector.shape_cast %parallel_loop3A_391 : vector<1x16xf32> to vector<16xf32>
        %parallel_loop3A_393 = vector.shape_cast %parallel_loop3A_388 : vector<16xf32> to vector<1x16xf32>
        tpu.vector_store %arg7[%parallel_loop3A_389, %parallel_loop3A_390], %parallel_loop3A_393 {strides = array<i32>} : memref<256x64xf32, #tpu.memory_space<vmem>>, vector<1x16xf32>,
        %parallel_loop3A_394 = arith.index_cast %parallel_loop3A_369 : i32 to index
        %parallel_loop3A_395 = arith.constant 32 : index
        %parallel_loop3A_396 = tpu.vector_load %arg7[%parallel_loop3A_394, %parallel_loop3A_395] {strides = array<i32>} : memref<256x64xf32, #tpu.memory_space<vmem>>, vector<1x16xf32>,
        %parallel_loop3A_397 = vector.shape_cast %parallel_loop3A_396 : vector<1x16xf32> to vector<16xf32>
        %parallel_loop3A_398 = arith.constant 8.000000e+00 : f32
        %parallel_loop3A_399 = vector.broadcast %parallel_loop3A_398 : f32 to vector<16xf32>
        %parallel_loop3A_400 = arith.mulf %parallel_loop3A_397, %parallel_loop3A_399 : vector<16xf32>
        %parallel_loop3A_401 = arith.index_cast %parallel_loop3A_369 : i32 to index
        %parallel_loop3A_402 = arith.constant 32 : index
        %parallel_loop3A_403 = tpu.vector_load %arg7[%parallel_loop3A_401, %parallel_loop3A_402] {strides = array<i32>} : memref<256x64xf32, #tpu.memory_space<vmem>>, vector<1x16xf32>,
        %parallel_loop3A_404 = vector.shape_cast %parallel_loop3A_403 : vector<1x16xf32> to vector<16xf32>
        %parallel_loop3A_405 = vector.shape_cast %parallel_loop3A_400 : vector<16xf32> to vector<1x16xf32>
        tpu.vector_store %arg7[%parallel_loop3A_401, %parallel_loop3A_402], %parallel_loop3A_405 {strides = array<i32>} : memref<256x64xf32, #tpu.memory_space<vmem>>, vector<1x16xf32>,
        %parallel_loop3A_406 = arith.index_cast %parallel_loop3A_369 : i32 to index
        %parallel_loop3A_407 = arith.constant 48 : index
        %parallel_loop3A_408 = tpu.vector_load %arg7[%parallel_loop3A_406, %parallel_loop3A_407] {strides = array<i32>} : memref<256x64xf32, #tpu.memory_space<vmem>>, vector<1x16xf32>,
        %parallel_loop3A_409 = vector.shape_cast %parallel_loop3A_408 : vector<1x16xf32> to vector<16xf32>
        %parallel_loop3A_410 = arith.constant 8.000000e+00 : f32
        %parallel_loop3A_411 = vector.broadcast %parallel_loop3A_410 : f32 to vector<16xf32>
        %parallel_loop3A_412 = arith.mulf %parallel_loop3A_409, %parallel_loop3A_411 : vector<16xf32>
        %parallel_loop3A_413 = arith.index_cast %parallel_loop3A_369 : i32 to index
        %parallel_loop3A_414 = arith.constant 48 : index
        %parallel_loop3A_415 = tpu.vector_load %arg7[%parallel_loop3A_413, %parallel_loop3A_414] {strides = array<i32>} : memref<256x64xf32, #tpu.memory_space<vmem>>, vector<1x16xf32>,
        %parallel_loop3A_416 = vector.shape_cast %parallel_loop3A_415 : vector<1x16xf32> to vector<16xf32>
        %parallel_loop3A_417 = vector.shape_cast %parallel_loop3A_412 : vector<16xf32> to vector<1x16xf32>
        tpu.vector_store %arg7[%parallel_loop3A_413, %parallel_loop3A_414], %parallel_loop3A_417 {strides = array<i32>} : memref<256x64xf32, #tpu.memory_space<vmem>>, vector<1x16xf32>,
      } {sc.loop_unroll_factor = 8 : i64, sc.parallel_access}
      %mul3A_287 = arith.constant 256 : i32
      %mul3A_288 = arith.muli %add3A_261, %mul3A_287 : i32
      %add3A_289 = arith.addi %multiple_of3A, %mul3A_288 : i32
      %multiple_of3A_290 = tpu.assume_multiple %add3A_289, 256 : i32
      %dma_start3A_291 = arith.constant 0 : i32
      %dma_start3A_292 = tpu.memref_slice %arg4[%multiple_of3A_290, %dma_start3A_291] : memref<819200x64xf32, #tpu.memory_space<hbm>> -> memref<256x64xf32, #tpu.memory_space<hbm>>
      %dma_start3A_293 = arith.constant 0 : i32
      %dma_start3A_294 = tpu.memref_slice %arg4[%multiple_of3A_290, %dma_start3A_293] : memref<819200x64xf32, #tpu.memory_space<hbm>> -> memref<256x64xf32, #tpu.memory_space<hbm>>
      tpu.enqueue_dma source(%arg7 : memref<256x64xf32, #tpu.memory_space<vmem>>) target(%dma_start3A_294 : memref<256x64xf32, #tpu.memory_space<hbm>>) target_semaphore(%arg15 : memref<!tpu.dma_semaphore, #tpu.memory_space<semaphore_mem>>)
      %mul3A_295 = arith.constant 4 : i32
      %mul3A_296 = arith.muli %scan3A_221, %mul3A_295 : i32
      %add3A_297 = arith.constant 2 : i32
      %add3A_298 = arith.addi %mul3A_296, %add3A_297 : i32
      %dma_wait3A_299 = arith.constant 0 : i32
      %dma_wait3A_300 = arith.constant 0 : i32
      %dma_wait3A_301 = tpu.memref_slice %arg4[%dma_wait3A_299, %dma_wait3A_300] : memref<819200x64xf32, #tpu.memory_space<hbm>> -> memref<256x64xf32, #tpu.memory_space<hbm>>
      %dma_wait3A_302 = arith.constant 0 : i32
      %dma_wait3A_303 = arith.constant 0 : i32
      %dma_wait3A_304 = tpu.memref_slice %arg4[%dma_wait3A_302, %dma_wait3A_303] : memref<819200x64xf32, #tpu.memory_space<hbm>> -> memref<256x64xf32, #tpu.memory_space<hbm>>
      tpu.wait_dma2 semaphore(%arg15 : memref<!tpu.dma_semaphore, #tpu.memory_space<semaphore_mem>>) src(%arg7 : memref<256x64xf32, #tpu.memory_space<vmem>>) dst(%dma_wait3A_304 : memref<256x64xf32, #tpu.memory_space<hbm>>)
      %add3A_305 = arith.constant 4 : i32
      %add3A_306 = arith.addi %add3A_298, %add3A_305 : i32
      %sub3A_307 = arith.constant 1 : i32
      %sub3A_308 = arith.subi %add3A_306, %sub3A_307 : i32
      %mul3A_309 = arith.constant 256 : i32
      %mul3A_310 = arith.muli %sub3A_308, %mul3A_309 : i32
      %multiple_of3A_311 = tpu.assume_multiple %mul3A_310, 256 : i32
      %dma_start3A_312 = tpu.memref_slice %arg5[%multiple_of3A_311] : memref<25600xi32, #tpu.memory_space<vmem>> -> memref<256xi32, #tpu.memory_space<vmem>>
      %dma_start3A_313 = arith.constant 0 : i32
      %dma_start3A_314 = arith.constant 0 : i32
      %dma_start3A_315 = tpu.memref_slice %arg2[%dma_start3A_313, %dma_start3A_314] : memref<1000000x64xf32, #tpu.memory_space<hbm>> -> memref<1000000x64xf32, #tpu.memory_space<hbm>>
      tpu.enqueue_indirect_dma source(%dma_start3A_315 : memref<1000000x64xf32, #tpu.memory_space<hbm>>) target(%arg7 : memref<256x64xf32, #tpu.memory_space<vmem>>) offsets(%dma_start3A_312 : memref<256xi32, #tpu.memory_space<vmem>>) semaphore(%arg11 : memref<!tpu.dma_semaphore, #tpu.memory_space<semaphore_mem>>)
      %dma_wait3A_316 = arith.constant 0 : i32
      %dma_wait3A_317 = tpu.memref_slice %arg5[%dma_wait3A_316] : memref<25600xi32, #tpu.memory_space<vmem>> -> memref<256xi32, #tpu.memory_space<vmem>>
      %dma_wait3A_318 = arith.constant 0 : i32
      %dma_wait3A_319 = arith.constant 0 : i32
      %dma_wait3A_320 = tpu.memref_slice %arg2[%dma_wait3A_318, %dma_wait3A_319] : memref<1000000x64xf32, #tpu.memory_space<hbm>> -> memref<1000000x64xf32, #tpu.memory_space<hbm>>
      tpu.wait_indirect_dma semaphore(%arg12 : memref<!tpu.dma_semaphore, #tpu.memory_space<semaphore_mem>>) src(%dma_wait3A_320 : memref<1000000x64xf32, #tpu.memory_space<hbm>>) dst(%arg8 : memref<256x64xf32, #tpu.memory_space<vmem>>)
      %parallel_loop3A_321 = arith.constant 0 : i32
      %parallel_loop3A_322 = arith.constant 256 : i32
      %parallel_loop3A_323 = arith.constant 1 : i32
      scf.for %parallel_loop3A_369 = %parallel_loop3A_321 to %parallel_loop3A_322 step %parallel_loop3A_323  : i32 {
        %parallel_loop3A_370 = arith.index_cast %parallel_loop3A_369 : i32 to index
        %parallel_loop3A_371 = arith.constant 0 : index
        %parallel_loop3A_372 = tpu.vector_load %arg8[%parallel_loop3A_370, %parallel_loop3A_371] {strides = array<i32>} : memref<256x64xf32, #tpu.memory_space<vmem>>, vector<1x16xf32>,
        %parallel_loop3A_373 = vector.shape_cast %parallel_loop3A_372 : vector<1x16xf32> to vector<16xf32>
        %parallel_loop3A_374 = arith.constant 8.000000e+00 : f32
        %parallel_loop3A_375 = vector.broadcast %parallel_loop3A_374 : f32 to vector<16xf32>
        %parallel_loop3A_376 = arith.mulf %parallel_loop3A_373, %parallel_loop3A_375 : vector<16xf32>
        %parallel_loop3A_377 = arith.index_cast %parallel_loop3A_369 : i32 to index
        %parallel_loop3A_378 = arith.constant 0 : index
        %parallel_loop3A_379 = tpu.vector_load %arg8[%parallel_loop3A_377, %parallel_loop3A_378] {strides = array<i32>} : memref<256x64xf32, #tpu.memory_space<vmem>>, vector<1x16xf32>,
        %parallel_loop3A_380 = vector.shape_cast %parallel_loop3A_379 : vector<1x16xf32> to vector<16xf32>
        %parallel_loop3A_381 = vector.shape_cast %parallel_loop3A_376 : vector<16xf32> to vector<1x16xf32>
        tpu.vector_store %arg8[%parallel_loop3A_377, %parallel_loop3A_378], %parallel_loop3A_381 {strides = array<i32>} : memref<256x64xf32, #tpu.memory_space<vmem>>, vector<1x16xf32>,
        %parallel_loop3A_382 = arith.index_cast %parallel_loop3A_369 : i32 to index
        %parallel_loop3A_383 = arith.constant 16 : index
        %parallel_loop3A_384 = tpu.vector_load %arg8[%parallel_loop3A_382, %parallel_loop3A_383] {strides = array<i32>} : memref<256x64xf32, #tpu.memory_space<vmem>>, vector<1x16xf32>,
        %parallel_loop3A_385 = vector.shape_cast %parallel_loop3A_384 : vector<1x16xf32> to vector<16xf32>
        %parallel_loop3A_386 = arith.constant 8.000000e+00 : f32
        %parallel_loop3A_387 = vector.broadcast %parallel_loop3A_386 : f32 to vector<16xf32>
        %parallel_loop3A_388 = arith.mulf %parallel_loop3A_385, %parallel_loop3A_387 : vector<16xf32>
        %parallel_loop3A_389 = arith.index_cast %parallel_loop3A_369 : i32 to index
        %parallel_loop3A_390 = arith.constant 16 : index
        %parallel_loop3A_391 = tpu.vector_load %arg8[%parallel_loop3A_389, %parallel_loop3A_390] {strides = array<i32>} : memref<256x64xf32, #tpu.memory_space<vmem>>, vector<1x16xf32>,
        %parallel_loop3A_392 = vector.shape_cast %parallel_loop3A_391 : vector<1x16xf32> to vector<16xf32>
        %parallel_loop3A_393 = vector.shape_cast %parallel_loop3A_388 : vector<16xf32> to vector<1x16xf32>
        tpu.vector_store %arg8[%parallel_loop3A_389, %parallel_loop3A_390], %parallel_loop3A_393 {strides = array<i32>} : memref<256x64xf32, #tpu.memory_space<vmem>>, vector<1x16xf32>,
        %parallel_loop3A_394 = arith.index_cast %parallel_loop3A_369 : i32 to index
        %parallel_loop3A_395 = arith.constant 32 : index
        %parallel_loop3A_396 = tpu.vector_load %arg8[%parallel_loop3A_394, %parallel_loop3A_395] {strides = array<i32>} : memref<256x64xf32, #tpu.memory_space<vmem>>, vector<1x16xf32>,
        %parallel_loop3A_397 = vector.shape_cast %parallel_loop3A_396 : vector<1x16xf32> to vector<16xf32>
        %parallel_loop3A_398 = arith.constant 8.000000e+00 : f32
        %parallel_loop3A_399 = vector.broadcast %parallel_loop3A_398 : f32 to vector<16xf32>
        %parallel_loop3A_400 = arith.mulf %parallel_loop3A_397, %parallel_loop3A_399 : vector<16xf32>
        %parallel_loop3A_401 = arith.index_cast %parallel_loop3A_369 : i32 to index
        %parallel_loop3A_402 = arith.constant 32 : index
        %parallel_loop3A_403 = tpu.vector_load %arg8[%parallel_loop3A_401, %parallel_loop3A_402] {strides = array<i32>} : memref<256x64xf32, #tpu.memory_space<vmem>>, vector<1x16xf32>,
        %parallel_loop3A_404 = vector.shape_cast %parallel_loop3A_403 : vector<1x16xf32> to vector<16xf32>
        %parallel_loop3A_405 = vector.shape_cast %parallel_loop3A_400 : vector<16xf32> to vector<1x16xf32>
        tpu.vector_store %arg8[%parallel_loop3A_401, %parallel_loop3A_402], %parallel_loop3A_405 {strides = array<i32>} : memref<256x64xf32, #tpu.memory_space<vmem>>, vector<1x16xf32>,
        %parallel_loop3A_406 = arith.index_cast %parallel_loop3A_369 : i32 to index
        %parallel_loop3A_407 = arith.constant 48 : index
        %parallel_loop3A_408 = tpu.vector_load %arg8[%parallel_loop3A_406, %parallel_loop3A_407] {strides = array<i32>} : memref<256x64xf32, #tpu.memory_space<vmem>>, vector<1x16xf32>,
        %parallel_loop3A_409 = vector.shape_cast %parallel_loop3A_408 : vector<1x16xf32> to vector<16xf32>
        %parallel_loop3A_410 = arith.constant 8.000000e+00 : f32
        %parallel_loop3A_411 = vector.broadcast %parallel_loop3A_410 : f32 to vector<16xf32>
        %parallel_loop3A_412 = arith.mulf %parallel_loop3A_409, %parallel_loop3A_411 : vector<16xf32>
        %parallel_loop3A_413 = arith.index_cast %parallel_loop3A_369 : i32 to index
        %parallel_loop3A_414 = arith.constant 48 : index
        %parallel_loop3A_415 = tpu.vector_load %arg8[%parallel_loop3A_413, %parallel_loop3A_414] {strides = array<i32>} : memref<256x64xf32, #tpu.memory_space<vmem>>, vector<1x16xf32>,
        %parallel_loop3A_416 = vector.shape_cast %parallel_loop3A_415 : vector<1x16xf32> to vector<16xf32>
        %parallel_loop3A_417 = vector.shape_cast %parallel_loop3A_412 : vector<16xf32> to vector<1x16xf32>
        tpu.vector_store %arg8[%parallel_loop3A_413, %parallel_loop3A_414], %parallel_loop3A_417 {strides = array<i32>} : memref<256x64xf32, #tpu.memory_space<vmem>>, vector<1x16xf32>,
      } {sc.loop_unroll_factor = 8 : i64, sc.parallel_access}
      %mul3A_324 = arith.constant 256 : i32
      %mul3A_325 = arith.muli %add3A_298, %mul3A_324 : i32
      %add3A_326 = arith.addi %multiple_of3A, %mul3A_325 : i32
      %multiple_of3A_327 = tpu.assume_multiple %add3A_326, 256 : i32
      %dma_start3A_328 = arith.constant 0 : i32
      %dma_start3A_329 = tpu.memref_slice %arg4[%multiple_of3A_327, %dma_start3A_328] : memref<819200x64xf32, #tpu.memory_space<hbm>> -> memref<256x64xf32, #tpu.memory_space<hbm>>
      %dma_start3A_330 = arith.constant 0 : i32
      %dma_start3A_331 = tpu.memref_slice %arg4[%multiple_of3A_327, %dma_start3A_330] : memref<819200x64xf32, #tpu.memory_space<hbm>> -> memref<256x64xf32, #tpu.memory_space<hbm>>
      tpu.enqueue_dma source(%arg8 : memref<256x64xf32, #tpu.memory_space<vmem>>) target(%dma_start3A_331 : memref<256x64xf32, #tpu.memory_space<hbm>>) target_semaphore(%arg16 : memref<!tpu.dma_semaphore, #tpu.memory_space<semaphore_mem>>)
      %mul3A_332 = arith.constant 4 : i32
      %mul3A_333 = arith.muli %scan3A_221, %mul3A_332 : i32
      %add3A_334 = arith.constant 3 : i32
      %add3A_335 = arith.addi %mul3A_333, %add3A_334 : i32
      %dma_wait3A_336 = arith.constant 0 : i32
      %dma_wait3A_337 = arith.constant 0 : i32
      %dma_wait3A_338 = tpu.memref_slice %arg4[%dma_wait3A_336, %dma_wait3A_337] : memref<819200x64xf32, #tpu.memory_space<hbm>> -> memref<256x64xf32, #tpu.memory_space<hbm>>
      %dma_wait3A_339 = arith.constant 0 : i32
      %dma_wait3A_340 = arith.constant 0 : i32
      %dma_wait3A_341 = tpu.memref_slice %arg4[%dma_wait3A_339, %dma_wait3A_340] : memref<819200x64xf32, #tpu.memory_space<hbm>> -> memref<256x64xf32, #tpu.memory_space<hbm>>
      tpu.wait_dma2 semaphore(%arg16 : memref<!tpu.dma_semaphore, #tpu.memory_space<semaphore_mem>>) src(%arg8 : memref<256x64xf32, #tpu.memory_space<vmem>>) dst(%dma_wait3A_341 : memref<256x64xf32, #tpu.memory_space<hbm>>)
      %add3A_342 = arith.constant 4 : i32
      %add3A_343 = arith.addi %add3A_335, %add3A_342 : i32
      %sub3A_344 = arith.constant 1 : i32
      %sub3A_345 = arith.subi %add3A_343, %sub3A_344 : i32
      %mul3A_346 = arith.constant 256 : i32
      %mul3A_347 = arith.muli %sub3A_345, %mul3A_346 : i32
      %multiple_of3A_348 = tpu.assume_multiple %mul3A_347, 256 : i32
      %dma_start3A_349 = tpu.memref_slice %arg5[%multiple_of3A_348] : memref<25600xi32, #tpu.memory_space<vmem>> -> memref<256xi32, #tpu.memory_space<vmem>>
      %dma_start3A_350 = arith.constant 0 : i32
      %dma_start3A_351 = arith.constant 0 : i32
      %dma_start3A_352 = tpu.memref_slice %arg2[%dma_start3A_350, %dma_start3A_351] : memref<1000000x64xf32, #tpu.memory_space<hbm>> -> memref<1000000x64xf32, #tpu.memory_space<hbm>>
      tpu.enqueue_indirect_dma source(%dma_start3A_352 : memref<1000000x64xf32, #tpu.memory_space<hbm>>) target(%arg8 : memref<256x64xf32, #tpu.memory_space<vmem>>) offsets(%dma_start3A_349 : memref<256xi32, #tpu.memory_space<vmem>>) semaphore(%arg12 : memref<!tpu.dma_semaphore, #tpu.memory_space<semaphore_mem>>)
      %dma_wait3A_353 = arith.constant 0 : i32
      %dma_wait3A_354 = tpu.memref_slice %arg5[%dma_wait3A_353] : memref<25600xi32, #tpu.memory_space<vmem>> -> memref<256xi32, #tpu.memory_space<vmem>>
      %dma_wait3A_355 = arith.constant 0 : i32
      %dma_wait3A_356 = arith.constant 0 : i32
      %dma_wait3A_357 = tpu.memref_slice %arg2[%dma_wait3A_355, %dma_wait3A_356] : memref<1000000x64xf32, #tpu.memory_space<hbm>> -> memref<1000000x64xf32, #tpu.memory_space<hbm>>
      tpu.wait_indirect_dma semaphore(%arg13 : memref<!tpu.dma_semaphore, #tpu.memory_space<semaphore_mem>>) src(%dma_wait3A_357 : memref<1000000x64xf32, #tpu.memory_space<hbm>>) dst(%arg9 : memref<256x64xf32, #tpu.memory_space<vmem>>)
      %parallel_loop3A_358 = arith.constant 0 : i32
      %parallel_loop3A_359 = arith.constant 256 : i32
      %parallel_loop3A_360 = arith.constant 1 : i32
      scf.for %parallel_loop3A_369 = %parallel_loop3A_358 to %parallel_loop3A_359 step %parallel_loop3A_360  : i32 {
        %parallel_loop3A_370 = arith.index_cast %parallel_loop3A_369 : i32 to index
        %parallel_loop3A_371 = arith.constant 0 : index
        %parallel_loop3A_372 = tpu.vector_load %arg9[%parallel_loop3A_370, %parallel_loop3A_371] {strides = array<i32>} : memref<256x64xf32, #tpu.memory_space<vmem>>, vector<1x16xf32>,
        %parallel_loop3A_373 = vector.shape_cast %parallel_loop3A_372 : vector<1x16xf32> to vector<16xf32>
        %parallel_loop3A_374 = arith.constant 8.000000e+00 : f32
        %parallel_loop3A_375 = vector.broadcast %parallel_loop3A_374 : f32 to vector<16xf32>
        %parallel_loop3A_376 = arith.mulf %parallel_loop3A_373, %parallel_loop3A_375 : vector<16xf32>
        %parallel_loop3A_377 = arith.index_cast %parallel_loop3A_369 : i32 to index
        %parallel_loop3A_378 = arith.constant 0 : index
        %parallel_loop3A_379 = tpu.vector_load %arg9[%parallel_loop3A_377, %parallel_loop3A_378] {strides = array<i32>} : memref<256x64xf32, #tpu.memory_space<vmem>>, vector<1x16xf32>,
        %parallel_loop3A_380 = vector.shape_cast %parallel_loop3A_379 : vector<1x16xf32> to vector<16xf32>
        %parallel_loop3A_381 = vector.shape_cast %parallel_loop3A_376 : vector<16xf32> to vector<1x16xf32>
        tpu.vector_store %arg9[%parallel_loop3A_377, %parallel_loop3A_378], %parallel_loop3A_381 {strides = array<i32>} : memref<256x64xf32, #tpu.memory_space<vmem>>, vector<1x16xf32>,
        %parallel_loop3A_382 = arith.index_cast %parallel_loop3A_369 : i32 to index
        %parallel_loop3A_383 = arith.constant 16 : index
        %parallel_loop3A_384 = tpu.vector_load %arg9[%parallel_loop3A_382, %parallel_loop3A_383] {strides = array<i32>} : memref<256x64xf32, #tpu.memory_space<vmem>>, vector<1x16xf32>,
        %parallel_loop3A_385 = vector.shape_cast %parallel_loop3A_384 : vector<1x16xf32> to vector<16xf32>
        %parallel_loop3A_386 = arith.constant 8.000000e+00 : f32
        %parallel_loop3A_387 = vector.broadcast %parallel_loop3A_386 : f32 to vector<16xf32>
        %parallel_loop3A_388 = arith.mulf %parallel_loop3A_385, %parallel_loop3A_387 : vector<16xf32>
        %parallel_loop3A_389 = arith.index_cast %parallel_loop3A_369 : i32 to index
        %parallel_loop3A_390 = arith.constant 16 : index
        %parallel_loop3A_391 = tpu.vector_load %arg9[%parallel_loop3A_389, %parallel_loop3A_390] {strides = array<i32>} : memref<256x64xf32, #tpu.memory_space<vmem>>, vector<1x16xf32>,
        %parallel_loop3A_392 = vector.shape_cast %parallel_loop3A_391 : vector<1x16xf32> to vector<16xf32>
        %parallel_loop3A_393 = vector.shape_cast %parallel_loop3A_388 : vector<16xf32> to vector<1x16xf32>
        tpu.vector_store %arg9[%parallel_loop3A_389, %parallel_loop3A_390], %parallel_loop3A_393 {strides = array<i32>} : memref<256x64xf32, #tpu.memory_space<vmem>>, vector<1x16xf32>,
        %parallel_loop3A_394 = arith.index_cast %parallel_loop3A_369 : i32 to index
        %parallel_loop3A_395 = arith.constant 32 : index
        %parallel_loop3A_396 = tpu.vector_load %arg9[%parallel_loop3A_394, %parallel_loop3A_395] {strides = array<i32>} : memref<256x64xf32, #tpu.memory_space<vmem>>, vector<1x16xf32>,
        %parallel_loop3A_397 = vector.shape_cast %parallel_loop3A_396 : vector<1x16xf32> to vector<16xf32>
        %parallel_loop3A_398 = arith.constant 8.000000e+00 : f32
        %parallel_loop3A_399 = vector.broadcast %parallel_loop3A_398 : f32 to vector<16xf32>
        %parallel_loop3A_400 = arith.mulf %parallel_loop3A_397, %parallel_loop3A_399 : vector<16xf32>
        %parallel_loop3A_401 = arith.index_cast %parallel_loop3A_369 : i32 to index
        %parallel_loop3A_402 = arith.constant 32 : index
        %parallel_loop3A_403 = tpu.vector_load %arg9[%parallel_loop3A_401, %parallel_loop3A_402] {strides = array<i32>} : memref<256x64xf32, #tpu.memory_space<vmem>>, vector<1x16xf32>,
        %parallel_loop3A_404 = vector.shape_cast %parallel_loop3A_403 : vector<1x16xf32> to vector<16xf32>
        %parallel_loop3A_405 = vector.shape_cast %parallel_loop3A_400 : vector<16xf32> to vector<1x16xf32>
        tpu.vector_store %arg9[%parallel_loop3A_401, %parallel_loop3A_402], %parallel_loop3A_405 {strides = array<i32>} : memref<256x64xf32, #tpu.memory_space<vmem>>, vector<1x16xf32>,
        %parallel_loop3A_406 = arith.index_cast %parallel_loop3A_369 : i32 to index
        %parallel_loop3A_407 = arith.constant 48 : index
        %parallel_loop3A_408 = tpu.vector_load %arg9[%parallel_loop3A_406, %parallel_loop3A_407] {strides = array<i32>} : memref<256x64xf32, #tpu.memory_space<vmem>>, vector<1x16xf32>,
        %parallel_loop3A_409 = vector.shape_cast %parallel_loop3A_408 : vector<1x16xf32> to vector<16xf32>
        %parallel_loop3A_410 = arith.constant 8.000000e+00 : f32
        %parallel_loop3A_411 = vector.broadcast %parallel_loop3A_410 : f32 to vector<16xf32>
        %parallel_loop3A_412 = arith.mulf %parallel_loop3A_409, %parallel_loop3A_411 : vector<16xf32>
        %parallel_loop3A_413 = arith.index_cast %parallel_loop3A_369 : i32 to index
        %parallel_loop3A_414 = arith.constant 48 : index
        %parallel_loop3A_415 = tpu.vector_load %arg9[%parallel_loop3A_413, %parallel_loop3A_414] {strides = array<i32>} : memref<256x64xf32, #tpu.memory_space<vmem>>, vector<1x16xf32>,
        %parallel_loop3A_416 = vector.shape_cast %parallel_loop3A_415 : vector<1x16xf32> to vector<16xf32>
        %parallel_loop3A_417 = vector.shape_cast %parallel_loop3A_412 : vector<16xf32> to vector<1x16xf32>
        tpu.vector_store %arg9[%parallel_loop3A_413, %parallel_loop3A_414], %parallel_loop3A_417 {strides = array<i32>} : memref<256x64xf32, #tpu.memory_space<vmem>>, vector<1x16xf32>,
      } {sc.loop_unroll_factor = 8 : i64, sc.parallel_access}
      %mul3A_361 = arith.constant 256 : i32
      %mul3A_362 = arith.muli %add3A_335, %mul3A_361 : i32
      %add3A_363 = arith.addi %multiple_of3A, %mul3A_362 : i32
      %multiple_of3A_364 = tpu.assume_multiple %add3A_363, 256 : i32
      %dma_start3A_365 = arith.constant 0 : i32
      %dma_start3A_366 = tpu.memref_slice %arg4[%multiple_of3A_364, %dma_start3A_365] : memref<819200x64xf32, #tpu.memory_space<hbm>> -> memref<256x64xf32, #tpu.memory_space<hbm>>
      %dma_start3A_367 = arith.constant 0 : i32
      %dma_start3A_368 = tpu.memref_slice %arg4[%multiple_of3A_364, %dma_start3A_367] : memref<819200x64xf32, #tpu.memory_space<hbm>> -> memref<256x64xf32, #tpu.memory_space<hbm>>
      tpu.enqueue_dma source(%arg9 : memref<256x64xf32, #tpu.memory_space<vmem>>) target(%dma_start3A_368 : memref<256x64xf32, #tpu.memory_space<hbm>>) target_semaphore(%arg17 : memref<!tpu.dma_semaphore, #tpu.memory_space<semaphore_mem>>)
    }
    %scan3A_124 = arith.constant 23 : i32
    %dma_wait3A_125 = arith.constant 0 : i32
    %dma_wait3A_126 = arith.constant 0 : i32
    %dma_wait3A_127 = tpu.memref_slice %arg4[%dma_wait3A_125, %dma_wait3A_126] : memref<819200x64xf32, #tpu.memory_space<hbm>> -> memref<256x64xf32, #tpu.memory_space<hbm>>
    %dma_wait3A_128 = arith.constant 0 : i32
    %dma_wait3A_129 = arith.constant 0 : i32
    %dma_wait3A_130 = tpu.memref_slice %arg4[%dma_wait3A_128, %dma_wait3A_129] : memref<819200x64xf32, #tpu.memory_space<hbm>> -> memref<256x64xf32, #tpu.memory_space<hbm>>
    tpu.wait_dma2 semaphore(%arg17 : memref<!tpu.dma_semaphore, #tpu.memory_space<semaphore_mem>>) src(%arg9 : memref<256x64xf32, #tpu.memory_space<vmem>>) dst(%dma_wait3A_130 : memref<256x64xf32, #tpu.memory_space<hbm>>)
    %multiple_of3A_131 = arith.constant 25344 : i32
    %multiple_of3A_132 = tpu.assume_multiple %multiple_of3A_131, 256 : i32
    %dma_start3A_133 = tpu.memref_slice %arg5[%multiple_of3A_132] : memref<25600xi32, #tpu.memory_space<vmem>> -> memref<256xi32, #tpu.memory_space<vmem>>
    %dma_start3A_134 = arith.constant 0 : i32
    %dma_start3A_135 = arith.constant 0 : i32
    %dma_start3A_136 = tpu.memref_slice %arg2[%dma_start3A_134, %dma_start3A_135] : memref<1000000x64xf32, #tpu.memory_space<hbm>> -> memref<1000000x64xf32, #tpu.memory_space<hbm>>
    tpu.enqueue_indirect_dma source(%dma_start3A_136 : memref<1000000x64xf32, #tpu.memory_space<hbm>>) target(%arg9 : memref<256x64xf32, #tpu.memory_space<vmem>>) offsets(%dma_start3A_133 : memref<256xi32, #tpu.memory_space<vmem>>) semaphore(%arg13 : memref<!tpu.dma_semaphore, #tpu.memory_space<semaphore_mem>>)
    %dma_wait3A_137 = arith.constant 0 : i32
    %dma_wait3A_138 = tpu.memref_slice %arg5[%dma_wait3A_137] : memref<25600xi32, #tpu.memory_space<vmem>> -> memref<256xi32, #tpu.memory_space<vmem>>
    %dma_wait3A_139 = arith.constant 0 : i32
    %dma_wait3A_140 = arith.constant 0 : i32
    %dma_wait3A_141 = tpu.memref_slice %arg2[%dma_wait3A_139, %dma_wait3A_140] : memref<1000000x64xf32, #tpu.memory_space<hbm>> -> memref<1000000x64xf32, #tpu.memory_space<hbm>>
    tpu.wait_indirect_dma semaphore(%arg10 : memref<!tpu.dma_semaphore, #tpu.memory_space<semaphore_mem>>) src(%dma_wait3A_141 : memref<1000000x64xf32, #tpu.memory_space<hbm>>) dst(%arg6 : memref<256x64xf32, #tpu.memory_space<vmem>>)
    %parallel_loop3A_142 = arith.constant 0 : i32
    %parallel_loop3A_143 = arith.constant 256 : i32
    %parallel_loop3A_144 = arith.constant 1 : i32
    scf.for %parallel_loop3A_221 = %parallel_loop3A_142 to %parallel_loop3A_143 step %parallel_loop3A_144  : i32 {
      %parallel_loop3A_222 = arith.index_cast %parallel_loop3A_221 : i32 to index
      %parallel_loop3A_223 = arith.constant 0 : index
      %parallel_loop3A_224 = tpu.vector_load %arg6[%parallel_loop3A_222, %parallel_loop3A_223] {strides = array<i32>} : memref<256x64xf32, #tpu.memory_space<vmem>>, vector<1x16xf32>,
      %parallel_loop3A_225 = vector.shape_cast %parallel_loop3A_224 : vector<1x16xf32> to vector<16xf32>
      %parallel_loop3A_226 = arith.constant 8.000000e+00 : f32
      %parallel_loop3A_227 = vector.broadcast %parallel_loop3A_226 : f32 to vector<16xf32>
      %parallel_loop3A_228 = arith.mulf %parallel_loop3A_225, %parallel_loop3A_227 : vector<16xf32>
      %parallel_loop3A_229 = arith.index_cast %parallel_loop3A_221 : i32 to index
      %parallel_loop3A_230 = arith.constant 0 : index
      %parallel_loop3A_231 = tpu.vector_load %arg6[%parallel_loop3A_229, %parallel_loop3A_230] {strides = array<i32>} : memref<256x64xf32, #tpu.memory_space<vmem>>, vector<1x16xf32>,
      %parallel_loop3A_232 = vector.shape_cast %parallel_loop3A_231 : vector<1x16xf32> to vector<16xf32>
      %parallel_loop3A_233 = vector.shape_cast %parallel_loop3A_228 : vector<16xf32> to vector<1x16xf32>
      tpu.vector_store %arg6[%parallel_loop3A_229, %parallel_loop3A_230], %parallel_loop3A_233 {strides = array<i32>} : memref<256x64xf32, #tpu.memory_space<vmem>>, vector<1x16xf32>,
      %parallel_loop3A_234 = arith.index_cast %parallel_loop3A_221 : i32 to index
      %parallel_loop3A_235 = arith.constant 16 : index
      %parallel_loop3A_236 = tpu.vector_load %arg6[%parallel_loop3A_234, %parallel_loop3A_235] {strides = array<i32>} : memref<256x64xf32, #tpu.memory_space<vmem>>, vector<1x16xf32>,
      %parallel_loop3A_237 = vector.shape_cast %parallel_loop3A_236 : vector<1x16xf32> to vector<16xf32>
      %parallel_loop3A_238 = arith.constant 8.000000e+00 : f32
      %parallel_loop3A_239 = vector.broadcast %parallel_loop3A_238 : f32 to vector<16xf32>
      %parallel_loop3A_240 = arith.mulf %parallel_loop3A_237, %parallel_loop3A_239 : vector<16xf32>
      %parallel_loop3A_241 = arith.index_cast %parallel_loop3A_221 : i32 to index
      %parallel_loop3A_242 = arith.constant 16 : index
      %parallel_loop3A_243 = tpu.vector_load %arg6[%parallel_loop3A_241, %parallel_loop3A_242] {strides = array<i32>} : memref<256x64xf32, #tpu.memory_space<vmem>>, vector<1x16xf32>,
      %parallel_loop3A_244 = vector.shape_cast %parallel_loop3A_243 : vector<1x16xf32> to vector<16xf32>
      %parallel_loop3A_245 = vector.shape_cast %parallel_loop3A_240 : vector<16xf32> to vector<1x16xf32>
      tpu.vector_store %arg6[%parallel_loop3A_241, %parallel_loop3A_242], %parallel_loop3A_245 {strides = array<i32>} : memref<256x64xf32, #tpu.memory_space<vmem>>, vector<1x16xf32>,
      %parallel_loop3A_246 = arith.index_cast %parallel_loop3A_221 : i32 to index
      %parallel_loop3A_247 = arith.constant 32 : index
      %parallel_loop3A_248 = tpu.vector_load %arg6[%parallel_loop3A_246, %parallel_loop3A_247] {strides = array<i32>} : memref<256x64xf32, #tpu.memory_space<vmem>>, vector<1x16xf32>,
      %parallel_loop3A_249 = vector.shape_cast %parallel_loop3A_248 : vector<1x16xf32> to vector<16xf32>
      %parallel_loop3A_250 = arith.constant 8.000000e+00 : f32
      %parallel_loop3A_251 = vector.broadcast %parallel_loop3A_250 : f32 to vector<16xf32>
      %parallel_loop3A_252 = arith.mulf %parallel_loop3A_249, %parallel_loop3A_251 : vector<16xf32>
      %parallel_loop3A_253 = arith.index_cast %parallel_loop3A_221 : i32 to index
      %parallel_loop3A_254 = arith.constant 32 : index
      %parallel_loop3A_255 = tpu.vector_load %arg6[%parallel_loop3A_253, %parallel_loop3A_254] {strides = array<i32>} : memref<256x64xf32, #tpu.memory_space<vmem>>, vector<1x16xf32>,
      %parallel_loop3A_256 = vector.shape_cast %parallel_loop3A_255 : vector<1x16xf32> to vector<16xf32>
      %parallel_loop3A_257 = vector.shape_cast %parallel_loop3A_252 : vector<16xf32> to vector<1x16xf32>
      tpu.vector_store %arg6[%parallel_loop3A_253, %parallel_loop3A_254], %parallel_loop3A_257 {strides = array<i32>} : memref<256x64xf32, #tpu.memory_space<vmem>>, vector<1x16xf32>,
      %parallel_loop3A_258 = arith.index_cast %parallel_loop3A_221 : i32 to index
      %parallel_loop3A_259 = arith.constant 48 : index
      %parallel_loop3A_260 = tpu.vector_load %arg6[%parallel_loop3A_258, %parallel_loop3A_259] {strides = array<i32>} : memref<256x64xf32, #tpu.memory_space<vmem>>, vector<1x16xf32>,
      %parallel_loop3A_261 = vector.shape_cast %parallel_loop3A_260 : vector<1x16xf32> to vector<16xf32>
      %parallel_loop3A_262 = arith.constant 8.000000e+00 : f32
      %parallel_loop3A_263 = vector.broadcast %parallel_loop3A_262 : f32 to vector<16xf32>
      %parallel_loop3A_264 = arith.mulf %parallel_loop3A_261, %parallel_loop3A_263 : vector<16xf32>
      %parallel_loop3A_265 = arith.index_cast %parallel_loop3A_221 : i32 to index
      %parallel_loop3A_266 = arith.constant 48 : index
      %parallel_loop3A_267 = tpu.vector_load %arg6[%parallel_loop3A_265, %parallel_loop3A_266] {strides = array<i32>} : memref<256x64xf32, #tpu.memory_space<vmem>>, vector<1x16xf32>,
      %parallel_loop3A_268 = vector.shape_cast %parallel_loop3A_267 : vector<1x16xf32> to vector<16xf32>
      %parallel_loop3A_269 = vector.shape_cast %parallel_loop3A_264 : vector<16xf32> to vector<1x16xf32>
      tpu.vector_store %arg6[%parallel_loop3A_265, %parallel_loop3A_266], %parallel_loop3A_269 {strides = array<i32>} : memref<256x64xf32, #tpu.memory_space<vmem>>, vector<1x16xf32>,
    } {sc.loop_unroll_factor = 8 : i64, sc.parallel_access}
    %add3A_145 = arith.constant 24576 : i32
    %add3A_146 = arith.addi %multiple_of3A, %add3A_145 : i32
    %multiple_of3A_147 = tpu.assume_multiple %add3A_146, 256 : i32
    %dma_start3A_148 = arith.constant 0 : i32
    %dma_start3A_149 = tpu.memref_slice %arg4[%multiple_of3A_147, %dma_start3A_148] : memref<819200x64xf32, #tpu.memory_space<hbm>> -> memref<256x64xf32, #tpu.memory_space<hbm>>
    %dma_start3A_150 = arith.constant 0 : i32
    %dma_start3A_151 = tpu.memref_slice %arg4[%multiple_of3A_147, %dma_start3A_150] : memref<819200x64xf32, #tpu.memory_space<hbm>> -> memref<256x64xf32, #tpu.memory_space<hbm>>
    tpu.enqueue_dma source(%arg6 : memref<256x64xf32, #tpu.memory_space<vmem>>) target(%dma_start3A_151 : memref<256x64xf32, #tpu.memory_space<hbm>>) target_semaphore(%arg14 : memref<!tpu.dma_semaphore, #tpu.memory_space<semaphore_mem>>)
    %dma_wait3A_152 = arith.constant 0 : i32
    %dma_wait3A_153 = tpu.memref_slice %arg5[%dma_wait3A_152] : memref<25600xi32, #tpu.memory_space<vmem>> -> memref<256xi32, #tpu.memory_space<vmem>>
    %dma_wait3A_154 = arith.constant 0 : i32
    %dma_wait3A_155 = arith.constant 0 : i32
    %dma_wait3A_156 = tpu.memref_slice %arg2[%dma_wait3A_154, %dma_wait3A_155] : memref<1000000x64xf32, #tpu.memory_space<hbm>> -> memref<1000000x64xf32, #tpu.memory_space<hbm>>
    tpu.wait_indirect_dma semaphore(%arg11 : memref<!tpu.dma_semaphore, #tpu.memory_space<semaphore_mem>>) src(%dma_wait3A_156 : memref<1000000x64xf32, #tpu.memory_space<hbm>>) dst(%arg7 : memref<256x64xf32, #tpu.memory_space<vmem>>)
    %parallel_loop3A_157 = arith.constant 0 : i32
    %parallel_loop3A_158 = arith.constant 256 : i32
    %parallel_loop3A_159 = arith.constant 1 : i32
    scf.for %parallel_loop3A_221 = %parallel_loop3A_157 to %parallel_loop3A_158 step %parallel_loop3A_159  : i32 {
      %parallel_loop3A_222 = arith.index_cast %parallel_loop3A_221 : i32 to index
      %parallel_loop3A_223 = arith.constant 0 : index
      %parallel_loop3A_224 = tpu.vector_load %arg7[%parallel_loop3A_222, %parallel_loop3A_223] {strides = array<i32>} : memref<256x64xf32, #tpu.memory_space<vmem>>, vector<1x16xf32>,
      %parallel_loop3A_225 = vector.shape_cast %parallel_loop3A_224 : vector<1x16xf32> to vector<16xf32>
      %parallel_loop3A_226 = arith.constant 8.000000e+00 : f32
      %parallel_loop3A_227 = vector.broadcast %parallel_loop3A_226 : f32 to vector<16xf32>
      %parallel_loop3A_228 = arith.mulf %parallel_loop3A_225, %parallel_loop3A_227 : vector<16xf32>
      %parallel_loop3A_229 = arith.index_cast %parallel_loop3A_221 : i32 to index
      %parallel_loop3A_230 = arith.constant 0 : index
      %parallel_loop3A_231 = tpu.vector_load %arg7[%parallel_loop3A_229, %parallel_loop3A_230] {strides = array<i32>} : memref<256x64xf32, #tpu.memory_space<vmem>>, vector<1x16xf32>,
      %parallel_loop3A_232 = vector.shape_cast %parallel_loop3A_231 : vector<1x16xf32> to vector<16xf32>
      %parallel_loop3A_233 = vector.shape_cast %parallel_loop3A_228 : vector<16xf32> to vector<1x16xf32>
      tpu.vector_store %arg7[%parallel_loop3A_229, %parallel_loop3A_230], %parallel_loop3A_233 {strides = array<i32>} : memref<256x64xf32, #tpu.memory_space<vmem>>, vector<1x16xf32>,
      %parallel_loop3A_234 = arith.index_cast %parallel_loop3A_221 : i32 to index
      %parallel_loop3A_235 = arith.constant 16 : index
      %parallel_loop3A_236 = tpu.vector_load %arg7[%parallel_loop3A_234, %parallel_loop3A_235] {strides = array<i32>} : memref<256x64xf32, #tpu.memory_space<vmem>>, vector<1x16xf32>,
      %parallel_loop3A_237 = vector.shape_cast %parallel_loop3A_236 : vector<1x16xf32> to vector<16xf32>
      %parallel_loop3A_238 = arith.constant 8.000000e+00 : f32
      %parallel_loop3A_239 = vector.broadcast %parallel_loop3A_238 : f32 to vector<16xf32>
      %parallel_loop3A_240 = arith.mulf %parallel_loop3A_237, %parallel_loop3A_239 : vector<16xf32>
      %parallel_loop3A_241 = arith.index_cast %parallel_loop3A_221 : i32 to index
      %parallel_loop3A_242 = arith.constant 16 : index
      %parallel_loop3A_243 = tpu.vector_load %arg7[%parallel_loop3A_241, %parallel_loop3A_242] {strides = array<i32>} : memref<256x64xf32, #tpu.memory_space<vmem>>, vector<1x16xf32>,
      %parallel_loop3A_244 = vector.shape_cast %parallel_loop3A_243 : vector<1x16xf32> to vector<16xf32>
      %parallel_loop3A_245 = vector.shape_cast %parallel_loop3A_240 : vector<16xf32> to vector<1x16xf32>
      tpu.vector_store %arg7[%parallel_loop3A_241, %parallel_loop3A_242], %parallel_loop3A_245 {strides = array<i32>} : memref<256x64xf32, #tpu.memory_space<vmem>>, vector<1x16xf32>,
      %parallel_loop3A_246 = arith.index_cast %parallel_loop3A_221 : i32 to index
      %parallel_loop3A_247 = arith.constant 32 : index
      %parallel_loop3A_248 = tpu.vector_load %arg7[%parallel_loop3A_246, %parallel_loop3A_247] {strides = array<i32>} : memref<256x64xf32, #tpu.memory_space<vmem>>, vector<1x16xf32>,
      %parallel_loop3A_249 = vector.shape_cast %parallel_loop3A_248 : vector<1x16xf32> to vector<16xf32>
      %parallel_loop3A_250 = arith.constant 8.000000e+00 : f32
      %parallel_loop3A_251 = vector.broadcast %parallel_loop3A_250 : f32 to vector<16xf32>
      %parallel_loop3A_252 = arith.mulf %parallel_loop3A_249, %parallel_loop3A_251 : vector<16xf32>
      %parallel_loop3A_253 = arith.index_cast %parallel_loop3A_221 : i32 to index
      %parallel_loop3A_254 = arith.constant 32 : index
      %parallel_loop3A_255 = tpu.vector_load %arg7[%parallel_loop3A_253, %parallel_loop3A_254] {strides = array<i32>} : memref<256x64xf32, #tpu.memory_space<vmem>>, vector<1x16xf32>,
      %parallel_loop3A_256 = vector.shape_cast %parallel_loop3A_255 : vector<1x16xf32> to vector<16xf32>
      %parallel_loop3A_257 = vector.shape_cast %parallel_loop3A_252 : vector<16xf32> to vector<1x16xf32>
      tpu.vector_store %arg7[%parallel_loop3A_253, %parallel_loop3A_254], %parallel_loop3A_257 {strides = array<i32>} : memref<256x64xf32, #tpu.memory_space<vmem>>, vector<1x16xf32>,
      %parallel_loop3A_258 = arith.index_cast %parallel_loop3A_221 : i32 to index
      %parallel_loop3A_259 = arith.constant 48 : index
      %parallel_loop3A_260 = tpu.vector_load %arg7[%parallel_loop3A_258, %parallel_loop3A_259] {strides = array<i32>} : memref<256x64xf32, #tpu.memory_space<vmem>>, vector<1x16xf32>,
      %parallel_loop3A_261 = vector.shape_cast %parallel_loop3A_260 : vector<1x16xf32> to vector<16xf32>
      %parallel_loop3A_262 = arith.constant 8.000000e+00 : f32
      %parallel_loop3A_263 = vector.broadcast %parallel_loop3A_262 : f32 to vector<16xf32>
      %parallel_loop3A_264 = arith.mulf %parallel_loop3A_261, %parallel_loop3A_263 : vector<16xf32>
      %parallel_loop3A_265 = arith.index_cast %parallel_loop3A_221 : i32 to index
      %parallel_loop3A_266 = arith.constant 48 : index
      %parallel_loop3A_267 = tpu.vector_load %arg7[%parallel_loop3A_265, %parallel_loop3A_266] {strides = array<i32>} : memref<256x64xf32, #tpu.memory_space<vmem>>, vector<1x16xf32>,
      %parallel_loop3A_268 = vector.shape_cast %parallel_loop3A_267 : vector<1x16xf32> to vector<16xf32>
      %parallel_loop3A_269 = vector.shape_cast %parallel_loop3A_264 : vector<16xf32> to vector<1x16xf32>
      tpu.vector_store %arg7[%parallel_loop3A_265, %parallel_loop3A_266], %parallel_loop3A_269 {strides = array<i32>} : memref<256x64xf32, #tpu.memory_space<vmem>>, vector<1x16xf32>,
    } {sc.loop_unroll_factor = 8 : i64, sc.parallel_access}
    %add3A_160 = arith.constant 24832 : i32
    %add3A_161 = arith.addi %multiple_of3A, %add3A_160 : i32
    %multiple_of3A_162 = tpu.assume_multiple %add3A_161, 256 : i32
    %dma_start3A_163 = arith.constant 0 : i32
    %dma_start3A_164 = tpu.memref_slice %arg4[%multiple_of3A_162, %dma_start3A_163] : memref<819200x64xf32, #tpu.memory_space<hbm>> -> memref<256x64xf32, #tpu.memory_space<hbm>>
    %dma_start3A_165 = arith.constant 0 : i32
    %dma_start3A_166 = tpu.memref_slice %arg4[%multiple_of3A_162, %dma_start3A_165] : memref<819200x64xf32, #tpu.memory_space<hbm>> -> memref<256x64xf32, #tpu.memory_space<hbm>>
    tpu.enqueue_dma source(%arg7 : memref<256x64xf32, #tpu.memory_space<vmem>>) target(%dma_start3A_166 : memref<256x64xf32, #tpu.memory_space<hbm>>) target_semaphore(%arg15 : memref<!tpu.dma_semaphore, #tpu.memory_space<semaphore_mem>>)
    %dma_wait3A_167 = arith.constant 0 : i32
    %dma_wait3A_168 = tpu.memref_slice %arg5[%dma_wait3A_167] : memref<25600xi32, #tpu.memory_space<vmem>> -> memref<256xi32, #tpu.memory_space<vmem>>
    %dma_wait3A_169 = arith.constant 0 : i32
    %dma_wait3A_170 = arith.constant 0 : i32
    %dma_wait3A_171 = tpu.memref_slice %arg2[%dma_wait3A_169, %dma_wait3A_170] : memref<1000000x64xf32, #tpu.memory_space<hbm>> -> memref<1000000x64xf32, #tpu.memory_space<hbm>>
    tpu.wait_indirect_dma semaphore(%arg12 : memref<!tpu.dma_semaphore, #tpu.memory_space<semaphore_mem>>) src(%dma_wait3A_171 : memref<1000000x64xf32, #tpu.memory_space<hbm>>) dst(%arg8 : memref<256x64xf32, #tpu.memory_space<vmem>>)
    %parallel_loop3A_172 = arith.constant 0 : i32
    %parallel_loop3A_173 = arith.constant 256 : i32
    %parallel_loop3A_174 = arith.constant 1 : i32
    scf.for %parallel_loop3A_221 = %parallel_loop3A_172 to %parallel_loop3A_173 step %parallel_loop3A_174  : i32 {
      %parallel_loop3A_222 = arith.index_cast %parallel_loop3A_221 : i32 to index
      %parallel_loop3A_223 = arith.constant 0 : index
      %parallel_loop3A_224 = tpu.vector_load %arg8[%parallel_loop3A_222, %parallel_loop3A_223] {strides = array<i32>} : memref<256x64xf32, #tpu.memory_space<vmem>>, vector<1x16xf32>,
      %parallel_loop3A_225 = vector.shape_cast %parallel_loop3A_224 : vector<1x16xf32> to vector<16xf32>
      %parallel_loop3A_226 = arith.constant 8.000000e+00 : f32
      %parallel_loop3A_227 = vector.broadcast %parallel_loop3A_226 : f32 to vector<16xf32>
      %parallel_loop3A_228 = arith.mulf %parallel_loop3A_225, %parallel_loop3A_227 : vector<16xf32>
      %parallel_loop3A_229 = arith.index_cast %parallel_loop3A_221 : i32 to index
      %parallel_loop3A_230 = arith.constant 0 : index
      %parallel_loop3A_231 = tpu.vector_load %arg8[%parallel_loop3A_229, %parallel_loop3A_230] {strides = array<i32>} : memref<256x64xf32, #tpu.memory_space<vmem>>, vector<1x16xf32>,
      %parallel_loop3A_232 = vector.shape_cast %parallel_loop3A_231 : vector<1x16xf32> to vector<16xf32>
      %parallel_loop3A_233 = vector.shape_cast %parallel_loop3A_228 : vector<16xf32> to vector<1x16xf32>
      tpu.vector_store %arg8[%parallel_loop3A_229, %parallel_loop3A_230], %parallel_loop3A_233 {strides = array<i32>} : memref<256x64xf32, #tpu.memory_space<vmem>>, vector<1x16xf32>,
      %parallel_loop3A_234 = arith.index_cast %parallel_loop3A_221 : i32 to index
      %parallel_loop3A_235 = arith.constant 16 : index
      %parallel_loop3A_236 = tpu.vector_load %arg8[%parallel_loop3A_234, %parallel_loop3A_235] {strides = array<i32>} : memref<256x64xf32, #tpu.memory_space<vmem>>, vector<1x16xf32>,
      %parallel_loop3A_237 = vector.shape_cast %parallel_loop3A_236 : vector<1x16xf32> to vector<16xf32>
      %parallel_loop3A_238 = arith.constant 8.000000e+00 : f32
      %parallel_loop3A_239 = vector.broadcast %parallel_loop3A_238 : f32 to vector<16xf32>
      %parallel_loop3A_240 = arith.mulf %parallel_loop3A_237, %parallel_loop3A_239 : vector<16xf32>
      %parallel_loop3A_241 = arith.index_cast %parallel_loop3A_221 : i32 to index
      %parallel_loop3A_242 = arith.constant 16 : index
      %parallel_loop3A_243 = tpu.vector_load %arg8[%parallel_loop3A_241, %parallel_loop3A_242] {strides = array<i32>} : memref<256x64xf32, #tpu.memory_space<vmem>>, vector<1x16xf32>,
      %parallel_loop3A_244 = vector.shape_cast %parallel_loop3A_243 : vector<1x16xf32> to vector<16xf32>
      %parallel_loop3A_245 = vector.shape_cast %parallel_loop3A_240 : vector<16xf32> to vector<1x16xf32>
      tpu.vector_store %arg8[%parallel_loop3A_241, %parallel_loop3A_242], %parallel_loop3A_245 {strides = array<i32>} : memref<256x64xf32, #tpu.memory_space<vmem>>, vector<1x16xf32>,
      %parallel_loop3A_246 = arith.index_cast %parallel_loop3A_221 : i32 to index
      %parallel_loop3A_247 = arith.constant 32 : index
      %parallel_loop3A_248 = tpu.vector_load %arg8[%parallel_loop3A_246, %parallel_loop3A_247] {strides = array<i32>} : memref<256x64xf32, #tpu.memory_space<vmem>>, vector<1x16xf32>,
      %parallel_loop3A_249 = vector.shape_cast %parallel_loop3A_248 : vector<1x16xf32> to vector<16xf32>
      %parallel_loop3A_250 = arith.constant 8.000000e+00 : f32
      %parallel_loop3A_251 = vector.broadcast %parallel_loop3A_250 : f32 to vector<16xf32>
      %parallel_loop3A_252 = arith.mulf %parallel_loop3A_249, %parallel_loop3A_251 : vector<16xf32>
      %parallel_loop3A_253 = arith.index_cast %parallel_loop3A_221 : i32 to index
      %parallel_loop3A_254 = arith.constant 32 : index
      %parallel_loop3A_255 = tpu.vector_load %arg8[%parallel_loop3A_253, %parallel_loop3A_254] {strides = array<i32>} : memref<256x64xf32, #tpu.memory_space<vmem>>, vector<1x16xf32>,
      %parallel_loop3A_256 = vector.shape_cast %parallel_loop3A_255 : vector<1x16xf32> to vector<16xf32>
      %parallel_loop3A_257 = vector.shape_cast %parallel_loop3A_252 : vector<16xf32> to vector<1x16xf32>
      tpu.vector_store %arg8[%parallel_loop3A_253, %parallel_loop3A_254], %parallel_loop3A_257 {strides = array<i32>} : memref<256x64xf32, #tpu.memory_space<vmem>>, vector<1x16xf32>,
      %parallel_loop3A_258 = arith.index_cast %parallel_loop3A_221 : i32 to index
      %parallel_loop3A_259 = arith.constant 48 : index
      %parallel_loop3A_260 = tpu.vector_load %arg8[%parallel_loop3A_258, %parallel_loop3A_259] {strides = array<i32>} : memref<256x64xf32, #tpu.memory_space<vmem>>, vector<1x16xf32>,
      %parallel_loop3A_261 = vector.shape_cast %parallel_loop3A_260 : vector<1x16xf32> to vector<16xf32>
      %parallel_loop3A_262 = arith.constant 8.000000e+00 : f32
      %parallel_loop3A_263 = vector.broadcast %parallel_loop3A_262 : f32 to vector<16xf32>
      %parallel_loop3A_264 = arith.mulf %parallel_loop3A_261, %parallel_loop3A_263 : vector<16xf32>
      %parallel_loop3A_265 = arith.index_cast %parallel_loop3A_221 : i32 to index
      %parallel_loop3A_266 = arith.constant 48 : index
      %parallel_loop3A_267 = tpu.vector_load %arg8[%parallel_loop3A_265, %parallel_loop3A_266] {strides = array<i32>} : memref<256x64xf32, #tpu.memory_space<vmem>>, vector<1x16xf32>,
      %parallel_loop3A_268 = vector.shape_cast %parallel_loop3A_267 : vector<1x16xf32> to vector<16xf32>
      %parallel_loop3A_269 = vector.shape_cast %parallel_loop3A_264 : vector<16xf32> to vector<1x16xf32>
      tpu.vector_store %arg8[%parallel_loop3A_265, %parallel_loop3A_266], %parallel_loop3A_269 {strides = array<i32>} : memref<256x64xf32, #tpu.memory_space<vmem>>, vector<1x16xf32>,
    } {sc.loop_unroll_factor = 8 : i64, sc.parallel_access}
    %add3A_175 = arith.constant 25088 : i32
    %add3A_176 = arith.addi %multiple_of3A, %add3A_175 : i32
    %multiple_of3A_177 = tpu.assume_multiple %add3A_176, 256 : i32
    %dma_start3A_178 = arith.constant 0 : i32
    %dma_start3A_179 = tpu.memref_slice %arg4[%multiple_of3A_177, %dma_start3A_178] : memref<819200x64xf32, #tpu.memory_space<hbm>> -> memref<256x64xf32, #tpu.memory_space<hbm>>
    %dma_start3A_180 = arith.constant 0 : i32
    %dma_start3A_181 = tpu.memref_slice %arg4[%multiple_of3A_177, %dma_start3A_180] : memref<819200x64xf32, #tpu.memory_space<hbm>> -> memref<256x64xf32, #tpu.memory_space<hbm>>
    tpu.enqueue_dma source(%arg8 : memref<256x64xf32, #tpu.memory_space<vmem>>) target(%dma_start3A_181 : memref<256x64xf32, #tpu.memory_space<hbm>>) target_semaphore(%arg16 : memref<!tpu.dma_semaphore, #tpu.memory_space<semaphore_mem>>)
    %dma_wait3A_182 = arith.constant 0 : i32
    %dma_wait3A_183 = tpu.memref_slice %arg5[%dma_wait3A_182] : memref<25600xi32, #tpu.memory_space<vmem>> -> memref<256xi32, #tpu.memory_space<vmem>>
    %dma_wait3A_184 = arith.constant 0 : i32
    %dma_wait3A_185 = arith.constant 0 : i32
    %dma_wait3A_186 = tpu.memref_slice %arg2[%dma_wait3A_184, %dma_wait3A_185] : memref<1000000x64xf32, #tpu.memory_space<hbm>> -> memref<1000000x64xf32, #tpu.memory_space<hbm>>
    tpu.wait_indirect_dma semaphore(%arg13 : memref<!tpu.dma_semaphore, #tpu.memory_space<semaphore_mem>>) src(%dma_wait3A_186 : memref<1000000x64xf32, #tpu.memory_space<hbm>>) dst(%arg9 : memref<256x64xf32, #tpu.memory_space<vmem>>)
    %parallel_loop3A_187 = arith.constant 0 : i32
    %parallel_loop3A_188 = arith.constant 256 : i32
    %parallel_loop3A_189 = arith.constant 1 : i32
    scf.for %parallel_loop3A_221 = %parallel_loop3A_187 to %parallel_loop3A_188 step %parallel_loop3A_189  : i32 {
      %parallel_loop3A_222 = arith.index_cast %parallel_loop3A_221 : i32 to index
      %parallel_loop3A_223 = arith.constant 0 : index
      %parallel_loop3A_224 = tpu.vector_load %arg9[%parallel_loop3A_222, %parallel_loop3A_223] {strides = array<i32>} : memref<256x64xf32, #tpu.memory_space<vmem>>, vector<1x16xf32>,
      %parallel_loop3A_225 = vector.shape_cast %parallel_loop3A_224 : vector<1x16xf32> to vector<16xf32>
      %parallel_loop3A_226 = arith.constant 8.000000e+00 : f32
      %parallel_loop3A_227 = vector.broadcast %parallel_loop3A_226 : f32 to vector<16xf32>
      %parallel_loop3A_228 = arith.mulf %parallel_loop3A_225, %parallel_loop3A_227 : vector<16xf32>
      %parallel_loop3A_229 = arith.index_cast %parallel_loop3A_221 : i32 to index
      %parallel_loop3A_230 = arith.constant 0 : index
      %parallel_loop3A_231 = tpu.vector_load %arg9[%parallel_loop3A_229, %parallel_loop3A_230] {strides = array<i32>} : memref<256x64xf32, #tpu.memory_space<vmem>>, vector<1x16xf32>,
      %parallel_loop3A_232 = vector.shape_cast %parallel_loop3A_231 : vector<1x16xf32> to vector<16xf32>
      %parallel_loop3A_233 = vector.shape_cast %parallel_loop3A_228 : vector<16xf32> to vector<1x16xf32>
      tpu.vector_store %arg9[%parallel_loop3A_229, %parallel_loop3A_230], %parallel_loop3A_233 {strides = array<i32>} : memref<256x64xf32, #tpu.memory_space<vmem>>, vector<1x16xf32>,
      %parallel_loop3A_234 = arith.index_cast %parallel_loop3A_221 : i32 to index
      %parallel_loop3A_235 = arith.constant 16 : index
      %parallel_loop3A_236 = tpu.vector_load %arg9[%parallel_loop3A_234, %parallel_loop3A_235] {strides = array<i32>} : memref<256x64xf32, #tpu.memory_space<vmem>>, vector<1x16xf32>,
      %parallel_loop3A_237 = vector.shape_cast %parallel_loop3A_236 : vector<1x16xf32> to vector<16xf32>
      %parallel_loop3A_238 = arith.constant 8.000000e+00 : f32
      %parallel_loop3A_239 = vector.broadcast %parallel_loop3A_238 : f32 to vector<16xf32>
      %parallel_loop3A_240 = arith.mulf %parallel_loop3A_237, %parallel_loop3A_239 : vector<16xf32>
      %parallel_loop3A_241 = arith.index_cast %parallel_loop3A_221 : i32 to index
      %parallel_loop3A_242 = arith.constant 16 : index
      %parallel_loop3A_243 = tpu.vector_load %arg9[%parallel_loop3A_241, %parallel_loop3A_242] {strides = array<i32>} : memref<256x64xf32, #tpu.memory_space<vmem>>, vector<1x16xf32>,
      %parallel_loop3A_244 = vector.shape_cast %parallel_loop3A_243 : vector<1x16xf32> to vector<16xf32>
      %parallel_loop3A_245 = vector.shape_cast %parallel_loop3A_240 : vector<16xf32> to vector<1x16xf32>
      tpu.vector_store %arg9[%parallel_loop3A_241, %parallel_loop3A_242], %parallel_loop3A_245 {strides = array<i32>} : memref<256x64xf32, #tpu.memory_space<vmem>>, vector<1x16xf32>,
      %parallel_loop3A_246 = arith.index_cast %parallel_loop3A_221 : i32 to index
      %parallel_loop3A_247 = arith.constant 32 : index
      %parallel_loop3A_248 = tpu.vector_load %arg9[%parallel_loop3A_246, %parallel_loop3A_247] {strides = array<i32>} : memref<256x64xf32, #tpu.memory_space<vmem>>, vector<1x16xf32>,
      %parallel_loop3A_249 = vector.shape_cast %parallel_loop3A_248 : vector<1x16xf32> to vector<16xf32>
      %parallel_loop3A_250 = arith.constant 8.000000e+00 : f32
      %parallel_loop3A_251 = vector.broadcast %parallel_loop3A_250 : f32 to vector<16xf32>
      %parallel_loop3A_252 = arith.mulf %parallel_loop3A_249, %parallel_loop3A_251 : vector<16xf32>
      %parallel_loop3A_253 = arith.index_cast %parallel_loop3A_221 : i32 to index
      %parallel_loop3A_254 = arith.constant 32 : index
      %parallel_loop3A_255 = tpu.vector_load %arg9[%parallel_loop3A_253, %parallel_loop3A_254] {strides = array<i32>} : memref<256x64xf32, #tpu.memory_space<vmem>>, vector<1x16xf32>,
      %parallel_loop3A_256 = vector.shape_cast %parallel_loop3A_255 : vector<1x16xf32> to vector<16xf32>
      %parallel_loop3A_257 = vector.shape_cast %parallel_loop3A_252 : vector<16xf32> to vector<1x16xf32>
      tpu.vector_store %arg9[%parallel_loop3A_253, %parallel_loop3A_254], %parallel_loop3A_257 {strides = array<i32>} : memref<256x64xf32, #tpu.memory_space<vmem>>, vector<1x16xf32>,
      %parallel_loop3A_258 = arith.index_cast %parallel_loop3A_221 : i32 to index
      %parallel_loop3A_259 = arith.constant 48 : index
      %parallel_loop3A_260 = tpu.vector_load %arg9[%parallel_loop3A_258, %parallel_loop3A_259] {strides = array<i32>} : memref<256x64xf32, #tpu.memory_space<vmem>>, vector<1x16xf32>,
      %parallel_loop3A_261 = vector.shape_cast %parallel_loop3A_260 : vector<1x16xf32> to vector<16xf32>
      %parallel_loop3A_262 = arith.constant 8.000000e+00 : f32
      %parallel_loop3A_263 = vector.broadcast %parallel_loop3A_262 : f32 to vector<16xf32>
      %parallel_loop3A_264 = arith.mulf %parallel_loop3A_261, %parallel_loop3A_263 : vector<16xf32>
      %parallel_loop3A_265 = arith.index_cast %parallel_loop3A_221 : i32 to index
      %parallel_loop3A_266 = arith.constant 48 : index
      %parallel_loop3A_267 = tpu.vector_load %arg9[%parallel_loop3A_265, %parallel_loop3A_266] {strides = array<i32>} : memref<256x64xf32, #tpu.memory_space<vmem>>, vector<1x16xf32>,
      %parallel_loop3A_268 = vector.shape_cast %parallel_loop3A_267 : vector<1x16xf32> to vector<16xf32>
      %parallel_loop3A_269 = vector.shape_cast %parallel_loop3A_264 : vector<16xf32> to vector<1x16xf32>
      tpu.vector_store %arg9[%parallel_loop3A_265, %parallel_loop3A_266], %parallel_loop3A_269 {strides = array<i32>} : memref<256x64xf32, #tpu.memory_space<vmem>>, vector<1x16xf32>,
    } {sc.loop_unroll_factor = 8 : i64, sc.parallel_access}
    %add3A_190 = arith.constant 25344 : i32
    %add3A_191 = arith.addi %multiple_of3A, %add3A_190 : i32
    %multiple_of3A_192 = tpu.assume_multiple %add3A_191, 256 : i32
    %dma_start3A_193 = arith.constant 0 : i32
    %dma_start3A_194 = tpu.memref_slice %arg4[%multiple_of3A_192, %dma_start3A_193] : memref<819200x64xf32, #tpu.memory_space<hbm>> -> memref<256x64xf32, #tpu.memory_space<hbm>>
    %dma_start3A_195 = arith.constant 0 : i32
    %dma_start3A_196 = tpu.memref_slice %arg4[%multiple_of3A_192, %dma_start3A_195] : memref<819200x64xf32, #tpu.memory_space<hbm>> -> memref<256x64xf32, #tpu.memory_space<hbm>>
    tpu.enqueue_dma source(%arg9 : memref<256x64xf32, #tpu.memory_space<vmem>>) target(%dma_start3A_196 : memref<256x64xf32, #tpu.memory_space<hbm>>) target_semaphore(%arg17 : memref<!tpu.dma_semaphore, #tpu.memory_space<semaphore_mem>>)
    %dma_wait3A_197 = arith.constant 0 : i32
    %dma_wait3A_198 = arith.constant 0 : i32
    %dma_wait3A_199 = tpu.memref_slice %arg4[%dma_wait3A_197, %dma_wait3A_198] : memref<819200x64xf32, #tpu.memory_space<hbm>> -> memref<256x64xf32, #tpu.memory_space<hbm>>
    %dma_wait3A_200 = arith.constant 0 : i32
    %dma_wait3A_201 = arith.constant 0 : i32
    %dma_wait3A_202 = tpu.memref_slice %arg4[%dma_wait3A_200, %dma_wait3A_201] : memref<819200x64xf32, #tpu.memory_space<hbm>> -> memref<256x64xf32, #tpu.memory_space<hbm>>
    tpu.wait_dma2 semaphore(%arg14 : memref<!tpu.dma_semaphore, #tpu.memory_space<semaphore_mem>>) src(%arg6 : memref<256x64xf32, #tpu.memory_space<vmem>>) dst(%dma_wait3A_202 : memref<256x64xf32, #tpu.memory_space<hbm>>)
    %dma_wait3A_203 = arith.constant 0 : i32
    %dma_wait3A_204 = arith.constant 0 : i32
    %dma_wait3A_205 = tpu.memref_slice %arg4[%dma_wait3A_203, %dma_wait3A_204] : memref<819200x64xf32, #tpu.memory_space<hbm>> -> memref<256x64xf32, #tpu.memory_space<hbm>>
    %dma_wait3A_206 = arith.constant 0 : i32
    %dma_wait3A_207 = arith.constant 0 : i32
    %dma_wait3A_208 = tpu.memref_slice %arg4[%dma_wait3A_206, %dma_wait3A_207] : memref<819200x64xf32, #tpu.memory_space<hbm>> -> memref<256x64xf32, #tpu.memory_space<hbm>>
    tpu.wait_dma2 semaphore(%arg15 : memref<!tpu.dma_semaphore, #tpu.memory_space<semaphore_mem>>) src(%arg7 : memref<256x64xf32, #tpu.memory_space<vmem>>) dst(%dma_wait3A_208 : memref<256x64xf32, #tpu.memory_space<hbm>>)
    %dma_wait3A_209 = arith.constant 0 : i32
    %dma_wait3A_210 = arith.constant 0 : i32
    %dma_wait3A_211 = tpu.memref_slice %arg4[%dma_wait3A_209, %dma_wait3A_210] : memref<819200x64xf32, #tpu.memory_space<hbm>> -> memref<256x64xf32, #tpu.memory_space<hbm>>
    %dma_wait3A_212 = arith.constant 0 : i32
    %dma_wait3A_213 = arith.constant 0 : i32
    %dma_wait3A_214 = tpu.memref_slice %arg4[%dma_wait3A_212, %dma_wait3A_213] : memref<819200x64xf32, #tpu.memory_space<hbm>> -> memref<256x64xf32, #tpu.memory_space<hbm>>
    tpu.wait_dma2 semaphore(%arg16 : memref<!tpu.dma_semaphore, #tpu.memory_space<semaphore_mem>>) src(%arg8 : memref<256x64xf32, #tpu.memory_space<vmem>>) dst(%dma_wait3A_214 : memref<256x64xf32, #tpu.memory_space<hbm>>)
    %dma_wait3A_215 = arith.constant 0 : i32
    %dma_wait3A_216 = arith.constant 0 : i32
    %dma_wait3A_217 = tpu.memref_slice %arg4[%dma_wait3A_215, %dma_wait3A_216] : memref<819200x64xf32, #tpu.memory_space<hbm>> -> memref<256x64xf32, #tpu.memory_space<hbm>>
    %dma_wait3A_218 = arith.constant 0 : i32
    %dma_wait3A_219 = arith.constant 0 : i32
    %dma_wait3A_220 = tpu.memref_slice %arg4[%dma_wait3A_218, %dma_wait3A_219] : memref<819200x64xf32, #tpu.memory_space<hbm>> -> memref<256x64xf32, #tpu.memory_space<hbm>>
    tpu.wait_dma2 semaphore(%arg17 : memref<!tpu.dma_semaphore, #tpu.memory_space<semaphore_mem>>) src(%arg9 : memref<256x64xf32, #tpu.memory_space<vmem>>) dst(%dma_wait3A_220 : memref<256x64xf32, #tpu.memory_space<hbm>>)
    return
  }
}

</mosaic_0001>

<sc_bundles>
// kernel: kernel.3.cloned.1.call-start
scs
__scs_entry_jumppad:
0x0: {  	(pc) =	sbr.rel $0x88, $3  }
0x1: {  	(tag) =	ssettag $0x0;
	lr =	simm.s32 $0x1  }
0x2: {  	[smem:$0x3F9F] =	sst lr;
	_ =	strace $0xD0000000  }
0x3: {  	_ = 	snop  }
0x4: {  	_ = 	snop  }
0x5: {  	_ = 	snop  }
0x6: {  	_ = 	snop  }
0x7: {  	_ = 	snop  }
__scs_overlays_trampoline_lowered:
0x8: {  	[smem:$0x3FAE] =	sst s0  }
0x9: {  	[smem:$0x3FAF] =	sst s1  }
0xa: {  	[smem:$0x3FB0] =	sst s2  }
0xb: {  	[smem:$0x3FB1] =	sst s3  }
0xc: {  	[smem:$0x3FB2] =	sst s4  }
0xd: {  	[smem:$0x3FB3] =	sst s5  }
0xe: {  	[smem:$0x3FB4] =	sst s6  }
0xf: {  	[smem:$0x3FB5] =	sst s7  }
0x10: {  	[smem:$0x3FB6] =	sst s8  }
0x11: {  	[smem:$0x3FB7] =	sst s9;
	s0 =	simm.s32 @!p0 $0x0  }
0x12: {  	s1 =	sld [smem:$0x3F9D];
	s0 =	simm.s32 @p0 $0x1  }
0x13: {  	[smem:$0x3FB8] =	sst s0;
	s0 =	simm.s32 @!p1 $0x0  }
0x14: {  	s2 =	sld [smem:$0x3F9C];
	s0 =	simm.s32 @p1 $0x1  }
0x15: {  	[smem:$0x3FB9] =	sst s0;
	s0 =	simm.s32 @!p2 $0x0  }
0x16: {  	s3 =	sld [smem:$0x3FDB];
	s0 =	simm.s32 @p2 $0x1  }
0x17: {  	s4 =	simm.s32 $0x1BF5;
	[smem:$0x3FBB] =	sst s0  }
0x18: {  	s0 =	sld [smem:$0x3F9E];
	_ =	swait.ge [sflag:s4], $0x0  }
0x19: {  	s7 =	sld [smem:$0x3F9F]  }
0x1a: {  	s8 =	sadd.s32 $0xFFFFE003, lr  }
0x1b: {  	s9 =	sadd.s32 $0xFFFFFEF7, lr;
	s5 =	simm.s32 $0xFFFFFFFF;
	p2 =	slt.u32 s8, $0xFFFFF086  }
0x1c: {  	p1 =	slt.u32 s9, $0xF7A;
	s5 =	simm.s32 @!p2 $0x0  }
0x1d: {  	s5 =	simm.s32 @p1 $0x1;
	p0 =	seq.s32 s7, s2  }
0x1e: {  	s7 =	smul.u32 @!p0 $0xF7A, s2;
	p2 =	seq.s32 @!p0 s5, $0x0  }
0x1f: {  	s9 =	smul.u32 $0xF7A, s1;
	s8 =	simm.s32 @!p0 $0x1BF5;
	p2 =	por !p2, p0  }
0x20: {  	[sflag:s8] =	ssyncset.s32 @!p0 $0xFFFFF086;
	s6 =	sadd.s32 @!p0 s3, s7;
	s7 =	simm.s32 @!p0 $0x108  }
0x21: {  	s3 =	sadd.s32 s3, s9;
	s6 =	sadd.s32 @!p0 $0x88, s6;
	s7 =	simm.s32 @p2 $0x1082  }
0x22: {  	[simem:s7], [sflag:s8] =	dma.local @!p0 [hbm:s6], $0xF7A  }
0x23: {  	s9 =	sor.u32 $0xD0000000, s2;
	s6 =	simm.s32 $0x108;
	_ =	swait.ge @!p0 [sflag:s8], $0x0  }
0x24: {  	s3 =	sadd.s32 $0x88, s3;
	s6 =	simm.s32 @!p1 $0x1082;
	[sflag:s4] =	ssyncset.s32 $0xFFFFF086  }
0x25: {  	[simem:s6], [sflag:s4] =	dma.local [hbm:s3], $0xF7A  }
0x26: {  	[smem:$0x3F9F] =	sst s1;
	(tag) =	ssettag s2;
	_ =	strace s9  }
0x27: {  	s1 =	sld [smem:$0x3FAF]  }
0x28: {  	s2 =	sld [smem:$0x3FB0]  }
0x29: {  	s4 =	sld [smem:$0x3FB2]  }
0x2a: {  	p0 =	seq.s32 s5, $0x0;
	s5 =	sld [smem:$0x3FB3]  }
0x2b: {  	s6 =	sld [smem:$0x3FB4]  }
0x2c: {  	s7 =	sld [smem:$0x3FB5]  }
0x2d: {  	s3 =	simm.s32 $0x108;
	s8 =	sld [smem:$0x3FB6]  }
0x2e: {  	s3 =	simm.s32 @!p0 $0x1082;
	s9 =	sld [smem:$0x3FB7]  }
0x2f: {  	lr =	sadd.s32 s0, s3;
	s0 =	sld [smem:$0x3FAE]  }
0x30: {  	s3 =	sld [smem:$0x3FB1]  }
0x31: {  	[smem:$0x3FBA] =	sst s10  }
0x32: {  	s10 =	sld [smem:$0x3FB8];
	_ =	sdelay $0x3  }
0x33: {  	p0 =	seq.s32 s10, $0x1;
	s10 =	sld [smem:$0x3FBA];
	_ =	sdelay $0x3  }
0x34: {  	[smem:$0x3FBA] =	sst s10  }
0x35: {  	s10 =	sld [smem:$0x3FB9];
	_ =	sdelay $0x3  }
0x36: {  	p1 =	seq.s32 s10, $0x1;
	s10 =	sld [smem:$0x3FBA];
	_ =	sdelay $0x3  }
0x37: {  	[smem:$0x3FBA] =	sst s10  }
0x38: {  	s10 =	sld [smem:$0x3FBB]  }
0x39: {  	_ = 	snop;
	(pc) =	sbr.ind lr, $3  }
0x3a: {  	_ = 	snop  }
0x3b: {  	_ = 	snop  }
0x3c: {  	p2 =	seq.s32 s10, $0x1;
	s10 =	sld [smem:$0x3FBA]  }
0x3d: {  	_ =	shalt  }
0x3e: {  	_ =	shalt  }
0x3f: {  	_ =	shalt  }
0x40: {  	_ =	shalt  }
0x41: {  	_ =	shalt  }
0x42: {  	_ =	shalt  }
0x43: {  	_ =	shalt  }
0x44: {  	_ =	shalt  }
0x45: {  	_ =	shalt  }
0x46: {  	_ =	shalt  }
0x47: {  	_ =	shalt  }
0x48: {  	_ =	shalt  }
0x49: {  	_ =	shalt  }
0x4a: {  	_ =	shalt  }
0x4b: {  	_ =	shalt  }
0x4c: {  	_ =	shalt  }
0x4d: {  	_ =	shalt  }
0x4e: {  	_ =	shalt  }
0x4f: {  	_ =	shalt  }
0x50: {  	_ =	shalt  }
0x51: {  	_ =	shalt  }
0x52: {  	_ =	shalt  }
0x53: {  	_ =	shalt  }
0x54: {  	_ =	shalt  }
0x55: {  	_ =	shalt  }
0x56: {  	_ =	shalt  }
0x57: {  	_ =	shalt  }
0x58: {  	_ =	shalt  }
0x59: {  	_ =	shalt  }
0x5a: {  	_ =	shalt  }
0x5b: {  	_ =	shalt  }
0x5c: {  	_ =	shalt  }
0x5d: {  	_ =	shalt  }
0x5e: {  	_ =	shalt  }
0x5f: {  	_ =	shalt  }
0x60: {  	_ =	shalt  }
0x61: {  	_ =	shalt  }
0x62: {  	_ =	shalt  }
0x63: {  	_ =	shalt  }
0x64: {  	_ =	shalt  }
0x65: {  	_ =	shalt  }
0x66: {  	_ =	shalt  }
0x67: {  	_ =	shalt  }
0x68: {  	_ =	shalt  }
0x69: {  	_ =	shalt  }
0x6a: {  	_ =	shalt  }
0x6b: {  	_ =	shalt  }
0x6c: {  	_ =	shalt  }
0x6d: {  	_ =	shalt  }
0x6e: {  	_ =	shalt  }
0x6f: {  	_ =	shalt  }
0x70: {  	_ =	shalt  }
0x71: {  	_ =	shalt  }
0x72: {  	_ =	shalt  }
0x73: {  	_ =	shalt  }
0x74: {  	_ =	shalt  }
0x75: {  	_ =	shalt  }
0x76: {  	_ =	shalt  }
0x77: {  	_ =	shalt  }
0x78: {  	_ =	shalt  }
0x79: {  	_ =	shalt  }
0x7a: {  	_ =	shalt  }
0x7b: {  	_ =	shalt  }
0x7c: {  	_ =	shalt  }
0x7d: {  	_ =	shalt  }
0x7e: {  	_ =	shalt  }
0x7f: {  	_ =	shalt  }
0x80: {  	_ =	shalt  }
0x81: {  	_ =	shalt  }
0x82: {  	_ =	shalt  }
0x83: {  	_ =	shalt  }
0x84: {  	_ =	shalt  }
0x85: {  	_ =	shalt  }
0x86: {  	_ =	shalt  }
0x87: {  	_ =	shalt  }
.Lfunc_end0:
.L_simem_size_0:
called_computation.1_lowered:
.L_overlay_start_0:
0x88: {  	s2 =	sld [smem:$0x3FD9]  }
0x89: {  	s3 =	sld [smem:$0x3FFE];
	_ =	sdelay $0x1  }
0x8a: {  	s1 =	srdreg.scid  }
0x8b: {  	s0 =	sand.u32 $0x1, s1  }
0x8c: {  	s17 =	sshll.u32 s0, $0xA;
	s2 =	sadd.s32 s3, s2  }
0x8d: {  	s2 =	sadd.s32 s2, s17  }
0x8e: {  	[smem:$0x3FC6] =	sst s2  }
0x8f: {  	_ = 	snop  }
0x90: {  	s2 =	sld [smem:$0x3FD0];
	(tm) =	ssettm $0x1  }
0x91: {  	s18 =	sld [smem:$0x3FFB];
	_ =	sdelay $0x3  }
0x92: {  	_ =	strace s18  }
0x93: {  	s3 =	sld [smem:$0x3FFC];
	_ =	sdelay $0x3  }
0x94: {  	_ =	strace s3  }
0x95: {  	s3 =	sld [smem:$0x3FFD];
	_ =	sdelay $0x3  }
0x96: {  	_ =	strace s3  }
0x97: {  	_ =	strace $0x8FFFFFFF  }
0x98: {  	s19 =	sld [smem:$0x3FDB];
	_ =	sdelay $0x1  }
0x99: {  	s4 =	simm.s32 $_scs_section_size  }
0x9a: {  	s5 =	simm.s32 $_size__tile_overlayer_lowered;
	s6 =	simm.s32 $_tile_overlayer_lowered  }
0x9b: {  	s22 =	simm.s32 $0x1BFF;
	s21 =	sshll.u32 s6, $0x1;
	s3 =	sadd.s32 s4, s19  }
0x9c: {  	s7 =	simm.s32 $0x0;
	s20 =	sshll.u32 s5, $0x1;
	s5 =	sadd.s32 s21, s3  }
0x9d: {  	[timem:s7], [sflag:s22] =	dma.local [hbm:s5], s20  }
0x9e: {  	_ =	swait.ge [sflag:s22], s20  }
0x9f: {  	s4 =	ssub.s32 $0x0, s20;
	[sflag:s22] =	ssyncset.done $0x0  }
0xa0: {  	[sflag:s22] =	ssyncadd.s32 s4;
	_ =	sdelay $0x1  }
0xa1: {  	s23 =	simm.s32 $0x1B8B  }
0xa2: {  	_ =	swait.ge [sflag:s23], $0x1  }
0xa3: {  	[sflag:s23] =	ssyncset.done $0x0  }
0xa4: {  	s25 =	simm.s32 $0x1B8E;
	s24 =	sld [smem:$0x3FFE];
	[sflag:s23] =	ssyncadd.s32 $0xFFFFFFFF  }
0xa5: {  	s26 =	simm.s32 $execute0_lowered;
	[smem:$0x3FD2] =	sst s25  }
0xa6: {  	s5 =	sshll.u32 s26, $0x1;
	_ =	strace $0x80000046;
	[dreg:$0x1] =	wrdreg $0xFFFFFFFF  }
0xa7: {  	s28 =	simm.s32 $_size_execute0_lowered;
	s3 =	sadd.s32 s3, s5;
	[dreg:$0x0] =	wrdreg $0x0  }
0xa8: {  	s5 =	sshll.u32 s28, $0x1;
	[dreg:$0x2] =	wrdreg s3  }
0xa9: {  	[dreg:$0x3] =	wrdreg s5  }
0xaa: {  	[dreg:$0x4] =	wrdreg $0xC0  }
0xab: {  	_ =	task [dreg:s7], $0x5FFFF  }
0xac: {  	[dreg:$0x1] =	wrdreg $0xFFFFFFFF  }
0xad: {  	[dreg:$0x0] =	wrdreg $0x60  }
0xae: {  	[dreg:$0x2] =	wrdreg s24  }
0xaf: {  	[dreg:$0x3] =	wrdreg s2  }
0xb0: {  	[dreg:$0x4] =	wrdreg $0x9  }
0xb1: {  	_ =	task.clear_ibuf [dreg:s7], $0x5FFFF;
	_ =	strace $0x90000046  }
0xb2: {  	s29 =	simm.s32 $0x9;
	_ =	strace $0x80000048  }
0xb3: {  	_ =	swait.ge [sflag:s29], $0x1  }
0xb4: {  	[sflag:s29] =	ssyncadd.s32 $0xFFFFFFFF  }
0xb5: {  	_ =	strace $0x90000048  }
0xb6: {  	_ =	sfence  }
0xb7: {  	s30 =	sld [smem:$0x0];
	_ =	sdelay $0x2  }
0xb8: {  	s31 =	sshll.u32 s1, $0xD;
	s1 =	sshrl.u32 s1, $0x2  }
0xb9: {  	s3 =	sand.u32 $0x4000, s31;
	s1 =	sadd.s32 s1, s30  }
0xba: {  	s0 =	sor.u32 s3, s0;
	s1 =	sshll.u32 s1, $0x11  }
0xbb: {  	s0 =	sor.u32 s1, s0  }
0xbc: {  	s0 =	sadd.s32 $0x8F2B, s0  }
0xbd: {  	[sflag:s0] =	ssyncadd.remote.s32 $0x1  }
0xbe: {  	_ =	sfence.sel $0xFFFF  }
0xbf: {  	[dreg:$0x0] =	wrdreg $0xFFFFFFFF;
	(pc) =	sbr.abs _section_cstart, $3  }
0xc0: {  	[dreg:$0x1] =	wrdreg $0xFFFFFFFF  }
0xc1: {  	_ =	task.clear_ibuf [dreg:s7], $0x2FFFF;
	_ =	strace $0x9FFFFFFF  }
0xc2: {  	(tm) =	ssettm $0x7FFFFFFF  }
0xc3: {  	_ =	shalt  }
tec
execute0_lowered:
.L_overlay_start_1:
0x0: {  	(tag) =	ssettag $0x1  }
0x1: {  	s0 =	rddreg [dreg:$0x0];
	s1 =	srdreg.scid  }
0x2: {  	s3 =	stileid.u32;
	s2 =	rddreg [dreg:$0x1];
	s28 =	simm.s32 $0x1  }
0x3: {  	s29 =	simm.s32 $0x5;
	s1 =	sand.u32 $0x1, s1;
	s4 =	sshll.u32 s3, $0x1  }
0x4: {  	s31 =	simm.s32 $0x2;
	s30 =	simm.s32 $0x8;
	s6 =	sor.u32 s1, s4  }
0x5: {  	s3 =	simm.s32 $0x0;
	s5 =	sadd.s32 $0xF42E00, s0;
	s4 =	smul.u32 $0x6400, s6  }
0x6: {  	[smem:$0x7FF] =	sst s3;
	s1 =	ssub.s32 $0x2, s1;
	s8 =	smul.u32 $0x32000, s6  }
0x7: {  	_ =	strace $0x80000047;
	s19 =	sshrl.u32 s1, $0x1;
	s6 =	smul.u32 $0x190000, s6  }
0x8: {  	s1 =	ssub.s32 s1, s19;
	s19 =	simm.s32 $0x9;
	s7 =	sshrl.u32 s4, $0x3  }
0x9: {  	s8 =	sadd.s32 s2, s8;
	s22 =	sshrl.u32 s6, $0x3;
	s12 =	sor.u32 $0x100, s4  }
0xa: {  	s13 =	sor.u32 $0x200, s4;
	s18 =	smax.u32 s1, $0x1;
	s20 =	sadd.s32 $0x800, s8  }
0xb: {  	s0 =	sadd.s32 s7, s0;
	s21 =	sadd.s32 $0x1000, s8;
	[dreg:$0x4] =	wrdreg s20  }
0xc: {  	s1 =	simm.s32 $0x6;
	s0 =	sadd.s32 $0xA00, s0;
	[dreg:$0x5] =	wrdreg s21  }
0xd: {  	s23 =	sadd.s32 $0x1800, s8;
	[dreg:$0x3] =	wrdreg s0;
	s0 =	sadd.s32 s2, s22  }
0xe: {  	s7 =	simm.s32 $0x0;
	[dreg:$0x6] =	wrdreg s23;
	s24 =	sadd.s32 $0x30000, s0  }
0xf: {  	s20 =	simm.s32 $0x100;
	s25 =	sadd.s32 $0x30800, s0;
	[dreg:$0x7] =	wrdreg s24  }
0x10: {  	s21 =	simm.s32 $0x6400;
	s26 =	sadd.s32 $0x31000, s0;
	[dreg:$0x8] =	wrdreg s25  }
0x11: {  	s23 =	simm.s32 $0x3;
	s0 =	sadd.s32 $0x31800, s0;
	[dreg:$0x9] =	wrdreg s26  }
0x12: {  	s22 =	simm.s32 $0xA400;
	[dreg:$0xa] =	wrdreg s0;
	s24 =	simm.s32 $0xE400  }
0x13: {  	s26 =	simm.s32 $0x12400;
	s25 =	simm.s32 $0x7;
	s0 =	simm.s32 $0x4  }
.LBB2_1:
0x14: {  	s9 =	rddreg [dreg:$0x3]  }
0x15: {  	[tilespmem:s3], [sflag:$0x9] =	stream.linear.gather [hbm4b:s9+s3], $0x6400, $0x38;
	[tilespmem:$0x16400] =	vst v63  }
0x16: {  	_ =	swait.ge [sflag:s19], $0x6400  }
0x17: {  	[sflag:s19] =	ssyncset.done $0x0  }
0x18: {  	[sflag:s19] =	ssyncadd.s32 $0xFFFF9C00  }
0x19: {  	[tilespmem:s21], [sflag:$0x1] =	stream.indirect.gather [hbm4b:s5+s20], $0x40, s3, s20, $0xb8;
	[tilespmem:$0x16400] =	vst v63  }
0x1a: {  	_ = 	snop  }
0x1b: {  	[tilespmem:s22], [sflag:$0x2] =	stream.indirect.gather [hbm4b:s5+s20], $0x40, s20, s20, $0xb8;
	[tilespmem:$0x16400] =	vst v63  }
0x1c: {  	s16 =	simm.s32 $0x200  }
0x1d: {  	[tilespmem:s24], [sflag:$0x3] =	stream.indirect.gather [hbm4b:s5+s20], $0x40, s16, s20, $0xb8;
	[tilespmem:$0x16400] =	vst v63  }
0x1e: {  	s17 =	simm.s32 $0x300  }
0x1f: {  	[tilespmem:s26], [sflag:$0x4] =	stream.indirect.gather [hbm4b:s5+s20], $0x40, s17, s20, $0xb8;
	[tilespmem:$0x16400] =	vst v63  }
0x20: {  	_ =	swait.ge [sflag:s28], $0x4000  }
0x21: {  	[sflag:s28] =	ssyncset.done $0x0  }
0x22: {  	s9 =	simm.s32 $0x6500;
	[sflag:s28] =	ssyncadd.s32 $0xFFFFC000  }
0x23: {  	v0 =	vld [tilespmem:s9+$0xF0]  }
0x24: {  	v1 =	vld [tilespmem:s9+$0xFFFFFF10]  }
0x25: {  	v2 =	vld [tilespmem:s9+$0xFFFFFF20]  }
0x26: {  	v3 =	vld [tilespmem:s9+$0xFFFFFF30]  }
0x27: {  	v4 =	vld [tilespmem:s9+$0xFFFFFF40]  }
0x28: {  	v5 =	vld [tilespmem:s9+$0xFFFFFF50];
	v0 =	vmul.f32 $8.000000000e+00, v0  }
0x29: {  	v6 =	vld [tilespmem:s9+$0xFFFFFF60];
	v1 =	vmul.f32 $8.000000000e+00, v1  }
0x2a: {  	v7 =	vld [tilespmem:s9+$0xFFFFFF70];
	v2 =	vmul.f32 $8.000000000e+00, v2;
	[tilespmem:s9+$0xF0] =	vst v0  }
0x2b: {  	[tilespmem:s9+$0xFFFFFF10] =	vst v1;
	v0 =	vmul.f32 $8.000000000e+00, v3;
	v1 =	vld [tilespmem:s9+$0xFFFFFF80]  }
0x2c: {  	[tilespmem:s9+$0xFFFFFF20] =	vst v2;
	v2 =	vmul.f32 $8.000000000e+00, v4;
	v3 =	vld [tilespmem:s9+$0xFFFFFF90]  }
0x2d: {  	v4 =	vld [tilespmem:s9+$0xFFFFFFA0];
	[tilespmem:s9+$0xFFFFFF30] =	vst v0;
	v0 =	vmul.f32 $8.000000000e+00, v5  }
0x2e: {  	[tilespmem:s9+$0xFFFFFF40] =	vst v2;
	v2 =	vmul.f32 $8.000000000e+00, v6;
	v5 =	vld [tilespmem:s9+$0xFFFFFFB0]  }
0x2f: {  	v6 =	vld [tilespmem:s9+$0xFFFFFFC0];
	[tilespmem:s9+$0xFFFFFF50] =	vst v0;
	v0 =	vmul.f32 $8.000000000e+00, v7  }
0x30: {  	[tilespmem:s9+$0xFFFFFF60] =	vst v2;
	v2 =	vld [tilespmem:s9+$0xFFFFFFD0];
	v1 =	vmul.f32 $8.000000000e+00, v1  }
0x31: {  	[tilespmem:s9+$0xFFFFFF70] =	vst v0;
	v0 =	vmul.f32 $8.000000000e+00, v3;
	v3 =	vld [tilespmem:s9+$0xFFFFFFE0]  }
0x32: {  	[tilespmem:s9+$0xFFFFFF80] =	vst v1;
	v1 =	vmul.f32 $8.000000000e+00, v4;
	v4 =	vld [tilespmem:s9+$0xFFFFFFF0]  }
0x33: {  	[tilespmem:s9+$0xFFFFFF90] =	vst v0;
	v0 =	vmul.f32 $8.000000000e+00, v5;
	v5 =	vld [tilespmem:s9+$0x0]  }
0x34: {  	[tilespmem:s9+$0xFFFFFFA0] =	vst v1;
	v1 =	vmul.f32 $8.000000000e+00, v6;
	v6 =	vld [tilespmem:s9+$0x10]  }
0x35: {  	[tilespmem:s9+$0xFFFFFFB0] =	vst v0;
	v0 =	vmul.f32 $8.000000000e+00, v2;
	v2 =	vld [tilespmem:s9+$0x20]  }
0x36: {  	[tilespmem:s9+$0xFFFFFFC0] =	vst v1;
	v1 =	vmul.f32 $8.000000000e+00, v3;
	v3 =	vld [tilespmem:s9+$0x30]  }
0x37: {  	[tilespmem:s9+$0xFFFFFFD0] =	vst v0;
	v0 =	vmul.f32 $8.000000000e+00, v4;
	v4 =	vld [tilespmem:s9+$0x40]  }
0x38: {  	[tilespmem:s9+$0xFFFFFFE0] =	vst v1;
	v1 =	vmul.f32 $8.000000000e+00, v5;
	v5 =	vld [tilespmem:s9+$0x50]  }
0x39: {  	[tilespmem:s9+$0xFFFFFFF0] =	vst v0;
	v0 =	vmul.f32 $8.000000000e+00, v6;
	v6 =	vld [tilespmem:s9+$0x60]  }
0x3a: {  	[tilespmem:s9+$0x0] =	vst v1;
	v1 =	vmul.f32 $8.000000000e+00, v2;
	v2 =	vld [tilespmem:s9+$0x70]  }
0x3b: {  	[tilespmem:s9+$0x10] =	vst v0;
	v0 =	vmul.f32 $8.000000000e+00, v3;
	v3 =	vld [tilespmem:s9+$0x80]  }
0x3c: {  	[tilespmem:s9+$0x20] =	vst v1;
	v1 =	vmul.f32 $8.000000000e+00, v4;
	v4 =	vld [tilespmem:s9+$0x90]  }
0x3d: {  	v7 =	vld [tilespmem:s9+$0xA0];
	[tilespmem:s9+$0x30] =	vst v0;
	v5 =	vmul.f32 $8.000000000e+00, v5  }
0x3e: {  	v0 =	vld [tilespmem:s9+$0xB0];
	[tilespmem:s9+$0x40] =	vst v1;
	v6 =	vmul.f32 $8.000000000e+00, v6  }
0x3f: {  	v1 =	vld [tilespmem:s9+$0xC0];
	[tilespmem:s9+$0x50] =	vst v5;
	v5 =	vmul.f32 $8.000000000e+00, v2  }
0x40: {  	v2 =	vld [tilespmem:s9+$0xD0];
	[tilespmem:s9+$0x60] =	vst v6;
	v6 =	vmul.f32 $8.000000000e+00, v3  }
0x41: {  	v3 =	vld [tilespmem:s9+$0xE0];
	[tilespmem:s9+$0x70] =	vst v5;
	v5 =	vmul.f32 $8.000000000e+00, v4  }
0x42: {  	s10 =	simm.s32 $0x0;
	s11 =	simm.s32 $0x6700;
	v4 =	vld [tilespmem:s9+$0xFFFFFF00];
	[tilespmem:s9+$0x80] =	vst v6;
	v6 =	vmul.f32 $8.000000000e+00, v7  }
.LBB2_2:
0x43: {  	v7 =	vld [tilespmem:s11+$0xF0];
	s10 =	sadd.s32 $0x8, s10;
	[tilespmem:s9+$0x90] =	vst v5;
	v0 =	vmul.f32 $8.000000000e+00, v0  }
0x44: {  	v5 =	vld [tilespmem:s11+$0xFFFFFF10];
	p0 =	slt.u32 s10, $0xF8;
	[tilespmem:s9+$0xA0] =	vst v6;
	v1 =	vmul.f32 $8.000000000e+00, v1  }
0x45: {  	v6 =	vld [tilespmem:s11+$0xFFFFFF20];
	[tilespmem:s9+$0xB0] =	vst v0;
	v0 =	vmul.f32 $8.000000000e+00, v2  }
0x46: {  	v2 =	vld [tilespmem:s11+$0xFFFFFF30];
	[tilespmem:s9+$0xC0] =	vst v1;
	v1 =	vmul.f32 $8.000000000e+00, v3  }
0x47: {  	v3 =	vld [tilespmem:s11+$0xFFFFFF40];
	v4 =	vmul.f32 $8.000000000e+00, v4;
	[tilespmem:s9+$0xD0] =	vst v0  }
0x48: {  	v0 =	vld [tilespmem:s11+$0xFFFFFF50];
	v7 =	vmul.f32 $8.000000000e+00, v7;
	[tilespmem:s9+$0xE0] =	vst v1  }
0x49: {  	v1 =	vmul.f32 $8.000000000e+00, v5;
	v5 =	vld [tilespmem:s11+$0xFFFFFF60];
	[tilespmem:s9+$0xFFFFFF00] =	vst v4;
	s9 =	smov.u32 s11  }
0x4a: {  	v4 =	vmul.f32 $8.000000000e+00, v6;
	v6 =	vld [tilespmem:s11+$0xFFFFFF70];
	[tilespmem:s11+$0xF0] =	vst v7  }
0x4b: {  	[tilespmem:s11+$0xFFFFFF10] =	vst v1;
	v1 =	vmul.f32 $8.000000000e+00, v2;
	v2 =	vld [tilespmem:s11+$0xFFFFFF80]  }
0x4c: {  	[tilespmem:s11+$0xFFFFFF20] =	vst v4;
	v3 =	vmul.f32 $8.000000000e+00, v3;
	v4 =	vld [tilespmem:s11+$0xFFFFFF90]  }
0x4d: {  	[tilespmem:s11+$0xFFFFFF30] =	vst v1;
	v0 =	vmul.f32 $8.000000000e+00, v0;
	v1 =	vld [tilespmem:s11+$0xFFFFFFA0]  }
0x4e: {  	[tilespmem:s11+$0xFFFFFF40] =	vst v3;
	v3 =	vmul.f32 $8.000000000e+00, v5;
	v5 =	vld [tilespmem:s11+$0xFFFFFFB0]  }
0x4f: {  	[tilespmem:s11+$0xFFFFFF50] =	vst v0;
	v0 =	vmul.f32 $8.000000000e+00, v6;
	v6 =	vld [tilespmem:s11+$0xFFFFFFC0]  }
0x50: {  	[tilespmem:s11+$0xFFFFFF60] =	vst v3;
	v2 =	vmul.f32 $8.000000000e+00, v2;
	v3 =	vld [tilespmem:s11+$0xFFFFFFD0]  }
0x51: {  	[tilespmem:s11+$0xFFFFFF70] =	vst v0;
	v0 =	vmul.f32 $8.000000000e+00, v4;
	v4 =	vld [tilespmem:s11+$0xFFFFFFE0]  }
0x52: {  	[tilespmem:s11+$0xFFFFFF80] =	vst v2;
	v1 =	vmul.f32 $8.000000000e+00, v1;
	v2 =	vld [tilespmem:s11+$0xFFFFFFF0]  }
0x53: {  	[tilespmem:s11+$0xFFFFFF90] =	vst v0;
	v0 =	vmul.f32 $8.000000000e+00, v5;
	v5 =	vld [tilespmem:s11+$0x0]  }
0x54: {  	[tilespmem:s11+$0xFFFFFFA0] =	vst v1;
	v1 =	vmul.f32 $8.000000000e+00, v6;
	v6 =	vld [tilespmem:s11+$0x10]  }
0x55: {  	[tilespmem:s11+$0xFFFFFFB0] =	vst v0;
	v0 =	vmul.f32 $8.000000000e+00, v3;
	v3 =	vld [tilespmem:s11+$0x20]  }
0x56: {  	[tilespmem:s11+$0xFFFFFFC0] =	vst v1;
	v1 =	vmul.f32 $8.000000000e+00, v4;
	v4 =	vld [tilespmem:s11+$0x30]  }
0x57: {  	[tilespmem:s11+$0xFFFFFFD0] =	vst v0;
	v0 =	vmul.f32 $8.000000000e+00, v2;
	v2 =	vld [tilespmem:s11+$0x40]  }
0x58: {  	[tilespmem:s11+$0xFFFFFFE0] =	vst v1;
	v1 =	vmul.f32 $8.000000000e+00, v5;
	v5 =	vld [tilespmem:s11+$0x50]  }
0x59: {  	[tilespmem:s11+$0xFFFFFFF0] =	vst v0;
	v0 =	vmul.f32 $8.000000000e+00, v6;
	v6 =	vld [tilespmem:s11+$0x60]  }
0x5a: {  	[tilespmem:s11+$0x0] =	vst v1;
	v1 =	vmul.f32 $8.000000000e+00, v3;
	v3 =	vld [tilespmem:s11+$0x70]  }
0x5b: {  	[tilespmem:s11+$0x10] =	vst v0;
	v0 =	vmul.f32 $8.000000000e+00, v4;
	v4 =	vld [tilespmem:s11+$0x80]  }
0x5c: {  	[tilespmem:s11+$0x20] =	vst v1;
	v1 =	vmul.f32 $8.000000000e+00, v2;
	v7 =	vld [tilespmem:s11+$0x90]  }
0x5d: {  	[tilespmem:s11+$0x30] =	vst v0;
	v2 =	vmul.f32 $8.000000000e+00, v5;
	v8 =	vld [tilespmem:s11+$0xA0]  }
.Ltmp0:
0x5e: {  	[tilespmem:s11+$0x40] =	vst v1;
	v5 =	vmul.f32 $8.000000000e+00, v6;
	v0 =	vld [tilespmem:s11+$0xB0];
	(pc) =	sbr.rel @p0 .LBB2_2-.Ltmp0, $4  }
0x5f: {  	[tilespmem:s11+$0x50] =	vst v2;
	v3 =	vmul.f32 $8.000000000e+00, v3;
	v1 =	vld [tilespmem:s11+$0xC0]  }
0x60: {  	[tilespmem:s11+$0x60] =	vst v5;
	v6 =	vmul.f32 $8.000000000e+00, v4;
	v2 =	vld [tilespmem:s11+$0xD0]  }
0x61: {  	[tilespmem:s11+$0x70] =	vst v3;
	v5 =	vmul.f32 $8.000000000e+00, v7;
	v3 =	vld [tilespmem:s11+$0xE0]  }
0x62: {  	s11 =	sadd.s32 $0x200, s11;
	v4 =	vld [tilespmem:s9+$0xFFFFFF00];
	[tilespmem:s9+$0x80] =	vst v6;
	v6 =	vmul.f32 $8.000000000e+00, v8  }
0x63: {  	[tilespmem:s9+$0x90] =	vst v5;
	v0 =	vmul.f32 $8.000000000e+00, v0  }
0x64: {  	[tilespmem:s9+$0xA0] =	vst v6;
	v1 =	vmul.f32 $8.000000000e+00, v1  }
0x65: {  	[tilespmem:s9+$0xB0] =	vst v0;
	v0 =	vmul.f32 $8.000000000e+00, v2  }
0x66: {  	[tilespmem:s9+$0xC0] =	vst v1;
	v1 =	vmul.f32 $8.000000000e+00, v3  }
0x67: {  	v2 =	vmul.f32 $8.000000000e+00, v4;
	[tilespmem:s9+$0xD0] =	vst v0  }
0x68: {  	[tilespmem:s9+$0xE0] =	vst v1  }
0x69: {  	[tilespmem:s9+$0xFFFFFF00] =	vst v2  }
0x6a: {  	[hbm4b:s8+s3] =	stream.linear.scatter [tilespmem:s21], [sflag:$0x5], $0x4000, $0x38;
	[tilespmem:$0x16400] =	vst v63  }
0x6b: {  	_ =	swait.ge [sflag:s29], $0x4000  }
0x6c: {  	[sflag:s29] =	ssyncset.done $0x0  }
0x6d: {  	s17 =	simm.s32 $0x400;
	[sflag:s29] =	ssyncadd.s32 $0xFFFFC000  }
0x6e: {  	[tilespmem:s21], [sflag:$0x1] =	stream.indirect.gather [hbm4b:s5+s20], $0x40, s17, s20, $0xb8;
	[tilespmem:$0x16400] =	vst v63  }
0x6f: {  	_ =	swait.ge [sflag:s31], $0x4000  }
0x70: {  	[sflag:s31] =	ssyncset.done $0x0  }
0x71: {  	s9 =	simm.s32 $0xA500;
	[sflag:s31] =	ssyncadd.s32 $0xFFFFC000  }
0x72: {  	v0 =	vld [tilespmem:s9+$0xF0]  }
0x73: {  	v1 =	vld [tilespmem:s9+$0xFFFFFF10]  }
0x74: {  	v2 =	vld [tilespmem:s9+$0xFFFFFF20]  }
0x75: {  	v3 =	vld [tilespmem:s9+$0xFFFFFF30]  }
0x76: {  	v4 =	vld [tilespmem:s9+$0xFFFFFF40]  }
0x77: {  	v5 =	vld [tilespmem:s9+$0xFFFFFF50];
	v0 =	vmul.f32 $8.000000000e+00, v0  }
0x78: {  	v6 =	vld [tilespmem:s9+$0xFFFFFF60];
	v1 =	vmul.f32 $8.000000000e+00, v1  }
0x79: {  	v7 =	vld [tilespmem:s9+$0xFFFFFF70];
	v2 =	vmul.f32 $8.000000000e+00, v2;
	[tilespmem:s9+$0xF0] =	vst v0  }
0x7a: {  	[tilespmem:s9+$0xFFFFFF10] =	vst v1;
	v0 =	vmul.f32 $8.000000000e+00, v3;
	v1 =	vld [tilespmem:s9+$0xFFFFFF80]  }
0x7b: {  	[tilespmem:s9+$0xFFFFFF20] =	vst v2;
	v2 =	vmul.f32 $8.000000000e+00, v4;
	v3 =	vld [tilespmem:s9+$0xFFFFFF90]  }
0x7c: {  	v4 =	vld [tilespmem:s9+$0xFFFFFFA0];
	[tilespmem:s9+$0xFFFFFF30] =	vst v0;
	v0 =	vmul.f32 $8.000000000e+00, v5  }
0x7d: {  	[tilespmem:s9+$0xFFFFFF40] =	vst v2;
	v2 =	vmul.f32 $8.000000000e+00, v6;
	v5 =	vld [tilespmem:s9+$0xFFFFFFB0]  }
0x7e: {  	v6 =	vld [tilespmem:s9+$0xFFFFFFC0];
	[tilespmem:s9+$0xFFFFFF50] =	vst v0;
	v0 =	vmul.f32 $8.000000000e+00, v7  }
0x7f: {  	[tilespmem:s9+$0xFFFFFF60] =	vst v2;
	v2 =	vld [tilespmem:s9+$0xFFFFFFD0];
	v1 =	vmul.f32 $8.000000000e+00, v1  }
0x80: {  	[tilespmem:s9+$0xFFFFFF70] =	vst v0;
	v0 =	vmul.f32 $8.000000000e+00, v3;
	v3 =	vld [tilespmem:s9+$0xFFFFFFE0]  }
0x81: {  	[tilespmem:s9+$0xFFFFFF80] =	vst v1;
	v1 =	vmul.f32 $8.000000000e+00, v4;
	v4 =	vld [tilespmem:s9+$0xFFFFFFF0]  }
0x82: {  	[tilespmem:s9+$0xFFFFFF90] =	vst v0;
	v0 =	vmul.f32 $8.000000000e+00, v5;
	v5 =	vld [tilespmem:s9+$0x0]  }
0x83: {  	[tilespmem:s9+$0xFFFFFFA0] =	vst v1;
	v1 =	vmul.f32 $8.000000000e+00, v6;
	v6 =	vld [tilespmem:s9+$0x10]  }
0x84: {  	[tilespmem:s9+$0xFFFFFFB0] =	vst v0;
	v0 =	vmul.f32 $8.000000000e+00, v2;
	v2 =	vld [tilespmem:s9+$0x20]  }
0x85: {  	[tilespmem:s9+$0xFFFFFFC0] =	vst v1;
	v1 =	vmul.f32 $8.000000000e+00, v3;
	v3 =	vld [tilespmem:s9+$0x30]  }
0x86: {  	[tilespmem:s9+$0xFFFFFFD0] =	vst v0;
	v0 =	vmul.f32 $8.000000000e+00, v4;
	v4 =	vld [tilespmem:s9+$0x40]  }
0x87: {  	[tilespmem:s9+$0xFFFFFFE0] =	vst v1;
	v1 =	vmul.f32 $8.000000000e+00, v5;
	v5 =	vld [tilespmem:s9+$0x50]  }
0x88: {  	[tilespmem:s9+$0xFFFFFFF0] =	vst v0;
	v0 =	vmul.f32 $8.000000000e+00, v6;
	v6 =	vld [tilespmem:s9+$0x60]  }
0x89: {  	[tilespmem:s9+$0x0] =	vst v1;
	v1 =	vmul.f32 $8.000000000e+00, v2;
	v2 =	vld [tilespmem:s9+$0x70]  }
0x8a: {  	[tilespmem:s9+$0x10] =	vst v0;
	v0 =	vmul.f32 $8.000000000e+00, v3;
	v3 =	vld [tilespmem:s9+$0x80]  }
0x8b: {  	[tilespmem:s9+$0x20] =	vst v1;
	v1 =	vmul.f32 $8.000000000e+00, v4;
	v4 =	vld [tilespmem:s9+$0x90]  }
0x8c: {  	v7 =	vld [tilespmem:s9+$0xA0];
	[tilespmem:s9+$0x30] =	vst v0;
	v5 =	vmul.f32 $8.000000000e+00, v5  }
0x8d: {  	v0 =	vld [tilespmem:s9+$0xB0];
	[tilespmem:s9+$0x40] =	vst v1;
	v6 =	vmul.f32 $8.000000000e+00, v6  }
0x8e: {  	v1 =	vld [tilespmem:s9+$0xC0];
	[tilespmem:s9+$0x50] =	vst v5;
	v5 =	vmul.f32 $8.000000000e+00, v2  }
0x8f: {  	v2 =	vld [tilespmem:s9+$0xD0];
	[tilespmem:s9+$0x60] =	vst v6;
	v6 =	vmul.f32 $8.000000000e+00, v3  }
0x90: {  	v3 =	vld [tilespmem:s9+$0xE0];
	[tilespmem:s9+$0x70] =	vst v5;
	v5 =	vmul.f32 $8.000000000e+00, v4  }
0x91: {  	s10 =	simm.s32 $0x0;
	s11 =	simm.s32 $0xA700;
	v4 =	vld [tilespmem:s9+$0xFFFFFF00];
	[tilespmem:s9+$0x80] =	vst v6;
	v6 =	vmul.f32 $8.000000000e+00, v7  }
.LBB2_4:
0x92: {  	v7 =	vld [tilespmem:s11+$0xF0];
	s10 =	sadd.s32 $0x8, s10;
	[tilespmem:s9+$0x90] =	vst v5;
	v0 =	vmul.f32 $8.000000000e+00, v0  }
0x93: {  	v5 =	vld [tilespmem:s11+$0xFFFFFF10];
	p0 =	slt.u32 s10, $0xF8;
	[tilespmem:s9+$0xA0] =	vst v6;
	v1 =	vmul.f32 $8.000000000e+00, v1  }
0x94: {  	v6 =	vld [tilespmem:s11+$0xFFFFFF20];
	[tilespmem:s9+$0xB0] =	vst v0;
	v0 =	vmul.f32 $8.000000000e+00, v2  }
0x95: {  	v2 =	vld [tilespmem:s11+$0xFFFFFF30];
	[tilespmem:s9+$0xC0] =	vst v1;
	v1 =	vmul.f32 $8.000000000e+00, v3  }
0x96: {  	v3 =	vld [tilespmem:s11+$0xFFFFFF40];
	v4 =	vmul.f32 $8.000000000e+00, v4;
	[tilespmem:s9+$0xD0] =	vst v0  }
0x97: {  	v0 =	vld [tilespmem:s11+$0xFFFFFF50];
	v7 =	vmul.f32 $8.000000000e+00, v7;
	[tilespmem:s9+$0xE0] =	vst v1  }
0x98: {  	v1 =	vmul.f32 $8.000000000e+00, v5;
	v5 =	vld [tilespmem:s11+$0xFFFFFF60];
	[tilespmem:s9+$0xFFFFFF00] =	vst v4;
	s9 =	smov.u32 s11  }
0x99: {  	v4 =	vmul.f32 $8.000000000e+00, v6;
	v6 =	vld [tilespmem:s11+$0xFFFFFF70];
	[tilespmem:s11+$0xF0] =	vst v7  }
0x9a: {  	[tilespmem:s11+$0xFFFFFF10] =	vst v1;
	v1 =	vmul.f32 $8.000000000e+00, v2;
	v2 =	vld [tilespmem:s11+$0xFFFFFF80]  }
0x9b: {  	[tilespmem:s11+$0xFFFFFF20] =	vst v4;
	v3 =	vmul.f32 $8.000000000e+00, v3;
	v4 =	vld [tilespmem:s11+$0xFFFFFF90]  }
0x9c: {  	[tilespmem:s11+$0xFFFFFF30] =	vst v1;
	v0 =	vmul.f32 $8.000000000e+00, v0;
	v1 =	vld [tilespmem:s11+$0xFFFFFFA0]  }
0x9d: {  	[tilespmem:s11+$0xFFFFFF40] =	vst v3;
	v3 =	vmul.f32 $8.000000000e+00, v5;
	v5 =	vld [tilespmem:s11+$0xFFFFFFB0]  }
0x9e: {  	[tilespmem:s11+$0xFFFFFF50] =	vst v0;
	v0 =	vmul.f32 $8.000000000e+00, v6;
	v6 =	vld [tilespmem:s11+$0xFFFFFFC0]  }
0x9f: {  	[tilespmem:s11+$0xFFFFFF60] =	vst v3;
	v2 =	vmul.f32 $8.000000000e+00, v2;
	v3 =	vld [tilespmem:s11+$0xFFFFFFD0]  }
0xa0: {  	[tilespmem:s11+$0xFFFFFF70] =	vst v0;
	v0 =	vmul.f32 $8.000000000e+00, v4;
	v4 =	vld [tilespmem:s11+$0xFFFFFFE0]  }
0xa1: {  	[tilespmem:s11+$0xFFFFFF80] =	vst v2;
	v1 =	vmul.f32 $8.000000000e+00, v1;
	v2 =	vld [tilespmem:s11+$0xFFFFFFF0]  }
0xa2: {  	[tilespmem:s11+$0xFFFFFF90] =	vst v0;
	v0 =	vmul.f32 $8.000000000e+00, v5;
	v5 =	vld [tilespmem:s11+$0x0]  }
0xa3: {  	[tilespmem:s11+$0xFFFFFFA0] =	vst v1;
	v1 =	vmul.f32 $8.000000000e+00, v6;
	v6 =	vld [tilespmem:s11+$0x10]  }
0xa4: {  	[tilespmem:s11+$0xFFFFFFB0] =	vst v0;
	v0 =	vmul.f32 $8.000000000e+00, v3;
	v3 =	vld [tilespmem:s11+$0x20]  }
0xa5: {  	[tilespmem:s11+$0xFFFFFFC0] =	vst v1;
	v1 =	vmul.f32 $8.000000000e+00, v4;
	v4 =	vld [tilespmem:s11+$0x30]  }
0xa6: {  	[tilespmem:s11+$0xFFFFFFD0] =	vst v0;
	v0 =	vmul.f32 $8.000000000e+00, v2;
	v2 =	vld [tilespmem:s11+$0x40]  }
0xa7: {  	[tilespmem:s11+$0xFFFFFFE0] =	vst v1;
	v1 =	vmul.f32 $8.000000000e+00, v5;
	v5 =	vld [tilespmem:s11+$0x50]  }
0xa8: {  	[tilespmem:s11+$0xFFFFFFF0] =	vst v0;
	v0 =	vmul.f32 $8.000000000e+00, v6;
	v6 =	vld [tilespmem:s11+$0x60]  }
0xa9: {  	[tilespmem:s11+$0x0] =	vst v1;
	v1 =	vmul.f32 $8.000000000e+00, v3;
	v3 =	vld [tilespmem:s11+$0x70]  }
0xaa: {  	[tilespmem:s11+$0x10] =	vst v0;
	v0 =	vmul.f32 $8.000000000e+00, v4;
	v4 =	vld [tilespmem:s11+$0x80]  }
0xab: {  	[tilespmem:s11+$0x20] =	vst v1;
	v1 =	vmul.f32 $8.000000000e+00, v2;
	v7 =	vld [tilespmem:s11+$0x90]  }
0xac: {  	[tilespmem:s11+$0x30] =	vst v0;
	v2 =	vmul.f32 $8.000000000e+00, v5;
	v8 =	vld [tilespmem:s11+$0xA0]  }
.Ltmp1:
0xad: {  	[tilespmem:s11+$0x40] =	vst v1;
	v5 =	vmul.f32 $8.000000000e+00, v6;
	v0 =	vld [tilespmem:s11+$0xB0];
	(pc) =	sbr.rel @p0 .LBB2_4-.Ltmp1, $4  }
0xae: {  	[tilespmem:s11+$0x50] =	vst v2;
	v3 =	vmul.f32 $8.000000000e+00, v3;
	v1 =	vld [tilespmem:s11+$0xC0]  }
0xaf: {  	[tilespmem:s11+$0x60] =	vst v5;
	v6 =	vmul.f32 $8.000000000e+00, v4;
	v2 =	vld [tilespmem:s11+$0xD0]  }
0xb0: {  	[tilespmem:s11+$0x70] =	vst v3;
	v5 =	vmul.f32 $8.000000000e+00, v7;
	v3 =	vld [tilespmem:s11+$0xE0]  }
0xb1: {  	s11 =	sadd.s32 $0x200, s11;
	v4 =	vld [tilespmem:s9+$0xFFFFFF00];
	[tilespmem:s9+$0x80] =	vst v6;
	v6 =	vmul.f32 $8.000000000e+00, v8  }
0xb2: {  	[tilespmem:s9+$0x90] =	vst v5;
	v0 =	vmul.f32 $8.000000000e+00, v0  }
0xb3: {  	[tilespmem:s9+$0xA0] =	vst v6;
	v1 =	vmul.f32 $8.000000000e+00, v1  }
0xb4: {  	[tilespmem:s9+$0xB0] =	vst v0;
	v0 =	vmul.f32 $8.000000000e+00, v2  }
0xb5: {  	[tilespmem:s9+$0xC0] =	vst v1;
	v1 =	vmul.f32 $8.000000000e+00, v3  }
0xb6: {  	v2 =	vmul.f32 $8.000000000e+00, v4;
	[tilespmem:s9+$0xD0] =	vst v0  }
0xb7: {  	[tilespmem:s9+$0xE0] =	vst v1  }
0xb8: {  	[tilespmem:s9+$0xFFFFFF00] =	vst v2  }
0xb9: {  	s9 =	rddreg [dreg:$0x4]  }
0xba: {  	[hbm4b:s9+s3] =	stream.linear.scatter [tilespmem:s22], [sflag:$0x6], $0x4000, $0x38;
	[tilespmem:$0x16400] =	vst v63  }
0xbb: {  	_ =	swait.ge [sflag:s1], $0x4000  }
0xbc: {  	[sflag:s1] =	ssyncset.done $0x0  }
0xbd: {  	s17 =	simm.s32 $0x500;
	[sflag:s1] =	ssyncadd.s32 $0xFFFFC000  }
0xbe: {  	[tilespmem:s22], [sflag:$0x2] =	stream.indirect.gather [hbm4b:s5+s20], $0x40, s17, s20, $0xb8;
	[tilespmem:$0x16400] =	vst v63  }
0xbf: {  	_ =	swait.ge [sflag:s23], $0x4000  }
0xc0: {  	[sflag:s23] =	ssyncset.done $0x0  }
0xc1: {  	s9 =	simm.s32 $0xE500;
	[sflag:s23] =	ssyncadd.s32 $0xFFFFC000  }
0xc2: {  	v0 =	vld [tilespmem:s9+$0xF0]  }
0xc3: {  	v1 =	vld [tilespmem:s9+$0xFFFFFF10]  }
0xc4: {  	v2 =	vld [tilespmem:s9+$0xFFFFFF20]  }
0xc5: {  	v3 =	vld [tilespmem:s9+$0xFFFFFF30]  }
0xc6: {  	v4 =	vld [tilespmem:s9+$0xFFFFFF40]  }
0xc7: {  	v5 =	vld [tilespmem:s9+$0xFFFFFF50];
	v0 =	vmul.f32 $8.000000000e+00, v0  }
0xc8: {  	v6 =	vld [tilespmem:s9+$0xFFFFFF60];
	v1 =	vmul.f32 $8.000000000e+00, v1  }
0xc9: {  	v7 =	vld [tilespmem:s9+$0xFFFFFF70];
	v2 =	vmul.f32 $8.000000000e+00, v2;
	[tilespmem:s9+$0xF0] =	vst v0  }
0xca: {  	[tilespmem:s9+$0xFFFFFF10] =	vst v1;
	v0 =	vmul.f32 $8.000000000e+00, v3;
	v1 =	vld [tilespmem:s9+$0xFFFFFF80]  }
0xcb: {  	[tilespmem:s9+$0xFFFFFF20] =	vst v2;
	v2 =	vmul.f32 $8.000000000e+00, v4;
	v3 =	vld [tilespmem:s9+$0xFFFFFF90]  }
0xcc: {  	v4 =	vld [tilespmem:s9+$0xFFFFFFA0];
	[tilespmem:s9+$0xFFFFFF30] =	vst v0;
	v0 =	vmul.f32 $8.000000000e+00, v5  }
0xcd: {  	[tilespmem:s9+$0xFFFFFF40] =	vst v2;
	v2 =	vmul.f32 $8.000000000e+00, v6;
	v5 =	vld [tilespmem:s9+$0xFFFFFFB0]  }
0xce: {  	v6 =	vld [tilespmem:s9+$0xFFFFFFC0];
	[tilespmem:s9+$0xFFFFFF50] =	vst v0;
	v0 =	vmul.f32 $8.000000000e+00, v7  }
0xcf: {  	[tilespmem:s9+$0xFFFFFF60] =	vst v2;
	v2 =	vld [tilespmem:s9+$0xFFFFFFD0];
	v1 =	vmul.f32 $8.000000000e+00, v1  }
0xd0: {  	[tilespmem:s9+$0xFFFFFF70] =	vst v0;
	v0 =	vmul.f32 $8.000000000e+00, v3;
	v3 =	vld [tilespmem:s9+$0xFFFFFFE0]  }
0xd1: {  	[tilespmem:s9+$0xFFFFFF80] =	vst v1;
	v1 =	vmul.f32 $8.000000000e+00, v4;
	v4 =	vld [tilespmem:s9+$0xFFFFFFF0]  }
0xd2: {  	[tilespmem:s9+$0xFFFFFF90] =	vst v0;
	v0 =	vmul.f32 $8.000000000e+00, v5;
	v5 =	vld [tilespmem:s9+$0x0]  }
0xd3: {  	[tilespmem:s9+$0xFFFFFFA0] =	vst v1;
	v1 =	vmul.f32 $8.000000000e+00, v6;
	v6 =	vld [tilespmem:s9+$0x10]  }
0xd4: {  	[tilespmem:s9+$0xFFFFFFB0] =	vst v0;
	v0 =	vmul.f32 $8.000000000e+00, v2;
	v2 =	vld [tilespmem:s9+$0x20]  }
0xd5: {  	[tilespmem:s9+$0xFFFFFFC0] =	vst v1;
	v1 =	vmul.f32 $8.000000000e+00, v3;
	v3 =	vld [tilespmem:s9+$0x30]  }
0xd6: {  	[tilespmem:s9+$0xFFFFFFD0] =	vst v0;
	v0 =	vmul.f32 $8.000000000e+00, v4;
	v4 =	vld [tilespmem:s9+$0x40]  }
0xd7: {  	[tilespmem:s9+$0xFFFFFFE0] =	vst v1;
	v1 =	vmul.f32 $8.000000000e+00, v5;
	v5 =	vld [tilespmem:s9+$0x50]  }
0xd8: {  	[tilespmem:s9+$0xFFFFFFF0] =	vst v0;
	v0 =	vmul.f32 $8.000000000e+00, v6;
	v6 =	vld [tilespmem:s9+$0x60]  }
0xd9: {  	[tilespmem:s9+$0x0] =	vst v1;
	v1 =	vmul.f32 $8.000000000e+00, v2;
	v2 =	vld [tilespmem:s9+$0x70]  }
0xda: {  	[tilespmem:s9+$0x10] =	vst v0;
	v0 =	vmul.f32 $8.000000000e+00, v3;
	v3 =	vld [tilespmem:s9+$0x80]  }
0xdb: {  	[tilespmem:s9+$0x20] =	vst v1;
	v1 =	vmul.f32 $8.000000000e+00, v4;
	v4 =	vld [tilespmem:s9+$0x90]  }
0xdc: {  	v7 =	vld [tilespmem:s9+$0xA0];
	[tilespmem:s9+$0x30] =	vst v0;
	v5 =	vmul.f32 $8.000000000e+00, v5  }
0xdd: {  	v0 =	vld [tilespmem:s9+$0xB0];
	[tilespmem:s9+$0x40] =	vst v1;
	v6 =	vmul.f32 $8.000000000e+00, v6  }
0xde: {  	v1 =	vld [tilespmem:s9+$0xC0];
	[tilespmem:s9+$0x50] =	vst v5;
	v5 =	vmul.f32 $8.000000000e+00, v2  }
0xdf: {  	v2 =	vld [tilespmem:s9+$0xD0];
	[tilespmem:s9+$0x60] =	vst v6;
	v6 =	vmul.f32 $8.000000000e+00, v3  }
0xe0: {  	v3 =	vld [tilespmem:s9+$0xE0];
	[tilespmem:s9+$0x70] =	vst v5;
	v5 =	vmul.f32 $8.000000000e+00, v4  }
0xe1: {  	s10 =	simm.s32 $0x0;
	s11 =	simm.s32 $0xE700;
	v4 =	vld [tilespmem:s9+$0xFFFFFF00];
	[tilespmem:s9+$0x80] =	vst v6;
	v6 =	vmul.f32 $8.000000000e+00, v7  }
.LBB2_6:
0xe2: {  	v7 =	vld [tilespmem:s11+$0xF0];
	s10 =	sadd.s32 $0x8, s10;
	[tilespmem:s9+$0x90] =	vst v5;
	v0 =	vmul.f32 $8.000000000e+00, v0  }
0xe3: {  	v5 =	vld [tilespmem:s11+$0xFFFFFF10];
	p0 =	slt.u32 s10, $0xF8;
	[tilespmem:s9+$0xA0] =	vst v6;
	v1 =	vmul.f32 $8.000000000e+00, v1  }
0xe4: {  	v6 =	vld [tilespmem:s11+$0xFFFFFF20];
	[tilespmem:s9+$0xB0] =	vst v0;
	v0 =	vmul.f32 $8.000000000e+00, v2  }
0xe5: {  	v2 =	vld [tilespmem:s11+$0xFFFFFF30];
	[tilespmem:s9+$0xC0] =	vst v1;
	v1 =	vmul.f32 $8.000000000e+00, v3  }
0xe6: {  	v3 =	vld [tilespmem:s11+$0xFFFFFF40];
	v4 =	vmul.f32 $8.000000000e+00, v4;
	[tilespmem:s9+$0xD0] =	vst v0  }
0xe7: {  	v0 =	vld [tilespmem:s11+$0xFFFFFF50];
	v7 =	vmul.f32 $8.000000000e+00, v7;
	[tilespmem:s9+$0xE0] =	vst v1  }
0xe8: {  	v1 =	vmul.f32 $8.000000000e+00, v5;
	v5 =	vld [tilespmem:s11+$0xFFFFFF60];
	[tilespmem:s9+$0xFFFFFF00] =	vst v4;
	s9 =	smov.u32 s11  }
0xe9: {  	v4 =	vmul.f32 $8.000000000e+00, v6;
	v6 =	vld [tilespmem:s11+$0xFFFFFF70];
	[tilespmem:s11+$0xF0] =	vst v7  }
0xea: {  	[tilespmem:s11+$0xFFFFFF10] =	vst v1;
	v1 =	vmul.f32 $8.000000000e+00, v2;
	v2 =	vld [tilespmem:s11+$0xFFFFFF80]  }
0xeb: {  	[tilespmem:s11+$0xFFFFFF20] =	vst v4;
	v3 =	vmul.f32 $8.000000000e+00, v3;
	v4 =	vld [tilespmem:s11+$0xFFFFFF90]  }
0xec: {  	[tilespmem:s11+$0xFFFFFF30] =	vst v1;
	v0 =	vmul.f32 $8.000000000e+00, v0;
	v1 =	vld [tilespmem:s11+$0xFFFFFFA0]  }
0xed: {  	[tilespmem:s11+$0xFFFFFF40] =	vst v3;
	v3 =	vmul.f32 $8.000000000e+00, v5;
	v5 =	vld [tilespmem:s11+$0xFFFFFFB0]  }
0xee: {  	[tilespmem:s11+$0xFFFFFF50] =	vst v0;
	v0 =	vmul.f32 $8.000000000e+00, v6;
	v6 =	vld [tilespmem:s11+$0xFFFFFFC0]  }
0xef: {  	[tilespmem:s11+$0xFFFFFF60] =	vst v3;
	v2 =	vmul.f32 $8.000000000e+00, v2;
	v3 =	vld [tilespmem:s11+$0xFFFFFFD0]  }
0xf0: {  	[tilespmem:s11+$0xFFFFFF70] =	vst v0;
	v0 =	vmul.f32 $8.000000000e+00, v4;
	v4 =	vld [tilespmem:s11+$0xFFFFFFE0]  }
0xf1: {  	[tilespmem:s11+$0xFFFFFF80] =	vst v2;
	v1 =	vmul.f32 $8.000000000e+00, v1;
	v2 =	vld [tilespmem:s11+$0xFFFFFFF0]  }
0xf2: {  	[tilespmem:s11+$0xFFFFFF90] =	vst v0;
	v0 =	vmul.f32 $8.000000000e+00, v5;
	v5 =	vld [tilespmem:s11+$0x0]  }
0xf3: {  	[tilespmem:s11+$0xFFFFFFA0] =	vst v1;
	v1 =	vmul.f32 $8.000000000e+00, v6;
	v6 =	vld [tilespmem:s11+$0x10]  }
0xf4: {  	[tilespmem:s11+$0xFFFFFFB0] =	vst v0;
	v0 =	vmul.f32 $8.000000000e+00, v3;
	v3 =	vld [tilespmem:s11+$0x20]  }
0xf5: {  	[tilespmem:s11+$0xFFFFFFC0] =	vst v1;
	v1 =	vmul.f32 $8.000000000e+00, v4;
	v4 =	vld [tilespmem:s11+$0x30]  }
0xf6: {  	[tilespmem:s11+$0xFFFFFFD0] =	vst v0;
	v0 =	vmul.f32 $8.000000000e+00, v2;
	v2 =	vld [tilespmem:s11+$0x40]  }
0xf7: {  	[tilespmem:s11+$0xFFFFFFE0] =	vst v1;
	v1 =	vmul.f32 $8.000000000e+00, v5;
	v5 =	vld [tilespmem:s11+$0x50]  }
0xf8: {  	[tilespmem:s11+$0xFFFFFFF0] =	vst v0;
	v0 =	vmul.f32 $8.000000000e+00, v6;
	v6 =	vld [tilespmem:s11+$0x60]  }
0xf9: {  	[tilespmem:s11+$0x0] =	vst v1;
	v1 =	vmul.f32 $8.000000000e+00, v3;
	v3 =	vld [tilespmem:s11+$0x70]  }
0xfa: {  	[tilespmem:s11+$0x10] =	vst v0;
	v0 =	vmul.f32 $8.000000000e+00, v4;
	v4 =	vld [tilespmem:s11+$0x80]  }
0xfb: {  	[tilespmem:s11+$0x20] =	vst v1;
	v1 =	vmul.f32 $8.000000000e+00, v2;
	v7 =	vld [tilespmem:s11+$0x90]  }
0xfc: {  	[tilespmem:s11+$0x30] =	vst v0;
	v2 =	vmul.f32 $8.000000000e+00, v5;
	v8 =	vld [tilespmem:s11+$0xA0]  }
.Ltmp2:
0xfd: {  	[tilespmem:s11+$0x40] =	vst v1;
	v5 =	vmul.f32 $8.000000000e+00, v6;
	v0 =	vld [tilespmem:s11+$0xB0];
	(pc) =	sbr.rel @p0 .LBB2_6-.Ltmp2, $4  }
0xfe: {  	[tilespmem:s11+$0x50] =	vst v2;
	v3 =	vmul.f32 $8.000000000e+00, v3;
	v1 =	vld [tilespmem:s11+$0xC0]  }
0xff: {  	[tilespmem:s11+$0x60] =	vst v5;
	v6 =	vmul.f32 $8.000000000e+00, v4;
	v2 =	vld [tilespmem:s11+$0xD0]  }
0x100: {  	[tilespmem:s11+$0x70] =	vst v3;
	v5 =	vmul.f32 $8.000000000e+00, v7;
	v3 =	vld [tilespmem:s11+$0xE0]  }
0x101: {  	s11 =	sadd.s32 $0x200, s11;
	v4 =	vld [tilespmem:s9+$0xFFFFFF00];
	[tilespmem:s9+$0x80] =	vst v6;
	v6 =	vmul.f32 $8.000000000e+00, v8  }
0x102: {  	[tilespmem:s9+$0x90] =	vst v5;
	v0 =	vmul.f32 $8.000000000e+00, v0  }
0x103: {  	[tilespmem:s9+$0xA0] =	vst v6;
	v1 =	vmul.f32 $8.000000000e+00, v1  }
0x104: {  	[tilespmem:s9+$0xB0] =	vst v0;
	v0 =	vmul.f32 $8.000000000e+00, v2  }
0x105: {  	[tilespmem:s9+$0xC0] =	vst v1;
	v1 =	vmul.f32 $8.000000000e+00, v3  }
0x106: {  	v2 =	vmul.f32 $8.000000000e+00, v4;
	[tilespmem:s9+$0xD0] =	vst v0  }
0x107: {  	[tilespmem:s9+$0xE0] =	vst v1  }
0x108: {  	[tilespmem:s9+$0xFFFFFF00] =	vst v2  }
0x109: {  	s9 =	rddreg [dreg:$0x5]  }
0x10a: {  	[hbm4b:s9+s3] =	stream.linear.scatter [tilespmem:s24], [sflag:$0x7], $0x4000, $0x38;
	[tilespmem:$0x16400] =	vst v63  }
0x10b: {  	_ =	swait.ge [sflag:s25], $0x4000  }
0x10c: {  	[sflag:s25] =	ssyncset.done $0x0  }
0x10d: {  	s17 =	simm.s32 $0x600;
	[sflag:s25] =	ssyncadd.s32 $0xFFFFC000  }
0x10e: {  	[tilespmem:s24], [sflag:$0x3] =	stream.indirect.gather [hbm4b:s5+s20], $0x40, s17, s20, $0xb8;
	[tilespmem:$0x16400] =	vst v63  }
0x10f: {  	_ =	swait.ge [sflag:s0], $0x4000  }
0x110: {  	[sflag:s0] =	ssyncset.done $0x0  }
0x111: {  	s9 =	simm.s32 $0x12500;
	[sflag:s0] =	ssyncadd.s32 $0xFFFFC000  }
0x112: {  	v0 =	vld [tilespmem:s9+$0xF0]  }
0x113: {  	v1 =	vld [tilespmem:s9+$0xFFFFFF10]  }
0x114: {  	v2 =	vld [tilespmem:s9+$0xFFFFFF20]  }
0x115: {  	v3 =	vld [tilespmem:s9+$0xFFFFFF30]  }
0x116: {  	v4 =	vld [tilespmem:s9+$0xFFFFFF40]  }
0x117: {  	v5 =	vld [tilespmem:s9+$0xFFFFFF50];
	v0 =	vmul.f32 $8.000000000e+00, v0  }
0x118: {  	v6 =	vld [tilespmem:s9+$0xFFFFFF60];
	v1 =	vmul.f32 $8.000000000e+00, v1  }
0x119: {  	v7 =	vld [tilespmem:s9+$0xFFFFFF70];
	v2 =	vmul.f32 $8.000000000e+00, v2;
	[tilespmem:s9+$0xF0] =	vst v0  }
0x11a: {  	[tilespmem:s9+$0xFFFFFF10] =	vst v1;
	v0 =	vmul.f32 $8.000000000e+00, v3;
	v1 =	vld [tilespmem:s9+$0xFFFFFF80]  }
0x11b: {  	[tilespmem:s9+$0xFFFFFF20] =	vst v2;
	v2 =	vmul.f32 $8.000000000e+00, v4;
	v3 =	vld [tilespmem:s9+$0xFFFFFF90]  }
0x11c: {  	v4 =	vld [tilespmem:s9+$0xFFFFFFA0];
	[tilespmem:s9+$0xFFFFFF30] =	vst v0;
	v0 =	vmul.f32 $8.000000000e+00, v5  }
0x11d: {  	[tilespmem:s9+$0xFFFFFF40] =	vst v2;
	v2 =	vmul.f32 $8.000000000e+00, v6;
	v5 =	vld [tilespmem:s9+$0xFFFFFFB0]  }
0x11e: {  	v6 =	vld [tilespmem:s9+$0xFFFFFFC0];
	[tilespmem:s9+$0xFFFFFF50] =	vst v0;
	v0 =	vmul.f32 $8.000000000e+00, v7  }
0x11f: {  	[tilespmem:s9+$0xFFFFFF60] =	vst v2;
	v2 =	vld [tilespmem:s9+$0xFFFFFFD0];
	v1 =	vmul.f32 $8.000000000e+00, v1  }
0x120: {  	[tilespmem:s9+$0xFFFFFF70] =	vst v0;
	v0 =	vmul.f32 $8.000000000e+00, v3;
	v3 =	vld [tilespmem:s9+$0xFFFFFFE0]  }
0x121: {  	[tilespmem:s9+$0xFFFFFF80] =	vst v1;
	v1 =	vmul.f32 $8.000000000e+00, v4;
	v4 =	vld [tilespmem:s9+$0xFFFFFFF0]  }
0x122: {  	[tilespmem:s9+$0xFFFFFF90] =	vst v0;
	v0 =	vmul.f32 $8.000000000e+00, v5;
	v5 =	vld [tilespmem:s9+$0x0]  }
0x123: {  	[tilespmem:s9+$0xFFFFFFA0] =	vst v1;
	v1 =	vmul.f32 $8.000000000e+00, v6;
	v6 =	vld [tilespmem:s9+$0x10]  }
0x124: {  	[tilespmem:s9+$0xFFFFFFB0] =	vst v0;
	v0 =	vmul.f32 $8.000000000e+00, v2;
	v2 =	vld [tilespmem:s9+$0x20]  }
0x125: {  	[tilespmem:s9+$0xFFFFFFC0] =	vst v1;
	v1 =	vmul.f32 $8.000000000e+00, v3;
	v3 =	vld [tilespmem:s9+$0x30]  }
0x126: {  	[tilespmem:s9+$0xFFFFFFD0] =	vst v0;
	v0 =	vmul.f32 $8.000000000e+00, v4;
	v4 =	vld [tilespmem:s9+$0x40]  }
0x127: {  	[tilespmem:s9+$0xFFFFFFE0] =	vst v1;
	v1 =	vmul.f32 $8.000000000e+00, v5;
	v5 =	vld [tilespmem:s9+$0x50]  }
0x128: {  	[tilespmem:s9+$0xFFFFFFF0] =	vst v0;
	v0 =	vmul.f32 $8.000000000e+00, v6;
	v6 =	vld [tilespmem:s9+$0x60]  }
0x129: {  	[tilespmem:s9+$0x0] =	vst v1;
	v1 =	vmul.f32 $8.000000000e+00, v2;
	v2 =	vld [tilespmem:s9+$0x70]  }
0x12a: {  	[tilespmem:s9+$0x10] =	vst v0;
	v0 =	vmul.f32 $8.000000000e+00, v3;
	v3 =	vld [tilespmem:s9+$0x80]  }
0x12b: {  	[tilespmem:s9+$0x20] =	vst v1;
	v1 =	vmul.f32 $8.000000000e+00, v4;
	v4 =	vld [tilespmem:s9+$0x90]  }
0x12c: {  	v7 =	vld [tilespmem:s9+$0xA0];
	[tilespmem:s9+$0x30] =	vst v0;
	v5 =	vmul.f32 $8.000000000e+00, v5  }
0x12d: {  	v0 =	vld [tilespmem:s9+$0xB0];
	[tilespmem:s9+$0x40] =	vst v1;
	v6 =	vmul.f32 $8.000000000e+00, v6  }
0x12e: {  	v1 =	vld [tilespmem:s9+$0xC0];
	[tilespmem:s9+$0x50] =	vst v5;
	v5 =	vmul.f32 $8.000000000e+00, v2  }
0x12f: {  	v2 =	vld [tilespmem:s9+$0xD0];
	[tilespmem:s9+$0x60] =	vst v6;
	v6 =	vmul.f32 $8.000000000e+00, v3  }
0x130: {  	v3 =	vld [tilespmem:s9+$0xE0];
	[tilespmem:s9+$0x70] =	vst v5;
	v5 =	vmul.f32 $8.000000000e+00, v4  }
0x131: {  	s10 =	simm.s32 $0x0;
	s11 =	simm.s32 $0x12700;
	v4 =	vld [tilespmem:s9+$0xFFFFFF00];
	[tilespmem:s9+$0x80] =	vst v6;
	v6 =	vmul.f32 $8.000000000e+00, v7  }
.LBB2_8:
0x132: {  	v7 =	vld [tilespmem:s11+$0xF0];
	s10 =	sadd.s32 $0x8, s10;
	[tilespmem:s9+$0x90] =	vst v5;
	v0 =	vmul.f32 $8.000000000e+00, v0  }
0x133: {  	v5 =	vld [tilespmem:s11+$0xFFFFFF10];
	p0 =	slt.u32 s10, $0xF8;
	[tilespmem:s9+$0xA0] =	vst v6;
	v1 =	vmul.f32 $8.000000000e+00, v1  }
0x134: {  	v6 =	vld [tilespmem:s11+$0xFFFFFF20];
	[tilespmem:s9+$0xB0] =	vst v0;
	v0 =	vmul.f32 $8.000000000e+00, v2  }
0x135: {  	v2 =	vld [tilespmem:s11+$0xFFFFFF30];
	[tilespmem:s9+$0xC0] =	vst v1;
	v1 =	vmul.f32 $8.000000000e+00, v3  }
0x136: {  	v3 =	vld [tilespmem:s11+$0xFFFFFF40];
	v4 =	vmul.f32 $8.000000000e+00, v4;
	[tilespmem:s9+$0xD0] =	vst v0  }
0x137: {  	v0 =	vld [tilespmem:s11+$0xFFFFFF50];
	v7 =	vmul.f32 $8.000000000e+00, v7;
	[tilespmem:s9+$0xE0] =	vst v1  }
0x138: {  	v1 =	vmul.f32 $8.000000000e+00, v5;
	v5 =	vld [tilespmem:s11+$0xFFFFFF60];
	[tilespmem:s9+$0xFFFFFF00] =	vst v4;
	s9 =	smov.u32 s11  }
0x139: {  	v4 =	vmul.f32 $8.000000000e+00, v6;
	v6 =	vld [tilespmem:s11+$0xFFFFFF70];
	[tilespmem:s11+$0xF0] =	vst v7  }
0x13a: {  	[tilespmem:s11+$0xFFFFFF10] =	vst v1;
	v1 =	vmul.f32 $8.000000000e+00, v2;
	v2 =	vld [tilespmem:s11+$0xFFFFFF80]  }
0x13b: {  	[tilespmem:s11+$0xFFFFFF20] =	vst v4;
	v3 =	vmul.f32 $8.000000000e+00, v3;
	v4 =	vld [tilespmem:s11+$0xFFFFFF90]  }
0x13c: {  	[tilespmem:s11+$0xFFFFFF30] =	vst v1;
	v0 =	vmul.f32 $8.000000000e+00, v0;
	v1 =	vld [tilespmem:s11+$0xFFFFFFA0]  }
0x13d: {  	[tilespmem:s11+$0xFFFFFF40] =	vst v3;
	v3 =	vmul.f32 $8.000000000e+00, v5;
	v5 =	vld [tilespmem:s11+$0xFFFFFFB0]  }
0x13e: {  	[tilespmem:s11+$0xFFFFFF50] =	vst v0;
	v0 =	vmul.f32 $8.000000000e+00, v6;
	v6 =	vld [tilespmem:s11+$0xFFFFFFC0]  }
0x13f: {  	[tilespmem:s11+$0xFFFFFF60] =	vst v3;
	v2 =	vmul.f32 $8.000000000e+00, v2;
	v3 =	vld [tilespmem:s11+$0xFFFFFFD0]  }
0x140: {  	[tilespmem:s11+$0xFFFFFF70] =	vst v0;
	v0 =	vmul.f32 $8.000000000e+00, v4;
	v4 =	vld [tilespmem:s11+$0xFFFFFFE0]  }
0x141: {  	[tilespmem:s11+$0xFFFFFF80] =	vst v2;
	v1 =	vmul.f32 $8.000000000e+00, v1;
	v2 =	vld [tilespmem:s11+$0xFFFFFFF0]  }
0x142: {  	[tilespmem:s11+$0xFFFFFF90] =	vst v0;
	v0 =	vmul.f32 $8.000000000e+00, v5;
	v5 =	vld [tilespmem:s11+$0x0]  }
0x143: {  	[tilespmem:s11+$0xFFFFFFA0] =	vst v1;
	v1 =	vmul.f32 $8.000000000e+00, v6;
	v6 =	vld [tilespmem:s11+$0x10]  }
0x144: {  	[tilespmem:s11+$0xFFFFFFB0] =	vst v0;
	v0 =	vmul.f32 $8.000000000e+00, v3;
	v3 =	vld [tilespmem:s11+$0x20]  }
0x145: {  	[tilespmem:s11+$0xFFFFFFC0] =	vst v1;
	v1 =	vmul.f32 $8.000000000e+00, v4;
	v4 =	vld [tilespmem:s11+$0x30]  }
0x146: {  	[tilespmem:s11+$0xFFFFFFD0] =	vst v0;
	v0 =	vmul.f32 $8.000000000e+00, v2;
	v2 =	vld [tilespmem:s11+$0x40]  }
0x147: {  	[tilespmem:s11+$0xFFFFFFE0] =	vst v1;
	v1 =	vmul.f32 $8.000000000e+00, v5;
	v5 =	vld [tilespmem:s11+$0x50]  }
0x148: {  	[tilespmem:s11+$0xFFFFFFF0] =	vst v0;
	v0 =	vmul.f32 $8.000000000e+00, v6;
	v6 =	vld [tilespmem:s11+$0x60]  }
0x149: {  	[tilespmem:s11+$0x0] =	vst v1;
	v1 =	vmul.f32 $8.000000000e+00, v3;
	v3 =	vld [tilespmem:s11+$0x70]  }
0x14a: {  	[tilespmem:s11+$0x10] =	vst v0;
	v0 =	vmul.f32 $8.000000000e+00, v4;
	v4 =	vld [tilespmem:s11+$0x80]  }
0x14b: {  	[tilespmem:s11+$0x20] =	vst v1;
	v1 =	vmul.f32 $8.000000000e+00, v2;
	v7 =	vld [tilespmem:s11+$0x90]  }
0x14c: {  	[tilespmem:s11+$0x30] =	vst v0;
	v2 =	vmul.f32 $8.000000000e+00, v5;
	v8 =	vld [tilespmem:s11+$0xA0]  }
.Ltmp3:
0x14d: {  	[tilespmem:s11+$0x40] =	vst v1;
	v5 =	vmul.f32 $8.000000000e+00, v6;
	v0 =	vld [tilespmem:s11+$0xB0];
	(pc) =	sbr.rel @p0 .LBB2_8-.Ltmp3, $4  }
0x14e: {  	[tilespmem:s11+$0x50] =	vst v2;
	v3 =	vmul.f32 $8.000000000e+00, v3;
	v1 =	vld [tilespmem:s11+$0xC0]  }
0x14f: {  	[tilespmem:s11+$0x60] =	vst v5;
	v6 =	vmul.f32 $8.000000000e+00, v4;
	v2 =	vld [tilespmem:s11+$0xD0]  }
0x150: {  	[tilespmem:s11+$0x70] =	vst v3;
	v5 =	vmul.f32 $8.000000000e+00, v7;
	v3 =	vld [tilespmem:s11+$0xE0]  }
0x151: {  	s11 =	sadd.s32 $0x200, s11;
	v4 =	vld [tilespmem:s9+$0xFFFFFF00];
	[tilespmem:s9+$0x80] =	vst v6;
	v6 =	vmul.f32 $8.000000000e+00, v8  }
0x152: {  	[tilespmem:s9+$0x90] =	vst v5;
	v0 =	vmul.f32 $8.000000000e+00, v0  }
0x153: {  	[tilespmem:s9+$0xA0] =	vst v6;
	v1 =	vmul.f32 $8.000000000e+00, v1  }
0x154: {  	[tilespmem:s9+$0xB0] =	vst v0;
	v61 =	vmul.f32 $8.000000000e+00, v2  }
0x155: {  	[tilespmem:s9+$0xC0] =	vst v1;
	v62 =	vmul.f32 $8.000000000e+00, v3  }
0x156: {  	v63 =	vmul.f32 $8.000000000e+00, v4;
	[tilespmem:s9+$0xD0] =	vst v61  }
0x157: {  	[tilespmem:s9+$0xE0] =	vst v62  }
0x158: {  	[tilespmem:s9+$0xFFFFFF00] =	vst v63  }
0x159: {  	s9 =	rddreg [dreg:$0x6]  }
0x15a: {  	[hbm4b:s9+s3] =	stream.linear.scatter [tilespmem:s26], [sflag:$0x8], $0x4000, $0x38;
	[tilespmem:$0x16400] =	vst v63  }
0x15b: {  	s9 =	simm.s32 $0x1  }
.LBB2_10:
0x15c: {  	_ =	swait.ge [sflag:s30], $0x4000  }
0x15d: {  	s11 =	sshll.u32 s9, $0xA;
	[sflag:s30] =	ssyncset.done $0x0  }
0x15e: {  	s10 =	sor.u32 $0x300, s11;
	[sflag:s30] =	ssyncadd.s32 $0xFFFFC000  }
0x15f: {  	[tilespmem:s26], [sflag:$0x4] =	stream.indirect.gather [hbm4b:s5+s20], $0x40, s10, s20, $0xb8;
	[tilespmem:$0x16400] =	vst v63  }
0x160: {  	_ =	swait.ge [sflag:s28], $0x4000  }
0x161: {  	[sflag:s28] =	ssyncset.done $0x0  }
0x162: {  	s14 =	simm.s32 $0x6500;
	[sflag:s28] =	ssyncadd.s32 $0xFFFFC000  }
0x163: {  	v0 =	vld [tilespmem:s14+$0xF0]  }
0x164: {  	v1 =	vld [tilespmem:s14+$0xFFFFFF10]  }
0x165: {  	v2 =	vld [tilespmem:s14+$0xFFFFFF20]  }
0x166: {  	v3 =	vld [tilespmem:s14+$0xFFFFFF30]  }
0x167: {  	v4 =	vld [tilespmem:s14+$0xFFFFFF40]  }
0x168: {  	v5 =	vld [tilespmem:s14+$0xFFFFFF50];
	v0 =	vmul.f32 $8.000000000e+00, v0  }
0x169: {  	v6 =	vld [tilespmem:s14+$0xFFFFFF60];
	v1 =	vmul.f32 $8.000000000e+00, v1  }
0x16a: {  	v7 =	vld [tilespmem:s14+$0xFFFFFF70];
	v2 =	vmul.f32 $8.000000000e+00, v2;
	[tilespmem:s14+$0xF0] =	vst v0  }
0x16b: {  	[tilespmem:s14+$0xFFFFFF10] =	vst v1;
	v0 =	vmul.f32 $8.000000000e+00, v3;
	v1 =	vld [tilespmem:s14+$0xFFFFFF80]  }
0x16c: {  	[tilespmem:s14+$0xFFFFFF20] =	vst v2;
	v2 =	vmul.f32 $8.000000000e+00, v4;
	v3 =	vld [tilespmem:s14+$0xFFFFFF90]  }
0x16d: {  	v4 =	vld [tilespmem:s14+$0xFFFFFFA0];
	[tilespmem:s14+$0xFFFFFF30] =	vst v0;
	v0 =	vmul.f32 $8.000000000e+00, v5  }
0x16e: {  	[tilespmem:s14+$0xFFFFFF40] =	vst v2;
	v2 =	vmul.f32 $8.000000000e+00, v6;
	v5 =	vld [tilespmem:s14+$0xFFFFFFB0]  }
0x16f: {  	v6 =	vld [tilespmem:s14+$0xFFFFFFC0];
	[tilespmem:s14+$0xFFFFFF50] =	vst v0;
	v0 =	vmul.f32 $8.000000000e+00, v7  }
0x170: {  	[tilespmem:s14+$0xFFFFFF60] =	vst v2;
	v2 =	vld [tilespmem:s14+$0xFFFFFFD0];
	v1 =	vmul.f32 $8.000000000e+00, v1  }
0x171: {  	[tilespmem:s14+$0xFFFFFF70] =	vst v0;
	v0 =	vmul.f32 $8.000000000e+00, v3;
	v3 =	vld [tilespmem:s14+$0xFFFFFFE0]  }
0x172: {  	[tilespmem:s14+$0xFFFFFF80] =	vst v1;
	v1 =	vmul.f32 $8.000000000e+00, v4;
	v4 =	vld [tilespmem:s14+$0xFFFFFFF0]  }
0x173: {  	[tilespmem:s14+$0xFFFFFF90] =	vst v0;
	v0 =	vmul.f32 $8.000000000e+00, v5;
	v5 =	vld [tilespmem:s14+$0x0]  }
0x174: {  	[tilespmem:s14+$0xFFFFFFA0] =	vst v1;
	v1 =	vmul.f32 $8.000000000e+00, v6;
	v6 =	vld [tilespmem:s14+$0x10]  }
0x175: {  	[tilespmem:s14+$0xFFFFFFB0] =	vst v0;
	v0 =	vmul.f32 $8.000000000e+00, v2;
	v2 =	vld [tilespmem:s14+$0x20]  }
0x176: {  	[tilespmem:s14+$0xFFFFFFC0] =	vst v1;
	v1 =	vmul.f32 $8.000000000e+00, v3;
	v3 =	vld [tilespmem:s14+$0x30]  }
0x177: {  	[tilespmem:s14+$0xFFFFFFD0] =	vst v0;
	v0 =	vmul.f32 $8.000000000e+00, v4;
	v4 =	vld [tilespmem:s14+$0x40]  }
0x178: {  	[tilespmem:s14+$0xFFFFFFE0] =	vst v1;
	v1 =	vmul.f32 $8.000000000e+00, v5;
	v5 =	vld [tilespmem:s14+$0x50]  }
0x179: {  	[tilespmem:s14+$0xFFFFFFF0] =	vst v0;
	v0 =	vmul.f32 $8.000000000e+00, v6;
	v6 =	vld [tilespmem:s14+$0x60]  }
0x17a: {  	[tilespmem:s14+$0x0] =	vst v1;
	v1 =	vmul.f32 $8.000000000e+00, v2;
	v2 =	vld [tilespmem:s14+$0x70]  }
0x17b: {  	[tilespmem:s14+$0x10] =	vst v0;
	v0 =	vmul.f32 $8.000000000e+00, v3;
	v3 =	vld [tilespmem:s14+$0x80]  }
0x17c: {  	[tilespmem:s14+$0x20] =	vst v1;
	v1 =	vmul.f32 $8.000000000e+00, v4;
	v4 =	vld [tilespmem:s14+$0x90]  }
0x17d: {  	v7 =	vld [tilespmem:s14+$0xA0];
	[tilespmem:s14+$0x30] =	vst v0;
	v5 =	vmul.f32 $8.000000000e+00, v5  }
0x17e: {  	v0 =	vld [tilespmem:s14+$0xB0];
	[tilespmem:s14+$0x40] =	vst v1;
	v6 =	vmul.f32 $8.000000000e+00, v6  }
0x17f: {  	v1 =	vld [tilespmem:s14+$0xC0];
	[tilespmem:s14+$0x50] =	vst v5;
	v5 =	vmul.f32 $8.000000000e+00, v2  }
0x180: {  	v2 =	vld [tilespmem:s14+$0xD0];
	[tilespmem:s14+$0x60] =	vst v6;
	v6 =	vmul.f32 $8.000000000e+00, v3  }
0x181: {  	v3 =	vld [tilespmem:s14+$0xE0];
	[tilespmem:s14+$0x70] =	vst v5;
	v5 =	vmul.f32 $8.000000000e+00, v4  }
0x182: {  	s15 =	simm.s32 $0x0;
	s16 =	simm.s32 $0x6700;
	v4 =	vld [tilespmem:s14+$0xFFFFFF00];
	[tilespmem:s14+$0x80] =	vst v6;
	v6 =	vmul.f32 $8.000000000e+00, v7  }
.LBB2_11:
0x183: {  	v7 =	vld [tilespmem:s16+$0xF0];
	s15 =	sadd.s32 $0x8, s15;
	[tilespmem:s14+$0x90] =	vst v5;
	v0 =	vmul.f32 $8.000000000e+00, v0  }
0x184: {  	v5 =	vld [tilespmem:s16+$0xFFFFFF10];
	p0 =	slt.u32 s15, $0xF8;
	[tilespmem:s14+$0xA0] =	vst v6;
	v1 =	vmul.f32 $8.000000000e+00, v1  }
0x185: {  	v6 =	vld [tilespmem:s16+$0xFFFFFF20];
	[tilespmem:s14+$0xB0] =	vst v0;
	v0 =	vmul.f32 $8.000000000e+00, v2  }
0x186: {  	v2 =	vld [tilespmem:s16+$0xFFFFFF30];
	[tilespmem:s14+$0xC0] =	vst v1;
	v1 =	vmul.f32 $8.000000000e+00, v3  }
0x187: {  	v3 =	vld [tilespmem:s16+$0xFFFFFF40];
	v4 =	vmul.f32 $8.000000000e+00, v4;
	[tilespmem:s14+$0xD0] =	vst v0  }
0x188: {  	v0 =	vld [tilespmem:s16+$0xFFFFFF50];
	v7 =	vmul.f32 $8.000000000e+00, v7;
	[tilespmem:s14+$0xE0] =	vst v1  }
0x189: {  	v1 =	vmul.f32 $8.000000000e+00, v5;
	v5 =	vld [tilespmem:s16+$0xFFFFFF60];
	[tilespmem:s14+$0xFFFFFF00] =	vst v4;
	s14 =	smov.u32 s16  }
0x18a: {  	v4 =	vmul.f32 $8.000000000e+00, v6;
	v6 =	vld [tilespmem:s16+$0xFFFFFF70];
	[tilespmem:s16+$0xF0] =	vst v7  }
0x18b: {  	[tilespmem:s16+$0xFFFFFF10] =	vst v1;
	v1 =	vmul.f32 $8.000000000e+00, v2;
	v2 =	vld [tilespmem:s16+$0xFFFFFF80]  }
0x18c: {  	[tilespmem:s16+$0xFFFFFF20] =	vst v4;
	v3 =	vmul.f32 $8.000000000e+00, v3;
	v4 =	vld [tilespmem:s16+$0xFFFFFF90]  }
0x18d: {  	[tilespmem:s16+$0xFFFFFF30] =	vst v1;
	v0 =	vmul.f32 $8.000000000e+00, v0;
	v1 =	vld [tilespmem:s16+$0xFFFFFFA0]  }
0x18e: {  	[tilespmem:s16+$0xFFFFFF40] =	vst v3;
	v3 =	vmul.f32 $8.000000000e+00, v5;
	v5 =	vld [tilespmem:s16+$0xFFFFFFB0]  }
0x18f: {  	[tilespmem:s16+$0xFFFFFF50] =	vst v0;
	v0 =	vmul.f32 $8.000000000e+00, v6;
	v6 =	vld [tilespmem:s16+$0xFFFFFFC0]  }
0x190: {  	[tilespmem:s16+$0xFFFFFF60] =	vst v3;
	v2 =	vmul.f32 $8.000000000e+00, v2;
	v3 =	vld [tilespmem:s16+$0xFFFFFFD0]  }
0x191: {  	[tilespmem:s16+$0xFFFFFF70] =	vst v0;
	v0 =	vmul.f32 $8.000000000e+00, v4;
	v4 =	vld [tilespmem:s16+$0xFFFFFFE0]  }
0x192: {  	[tilespmem:s16+$0xFFFFFF80] =	vst v2;
	v1 =	vmul.f32 $8.000000000e+00, v1;
	v2 =	vld [tilespmem:s16+$0xFFFFFFF0]  }
0x193: {  	[tilespmem:s16+$0xFFFFFF90] =	vst v0;
	v0 =	vmul.f32 $8.000000000e+00, v5;
	v5 =	vld [tilespmem:s16+$0x0]  }
0x194: {  	[tilespmem:s16+$0xFFFFFFA0] =	vst v1;
	v1 =	vmul.f32 $8.000000000e+00, v6;
	v6 =	vld [tilespmem:s16+$0x10]  }
0x195: {  	[tilespmem:s16+$0xFFFFFFB0] =	vst v0;
	v0 =	vmul.f32 $8.000000000e+00, v3;
	v3 =	vld [tilespmem:s16+$0x20]  }
0x196: {  	[tilespmem:s16+$0xFFFFFFC0] =	vst v1;
	v1 =	vmul.f32 $8.000000000e+00, v4;
	v4 =	vld [tilespmem:s16+$0x30]  }
0x197: {  	[tilespmem:s16+$0xFFFFFFD0] =	vst v0;
	v0 =	vmul.f32 $8.000000000e+00, v2;
	v2 =	vld [tilespmem:s16+$0x40]  }
0x198: {  	[tilespmem:s16+$0xFFFFFFE0] =	vst v1;
	v1 =	vmul.f32 $8.000000000e+00, v5;
	v5 =	vld [tilespmem:s16+$0x50]  }
0x199: {  	[tilespmem:s16+$0xFFFFFFF0] =	vst v0;
	v0 =	vmul.f32 $8.000000000e+00, v6;
	v6 =	vld [tilespmem:s16+$0x60]  }
0x19a: {  	[tilespmem:s16+$0x0] =	vst v1;
	v1 =	vmul.f32 $8.000000000e+00, v3;
	v3 =	vld [tilespmem:s16+$0x70]  }
0x19b: {  	[tilespmem:s16+$0x10] =	vst v0;
	v0 =	vmul.f32 $8.000000000e+00, v4;
	v4 =	vld [tilespmem:s16+$0x80]  }
0x19c: {  	[tilespmem:s16+$0x20] =	vst v1;
	v1 =	vmul.f32 $8.000000000e+00, v2;
	v7 =	vld [tilespmem:s16+$0x90]  }
0x19d: {  	[tilespmem:s16+$0x30] =	vst v0;
	v2 =	vmul.f32 $8.000000000e+00, v5;
	v8 =	vld [tilespmem:s16+$0xA0]  }
.Ltmp4:
0x19e: {  	[tilespmem:s16+$0x40] =	vst v1;
	v5 =	vmul.f32 $8.000000000e+00, v6;
	v0 =	vld [tilespmem:s16+$0xB0];
	(pc) =	sbr.rel @p0 .LBB2_11-.Ltmp4, $4  }
0x19f: {  	[tilespmem:s16+$0x50] =	vst v2;
	v3 =	vmul.f32 $8.000000000e+00, v3;
	v1 =	vld [tilespmem:s16+$0xC0]  }
0x1a0: {  	[tilespmem:s16+$0x60] =	vst v5;
	v6 =	vmul.f32 $8.000000000e+00, v4;
	v2 =	vld [tilespmem:s16+$0xD0]  }
0x1a1: {  	[tilespmem:s16+$0x70] =	vst v3;
	v5 =	vmul.f32 $8.000000000e+00, v7;
	v3 =	vld [tilespmem:s16+$0xE0]  }
0x1a2: {  	s16 =	sadd.s32 $0x200, s16;
	v4 =	vld [tilespmem:s14+$0xFFFFFF00];
	[tilespmem:s14+$0x80] =	vst v6;
	v6 =	vmul.f32 $8.000000000e+00, v8  }
0x1a3: {  	[tilespmem:s14+$0x90] =	vst v5;
	v0 =	vmul.f32 $8.000000000e+00, v0  }
0x1a4: {  	[tilespmem:s14+$0xA0] =	vst v6;
	v1 =	vmul.f32 $8.000000000e+00, v1  }
0x1a5: {  	[tilespmem:s14+$0xB0] =	vst v0;
	v0 =	vmul.f32 $8.000000000e+00, v2  }
0x1a6: {  	s15 =	sshll.u32 s9, $0x10;
	[tilespmem:s14+$0xC0] =	vst v1;
	v1 =	vmul.f32 $8.000000000e+00, v3  }
0x1a7: {  	s15 =	sadd.s32 s6, s15;
	v2 =	vmul.f32 $8.000000000e+00, v4;
	[tilespmem:s14+$0xD0] =	vst v0  }
0x1a8: {  	s15 =	sshrl.u32 s15, $0x3;
	[tilespmem:s14+$0xE0] =	vst v1  }
0x1a9: {  	s16 =	sadd.s32 s2, s15;
	[tilespmem:s14+$0xFFFFFF00] =	vst v2  }
0x1aa: {  	[hbm4b:s16+s3] =	stream.linear.scatter [tilespmem:s21], [sflag:$0x5], $0x4000, $0x38;
	[tilespmem:$0x16400] =	vst v63  }
0x1ab: {  	_ =	swait.ge [sflag:s29], $0x4000  }
0x1ac: {  	s14 =	sand.u32 $0x3FFFFC00, s11;
	[sflag:s29] =	ssyncset.done $0x0  }
0x1ad: {  	s17 =	sadd.s32 $0x400, s14;
	[sflag:s29] =	ssyncadd.s32 $0xFFFFC000  }
0x1ae: {  	[tilespmem:s21], [sflag:$0x1] =	stream.indirect.gather [hbm4b:s5+s20], $0x40, s17, s20, $0xb8;
	[tilespmem:$0x16400] =	vst v63  }
0x1af: {  	_ =	swait.ge [sflag:s31], $0x4000  }
0x1b0: {  	[sflag:s31] =	ssyncset.done $0x0  }
0x1b1: {  	s15 =	simm.s32 $0xA500;
	[sflag:s31] =	ssyncadd.s32 $0xFFFFC000  }
0x1b2: {  	v0 =	vld [tilespmem:s15+$0xF0]  }
0x1b3: {  	v1 =	vld [tilespmem:s15+$0xFFFFFF10]  }
0x1b4: {  	v2 =	vld [tilespmem:s15+$0xFFFFFF20]  }
0x1b5: {  	v3 =	vld [tilespmem:s15+$0xFFFFFF30]  }
0x1b6: {  	v4 =	vld [tilespmem:s15+$0xFFFFFF40]  }
0x1b7: {  	v5 =	vld [tilespmem:s15+$0xFFFFFF50];
	v0 =	vmul.f32 $8.000000000e+00, v0  }
0x1b8: {  	v6 =	vld [tilespmem:s15+$0xFFFFFF60];
	v1 =	vmul.f32 $8.000000000e+00, v1  }
0x1b9: {  	v7 =	vld [tilespmem:s15+$0xFFFFFF70];
	v2 =	vmul.f32 $8.000000000e+00, v2;
	[tilespmem:s15+$0xF0] =	vst v0  }
0x1ba: {  	[tilespmem:s15+$0xFFFFFF10] =	vst v1;
	v0 =	vmul.f32 $8.000000000e+00, v3;
	v1 =	vld [tilespmem:s15+$0xFFFFFF80]  }
0x1bb: {  	[tilespmem:s15+$0xFFFFFF20] =	vst v2;
	v2 =	vmul.f32 $8.000000000e+00, v4;
	v3 =	vld [tilespmem:s15+$0xFFFFFF90]  }
0x1bc: {  	v4 =	vld [tilespmem:s15+$0xFFFFFFA0];
	[tilespmem:s15+$0xFFFFFF30] =	vst v0;
	v0 =	vmul.f32 $8.000000000e+00, v5  }
0x1bd: {  	[tilespmem:s15+$0xFFFFFF40] =	vst v2;
	v2 =	vmul.f32 $8.000000000e+00, v6;
	v5 =	vld [tilespmem:s15+$0xFFFFFFB0]  }
0x1be: {  	v6 =	vld [tilespmem:s15+$0xFFFFFFC0];
	[tilespmem:s15+$0xFFFFFF50] =	vst v0;
	v0 =	vmul.f32 $8.000000000e+00, v7  }
0x1bf: {  	[tilespmem:s15+$0xFFFFFF60] =	vst v2;
	v2 =	vld [tilespmem:s15+$0xFFFFFFD0];
	v1 =	vmul.f32 $8.000000000e+00, v1  }
0x1c0: {  	[tilespmem:s15+$0xFFFFFF70] =	vst v0;
	v0 =	vmul.f32 $8.000000000e+00, v3;
	v3 =	vld [tilespmem:s15+$0xFFFFFFE0]  }
0x1c1: {  	[tilespmem:s15+$0xFFFFFF80] =	vst v1;
	v1 =	vmul.f32 $8.000000000e+00, v4;
	v4 =	vld [tilespmem:s15+$0xFFFFFFF0]  }
0x1c2: {  	[tilespmem:s15+$0xFFFFFF90] =	vst v0;
	v0 =	vmul.f32 $8.000000000e+00, v5;
	v5 =	vld [tilespmem:s15+$0x0]  }
0x1c3: {  	[tilespmem:s15+$0xFFFFFFA0] =	vst v1;
	v1 =	vmul.f32 $8.000000000e+00, v6;
	v6 =	vld [tilespmem:s15+$0x10]  }
0x1c4: {  	[tilespmem:s15+$0xFFFFFFB0] =	vst v0;
	v0 =	vmul.f32 $8.000000000e+00, v2;
	v2 =	vld [tilespmem:s15+$0x20]  }
0x1c5: {  	[tilespmem:s15+$0xFFFFFFC0] =	vst v1;
	v1 =	vmul.f32 $8.000000000e+00, v3;
	v3 =	vld [tilespmem:s15+$0x30]  }
0x1c6: {  	[tilespmem:s15+$0xFFFFFFD0] =	vst v0;
	v0 =	vmul.f32 $8.000000000e+00, v4;
	v4 =	vld [tilespmem:s15+$0x40]  }
0x1c7: {  	[tilespmem:s15+$0xFFFFFFE0] =	vst v1;
	v1 =	vmul.f32 $8.000000000e+00, v5;
	v5 =	vld [tilespmem:s15+$0x50]  }
0x1c8: {  	[tilespmem:s15+$0xFFFFFFF0] =	vst v0;
	v0 =	vmul.f32 $8.000000000e+00, v6;
	v6 =	vld [tilespmem:s15+$0x60]  }
0x1c9: {  	[tilespmem:s15+$0x0] =	vst v1;
	v1 =	vmul.f32 $8.000000000e+00, v2;
	v2 =	vld [tilespmem:s15+$0x70]  }
0x1ca: {  	[tilespmem:s15+$0x10] =	vst v0;
	v0 =	vmul.f32 $8.000000000e+00, v3;
	v3 =	vld [tilespmem:s15+$0x80]  }
0x1cb: {  	[tilespmem:s15+$0x20] =	vst v1;
	v1 =	vmul.f32 $8.000000000e+00, v4;
	v4 =	vld [tilespmem:s15+$0x90]  }
0x1cc: {  	v7 =	vld [tilespmem:s15+$0xA0];
	[tilespmem:s15+$0x30] =	vst v0;
	v5 =	vmul.f32 $8.000000000e+00, v5  }
0x1cd: {  	v0 =	vld [tilespmem:s15+$0xB0];
	[tilespmem:s15+$0x40] =	vst v1;
	v6 =	vmul.f32 $8.000000000e+00, v6  }
0x1ce: {  	v1 =	vld [tilespmem:s15+$0xC0];
	[tilespmem:s15+$0x50] =	vst v5;
	v5 =	vmul.f32 $8.000000000e+00, v2  }
0x1cf: {  	v2 =	vld [tilespmem:s15+$0xD0];
	[tilespmem:s15+$0x60] =	vst v6;
	v6 =	vmul.f32 $8.000000000e+00, v3  }
0x1d0: {  	v3 =	vld [tilespmem:s15+$0xE0];
	[tilespmem:s15+$0x70] =	vst v5;
	v5 =	vmul.f32 $8.000000000e+00, v4  }
0x1d1: {  	s16 =	simm.s32 $0x0;
	s17 =	simm.s32 $0xA700;
	v4 =	vld [tilespmem:s15+$0xFFFFFF00];
	[tilespmem:s15+$0x80] =	vst v6;
	v6 =	vmul.f32 $8.000000000e+00, v7  }
.LBB2_13:
0x1d2: {  	v7 =	vld [tilespmem:s17+$0xF0];
	s16 =	sadd.s32 $0x8, s16;
	[tilespmem:s15+$0x90] =	vst v5;
	v0 =	vmul.f32 $8.000000000e+00, v0  }
0x1d3: {  	v5 =	vld [tilespmem:s17+$0xFFFFFF10];
	p0 =	slt.u32 s16, $0xF8;
	[tilespmem:s15+$0xA0] =	vst v6;
	v1 =	vmul.f32 $8.000000000e+00, v1  }
0x1d4: {  	v6 =	vld [tilespmem:s17+$0xFFFFFF20];
	[tilespmem:s15+$0xB0] =	vst v0;
	v0 =	vmul.f32 $8.000000000e+00, v2  }
0x1d5: {  	v2 =	vld [tilespmem:s17+$0xFFFFFF30];
	[tilespmem:s15+$0xC0] =	vst v1;
	v1 =	vmul.f32 $8.000000000e+00, v3  }
0x1d6: {  	v3 =	vld [tilespmem:s17+$0xFFFFFF40];
	v4 =	vmul.f32 $8.000000000e+00, v4;
	[tilespmem:s15+$0xD0] =	vst v0  }
0x1d7: {  	v0 =	vld [tilespmem:s17+$0xFFFFFF50];
	v7 =	vmul.f32 $8.000000000e+00, v7;
	[tilespmem:s15+$0xE0] =	vst v1  }
0x1d8: {  	v1 =	vmul.f32 $8.000000000e+00, v5;
	v5 =	vld [tilespmem:s17+$0xFFFFFF60];
	[tilespmem:s15+$0xFFFFFF00] =	vst v4;
	s15 =	smov.u32 s17  }
0x1d9: {  	v4 =	vmul.f32 $8.000000000e+00, v6;
	v6 =	vld [tilespmem:s17+$0xFFFFFF70];
	[tilespmem:s17+$0xF0] =	vst v7  }
0x1da: {  	[tilespmem:s17+$0xFFFFFF10] =	vst v1;
	v1 =	vmul.f32 $8.000000000e+00, v2;
	v2 =	vld [tilespmem:s17+$0xFFFFFF80]  }
0x1db: {  	[tilespmem:s17+$0xFFFFFF20] =	vst v4;
	v3 =	vmul.f32 $8.000000000e+00, v3;
	v4 =	vld [tilespmem:s17+$0xFFFFFF90]  }
0x1dc: {  	[tilespmem:s17+$0xFFFFFF30] =	vst v1;
	v0 =	vmul.f32 $8.000000000e+00, v0;
	v1 =	vld [tilespmem:s17+$0xFFFFFFA0]  }
0x1dd: {  	[tilespmem:s17+$0xFFFFFF40] =	vst v3;
	v3 =	vmul.f32 $8.000000000e+00, v5;
	v5 =	vld [tilespmem:s17+$0xFFFFFFB0]  }
0x1de: {  	[tilespmem:s17+$0xFFFFFF50] =	vst v0;
	v0 =	vmul.f32 $8.000000000e+00, v6;
	v6 =	vld [tilespmem:s17+$0xFFFFFFC0]  }
0x1df: {  	[tilespmem:s17+$0xFFFFFF60] =	vst v3;
	v2 =	vmul.f32 $8.000000000e+00, v2;
	v3 =	vld [tilespmem:s17+$0xFFFFFFD0]  }
0x1e0: {  	[tilespmem:s17+$0xFFFFFF70] =	vst v0;
	v0 =	vmul.f32 $8.000000000e+00, v4;
	v4 =	vld [tilespmem:s17+$0xFFFFFFE0]  }
0x1e1: {  	[tilespmem:s17+$0xFFFFFF80] =	vst v2;
	v1 =	vmul.f32 $8.000000000e+00, v1;
	v2 =	vld [tilespmem:s17+$0xFFFFFFF0]  }
0x1e2: {  	[tilespmem:s17+$0xFFFFFF90] =	vst v0;
	v0 =	vmul.f32 $8.000000000e+00, v5;
	v5 =	vld [tilespmem:s17+$0x0]  }
0x1e3: {  	[tilespmem:s17+$0xFFFFFFA0] =	vst v1;
	v1 =	vmul.f32 $8.000000000e+00, v6;
	v6 =	vld [tilespmem:s17+$0x10]  }
0x1e4: {  	[tilespmem:s17+$0xFFFFFFB0] =	vst v0;
	v0 =	vmul.f32 $8.000000000e+00, v3;
	v3 =	vld [tilespmem:s17+$0x20]  }
0x1e5: {  	[tilespmem:s17+$0xFFFFFFC0] =	vst v1;
	v1 =	vmul.f32 $8.000000000e+00, v4;
	v4 =	vld [tilespmem:s17+$0x30]  }
0x1e6: {  	[tilespmem:s17+$0xFFFFFFD0] =	vst v0;
	v0 =	vmul.f32 $8.000000000e+00, v2;
	v2 =	vld [tilespmem:s17+$0x40]  }
0x1e7: {  	[tilespmem:s17+$0xFFFFFFE0] =	vst v1;
	v1 =	vmul.f32 $8.000000000e+00, v5;
	v5 =	vld [tilespmem:s17+$0x50]  }
0x1e8: {  	[tilespmem:s17+$0xFFFFFFF0] =	vst v0;
	v0 =	vmul.f32 $8.000000000e+00, v6;
	v6 =	vld [tilespmem:s17+$0x60]  }
0x1e9: {  	[tilespmem:s17+$0x0] =	vst v1;
	v1 =	vmul.f32 $8.000000000e+00, v3;
	v3 =	vld [tilespmem:s17+$0x70]  }
0x1ea: {  	[tilespmem:s17+$0x10] =	vst v0;
	v0 =	vmul.f32 $8.000000000e+00, v4;
	v4 =	vld [tilespmem:s17+$0x80]  }
0x1eb: {  	[tilespmem:s17+$0x20] =	vst v1;
	v1 =	vmul.f32 $8.000000000e+00, v2;
	v7 =	vld [tilespmem:s17+$0x90]  }
0x1ec: {  	[tilespmem:s17+$0x30] =	vst v0;
	v2 =	vmul.f32 $8.000000000e+00, v5;
	v8 =	vld [tilespmem:s17+$0xA0]  }
.Ltmp5:
0x1ed: {  	[tilespmem:s17+$0x40] =	vst v1;
	v5 =	vmul.f32 $8.000000000e+00, v6;
	v0 =	vld [tilespmem:s17+$0xB0];
	(pc) =	sbr.rel @p0 .LBB2_13-.Ltmp5, $4  }
0x1ee: {  	[tilespmem:s17+$0x50] =	vst v2;
	v3 =	vmul.f32 $8.000000000e+00, v3;
	v1 =	vld [tilespmem:s17+$0xC0]  }
0x1ef: {  	[tilespmem:s17+$0x60] =	vst v5;
	v6 =	vmul.f32 $8.000000000e+00, v4;
	v2 =	vld [tilespmem:s17+$0xD0]  }
0x1f0: {  	[tilespmem:s17+$0x70] =	vst v3;
	v5 =	vmul.f32 $8.000000000e+00, v7;
	v3 =	vld [tilespmem:s17+$0xE0]  }
0x1f1: {  	s17 =	sadd.s32 $0x200, s17;
	v4 =	vld [tilespmem:s15+$0xFFFFFF00];
	[tilespmem:s15+$0x80] =	vst v6;
	v6 =	vmul.f32 $8.000000000e+00, v8  }
0x1f2: {  	[tilespmem:s15+$0x90] =	vst v5;
	v0 =	vmul.f32 $8.000000000e+00, v0  }
0x1f3: {  	[tilespmem:s15+$0xA0] =	vst v6;
	v1 =	vmul.f32 $8.000000000e+00, v1  }
0x1f4: {  	[tilespmem:s15+$0xB0] =	vst v0;
	v0 =	vmul.f32 $8.000000000e+00, v2  }
0x1f5: {  	s16 =	sadd.s32 s11, s12;
	[tilespmem:s15+$0xC0] =	vst v1;
	v1 =	vmul.f32 $8.000000000e+00, v3  }
0x1f6: {  	s16 =	sshll.u32 s16, $0x3;
	v2 =	vmul.f32 $8.000000000e+00, v4;
	[tilespmem:s15+$0xD0] =	vst v0  }
0x1f7: {  	s16 =	sand.u32 $0x1FFFE800, s16;
	[tilespmem:s15+$0xE0] =	vst v1  }
0x1f8: {  	s16 =	sadd.s32 s2, s16;
	[tilespmem:s15+$0xFFFFFF00] =	vst v2  }
0x1f9: {  	[hbm4b:s16+s3] =	stream.linear.scatter [tilespmem:s22], [sflag:$0x6], $0x4000, $0x38;
	[tilespmem:$0x16400] =	vst v63  }
0x1fa: {  	_ =	swait.ge [sflag:s1], $0x4000  }
0x1fb: {  	[sflag:s1] =	ssyncset.done $0x0  }
0x1fc: {  	s17 =	sadd.s32 $0x500, s14;
	[sflag:s1] =	ssyncadd.s32 $0xFFFFC000  }
0x1fd: {  	[tilespmem:s22], [sflag:$0x2] =	stream.indirect.gather [hbm4b:s5+s20], $0x40, s17, s20, $0xb8;
	[tilespmem:$0x16400] =	vst v63  }
0x1fe: {  	_ =	swait.ge [sflag:s23], $0x4000  }
0x1ff: {  	[sflag:s23] =	ssyncset.done $0x0  }
0x200: {  	s15 =	simm.s32 $0xE500;
	[sflag:s23] =	ssyncadd.s32 $0xFFFFC000  }
0x201: {  	v0 =	vld [tilespmem:s15+$0xF0]  }
0x202: {  	v1 =	vld [tilespmem:s15+$0xFFFFFF10]  }
0x203: {  	v2 =	vld [tilespmem:s15+$0xFFFFFF20]  }
0x204: {  	v3 =	vld [tilespmem:s15+$0xFFFFFF30]  }
0x205: {  	v4 =	vld [tilespmem:s15+$0xFFFFFF40]  }
0x206: {  	v5 =	vld [tilespmem:s15+$0xFFFFFF50];
	v0 =	vmul.f32 $8.000000000e+00, v0  }
0x207: {  	v6 =	vld [tilespmem:s15+$0xFFFFFF60];
	v1 =	vmul.f32 $8.000000000e+00, v1  }
0x208: {  	v7 =	vld [tilespmem:s15+$0xFFFFFF70];
	v2 =	vmul.f32 $8.000000000e+00, v2;
	[tilespmem:s15+$0xF0] =	vst v0  }
0x209: {  	[tilespmem:s15+$0xFFFFFF10] =	vst v1;
	v0 =	vmul.f32 $8.000000000e+00, v3;
	v1 =	vld [tilespmem:s15+$0xFFFFFF80]  }
0x20a: {  	[tilespmem:s15+$0xFFFFFF20] =	vst v2;
	v2 =	vmul.f32 $8.000000000e+00, v4;
	v3 =	vld [tilespmem:s15+$0xFFFFFF90]  }
0x20b: {  	v4 =	vld [tilespmem:s15+$0xFFFFFFA0];
	[tilespmem:s15+$0xFFFFFF30] =	vst v0;
	v0 =	vmul.f32 $8.000000000e+00, v5  }
0x20c: {  	[tilespmem:s15+$0xFFFFFF40] =	vst v2;
	v2 =	vmul.f32 $8.000000000e+00, v6;
	v5 =	vld [tilespmem:s15+$0xFFFFFFB0]  }
0x20d: {  	v6 =	vld [tilespmem:s15+$0xFFFFFFC0];
	[tilespmem:s15+$0xFFFFFF50] =	vst v0;
	v0 =	vmul.f32 $8.000000000e+00, v7  }
0x20e: {  	[tilespmem:s15+$0xFFFFFF60] =	vst v2;
	v2 =	vld [tilespmem:s15+$0xFFFFFFD0];
	v1 =	vmul.f32 $8.000000000e+00, v1  }
0x20f: {  	[tilespmem:s15+$0xFFFFFF70] =	vst v0;
	v0 =	vmul.f32 $8.000000000e+00, v3;
	v3 =	vld [tilespmem:s15+$0xFFFFFFE0]  }
0x210: {  	[tilespmem:s15+$0xFFFFFF80] =	vst v1;
	v1 =	vmul.f32 $8.000000000e+00, v4;
	v4 =	vld [tilespmem:s15+$0xFFFFFFF0]  }
0x211: {  	[tilespmem:s15+$0xFFFFFF90] =	vst v0;
	v0 =	vmul.f32 $8.000000000e+00, v5;
	v5 =	vld [tilespmem:s15+$0x0]  }
0x212: {  	[tilespmem:s15+$0xFFFFFFA0] =	vst v1;
	v1 =	vmul.f32 $8.000000000e+00, v6;
	v6 =	vld [tilespmem:s15+$0x10]  }
0x213: {  	[tilespmem:s15+$0xFFFFFFB0] =	vst v0;
	v0 =	vmul.f32 $8.000000000e+00, v2;
	v2 =	vld [tilespmem:s15+$0x20]  }
0x214: {  	[tilespmem:s15+$0xFFFFFFC0] =	vst v1;
	v1 =	vmul.f32 $8.000000000e+00, v3;
	v3 =	vld [tilespmem:s15+$0x30]  }
0x215: {  	[tilespmem:s15+$0xFFFFFFD0] =	vst v0;
	v0 =	vmul.f32 $8.000000000e+00, v4;
	v4 =	vld [tilespmem:s15+$0x40]  }
0x216: {  	[tilespmem:s15+$0xFFFFFFE0] =	vst v1;
	v1 =	vmul.f32 $8.000000000e+00, v5;
	v5 =	vld [tilespmem:s15+$0x50]  }
0x217: {  	[tilespmem:s15+$0xFFFFFFF0] =	vst v0;
	v0 =	vmul.f32 $8.000000000e+00, v6;
	v6 =	vld [tilespmem:s15+$0x60]  }
0x218: {  	[tilespmem:s15+$0x0] =	vst v1;
	v1 =	vmul.f32 $8.000000000e+00, v2;
	v2 =	vld [tilespmem:s15+$0x70]  }
0x219: {  	[tilespmem:s15+$0x10] =	vst v0;
	v0 =	vmul.f32 $8.000000000e+00, v3;
	v3 =	vld [tilespmem:s15+$0x80]  }
0x21a: {  	[tilespmem:s15+$0x20] =	vst v1;
	v1 =	vmul.f32 $8.000000000e+00, v4;
	v4 =	vld [tilespmem:s15+$0x90]  }
0x21b: {  	v7 =	vld [tilespmem:s15+$0xA0];
	[tilespmem:s15+$0x30] =	vst v0;
	v5 =	vmul.f32 $8.000000000e+00, v5  }
0x21c: {  	v0 =	vld [tilespmem:s15+$0xB0];
	[tilespmem:s15+$0x40] =	vst v1;
	v6 =	vmul.f32 $8.000000000e+00, v6  }
0x21d: {  	v1 =	vld [tilespmem:s15+$0xC0];
	[tilespmem:s15+$0x50] =	vst v5;
	v5 =	vmul.f32 $8.000000000e+00, v2  }
0x21e: {  	v2 =	vld [tilespmem:s15+$0xD0];
	[tilespmem:s15+$0x60] =	vst v6;
	v6 =	vmul.f32 $8.000000000e+00, v3  }
0x21f: {  	v3 =	vld [tilespmem:s15+$0xE0];
	[tilespmem:s15+$0x70] =	vst v5;
	v5 =	vmul.f32 $8.000000000e+00, v4  }
0x220: {  	s16 =	simm.s32 $0x0;
	s17 =	simm.s32 $0xE700;
	v4 =	vld [tilespmem:s15+$0xFFFFFF00];
	[tilespmem:s15+$0x80] =	vst v6;
	v6 =	vmul.f32 $8.000000000e+00, v7  }
.LBB2_15:
0x221: {  	v7 =	vld [tilespmem:s17+$0xF0];
	s16 =	sadd.s32 $0x8, s16;
	[tilespmem:s15+$0x90] =	vst v5;
	v0 =	vmul.f32 $8.000000000e+00, v0  }
0x222: {  	v5 =	vld [tilespmem:s17+$0xFFFFFF10];
	p0 =	slt.u32 s16, $0xF8;
	[tilespmem:s15+$0xA0] =	vst v6;
	v1 =	vmul.f32 $8.000000000e+00, v1  }
0x223: {  	v6 =	vld [tilespmem:s17+$0xFFFFFF20];
	[tilespmem:s15+$0xB0] =	vst v0;
	v0 =	vmul.f32 $8.000000000e+00, v2  }
0x224: {  	v2 =	vld [tilespmem:s17+$0xFFFFFF30];
	[tilespmem:s15+$0xC0] =	vst v1;
	v1 =	vmul.f32 $8.000000000e+00, v3  }
0x225: {  	v3 =	vld [tilespmem:s17+$0xFFFFFF40];
	v4 =	vmul.f32 $8.000000000e+00, v4;
	[tilespmem:s15+$0xD0] =	vst v0  }
0x226: {  	v0 =	vld [tilespmem:s17+$0xFFFFFF50];
	v7 =	vmul.f32 $8.000000000e+00, v7;
	[tilespmem:s15+$0xE0] =	vst v1  }
0x227: {  	v1 =	vmul.f32 $8.000000000e+00, v5;
	v5 =	vld [tilespmem:s17+$0xFFFFFF60];
	[tilespmem:s15+$0xFFFFFF00] =	vst v4;
	s15 =	smov.u32 s17  }
0x228: {  	v4 =	vmul.f32 $8.000000000e+00, v6;
	v6 =	vld [tilespmem:s17+$0xFFFFFF70];
	[tilespmem:s17+$0xF0] =	vst v7  }
0x229: {  	[tilespmem:s17+$0xFFFFFF10] =	vst v1;
	v1 =	vmul.f32 $8.000000000e+00, v2;
	v2 =	vld [tilespmem:s17+$0xFFFFFF80]  }
0x22a: {  	[tilespmem:s17+$0xFFFFFF20] =	vst v4;
	v3 =	vmul.f32 $8.000000000e+00, v3;
	v4 =	vld [tilespmem:s17+$0xFFFFFF90]  }
0x22b: {  	[tilespmem:s17+$0xFFFFFF30] =	vst v1;
	v0 =	vmul.f32 $8.000000000e+00, v0;
	v1 =	vld [tilespmem:s17+$0xFFFFFFA0]  }
0x22c: {  	[tilespmem:s17+$0xFFFFFF40] =	vst v3;
	v3 =	vmul.f32 $8.000000000e+00, v5;
	v5 =	vld [tilespmem:s17+$0xFFFFFFB0]  }
0x22d: {  	[tilespmem:s17+$0xFFFFFF50] =	vst v0;
	v0 =	vmul.f32 $8.000000000e+00, v6;
	v6 =	vld [tilespmem:s17+$0xFFFFFFC0]  }
0x22e: {  	[tilespmem:s17+$0xFFFFFF60] =	vst v3;
	v2 =	vmul.f32 $8.000000000e+00, v2;
	v3 =	vld [tilespmem:s17+$0xFFFFFFD0]  }
0x22f: {  	[tilespmem:s17+$0xFFFFFF70] =	vst v0;
	v0 =	vmul.f32 $8.000000000e+00, v4;
	v4 =	vld [tilespmem:s17+$0xFFFFFFE0]  }
0x230: {  	[tilespmem:s17+$0xFFFFFF80] =	vst v2;
	v1 =	vmul.f32 $8.000000000e+00, v1;
	v2 =	vld [tilespmem:s17+$0xFFFFFFF0]  }
0x231: {  	[tilespmem:s17+$0xFFFFFF90] =	vst v0;
	v0 =	vmul.f32 $8.000000000e+00, v5;
	v5 =	vld [tilespmem:s17+$0x0]  }
0x232: {  	[tilespmem:s17+$0xFFFFFFA0] =	vst v1;
	v1 =	vmul.f32 $8.000000000e+00, v6;
	v6 =	vld [tilespmem:s17+$0x10]  }
0x233: {  	[tilespmem:s17+$0xFFFFFFB0] =	vst v0;
	v0 =	vmul.f32 $8.000000000e+00, v3;
	v3 =	vld [tilespmem:s17+$0x20]  }
0x234: {  	[tilespmem:s17+$0xFFFFFFC0] =	vst v1;
	v1 =	vmul.f32 $8.000000000e+00, v4;
	v4 =	vld [tilespmem:s17+$0x30]  }
0x235: {  	[tilespmem:s17+$0xFFFFFFD0] =	vst v0;
	v0 =	vmul.f32 $8.000000000e+00, v2;
	v2 =	vld [tilespmem:s17+$0x40]  }
0x236: {  	[tilespmem:s17+$0xFFFFFFE0] =	vst v1;
	v1 =	vmul.f32 $8.000000000e+00, v5;
	v5 =	vld [tilespmem:s17+$0x50]  }
0x237: {  	[tilespmem:s17+$0xFFFFFFF0] =	vst v0;
	v0 =	vmul.f32 $8.000000000e+00, v6;
	v6 =	vld [tilespmem:s17+$0x60]  }
0x238: {  	[tilespmem:s17+$0x0] =	vst v1;
	v1 =	vmul.f32 $8.000000000e+00, v3;
	v3 =	vld [tilespmem:s17+$0x70]  }
0x239: {  	[tilespmem:s17+$0x10] =	vst v0;
	v0 =	vmul.f32 $8.000000000e+00, v4;
	v4 =	vld [tilespmem:s17+$0x80]  }
0x23a: {  	[tilespmem:s17+$0x20] =	vst v1;
	v1 =	vmul.f32 $8.000000000e+00, v2;
	v7 =	vld [tilespmem:s17+$0x90]  }
0x23b: {  	[tilespmem:s17+$0x30] =	vst v0;
	v2 =	vmul.f32 $8.000000000e+00, v5;
	v8 =	vld [tilespmem:s17+$0xA0]  }
.Ltmp6:
0x23c: {  	[tilespmem:s17+$0x40] =	vst v1;
	v5 =	vmul.f32 $8.000000000e+00, v6;
	v0 =	vld [tilespmem:s17+$0xB0];
	(pc) =	sbr.rel @p0 .LBB2_15-.Ltmp6, $4  }
0x23d: {  	[tilespmem:s17+$0x50] =	vst v2;
	v3 =	vmul.f32 $8.000000000e+00, v3;
	v1 =	vld [tilespmem:s17+$0xC0]  }
0x23e: {  	[tilespmem:s17+$0x60] =	vst v5;
	v6 =	vmul.f32 $8.000000000e+00, v4;
	v2 =	vld [tilespmem:s17+$0xD0]  }
0x23f: {  	[tilespmem:s17+$0x70] =	vst v3;
	v5 =	vmul.f32 $8.000000000e+00, v7;
	v3 =	vld [tilespmem:s17+$0xE0]  }
0x240: {  	s17 =	sadd.s32 $0x200, s17;
	v4 =	vld [tilespmem:s15+$0xFFFFFF00];
	[tilespmem:s15+$0x80] =	vst v6;
	v6 =	vmul.f32 $8.000000000e+00, v8  }
0x241: {  	[tilespmem:s15+$0x90] =	vst v5;
	v0 =	vmul.f32 $8.000000000e+00, v0  }
0x242: {  	[tilespmem:s15+$0xA0] =	vst v6;
	v1 =	vmul.f32 $8.000000000e+00, v1  }
0x243: {  	[tilespmem:s15+$0xB0] =	vst v0;
	v0 =	vmul.f32 $8.000000000e+00, v2  }
0x244: {  	s11 =	sadd.s32 s11, s13;
	[tilespmem:s15+$0xC0] =	vst v1;
	v1 =	vmul.f32 $8.000000000e+00, v3  }
0x245: {  	s11 =	sshll.u32 s11, $0x3;
	v2 =	vmul.f32 $8.000000000e+00, v4;
	[tilespmem:s15+$0xD0] =	vst v0  }
0x246: {  	s11 =	sand.u32 $0x1FFFF000, s11;
	[tilespmem:s15+$0xE0] =	vst v1  }
0x247: {  	s11 =	sadd.s32 s2, s11;
	[tilespmem:s15+$0xFFFFFF00] =	vst v2  }
0x248: {  	[hbm4b:s11+s3] =	stream.linear.scatter [tilespmem:s24], [sflag:$0x7], $0x4000, $0x38;
	[tilespmem:$0x16400] =	vst v63  }
0x249: {  	_ =	swait.ge [sflag:s25], $0x4000  }
0x24a: {  	[sflag:s25] =	ssyncset.done $0x0  }
0x24b: {  	s17 =	sadd.s32 $0x600, s14;
	[sflag:s25] =	ssyncadd.s32 $0xFFFFC000  }
0x24c: {  	[tilespmem:s24], [sflag:$0x3] =	stream.indirect.gather [hbm4b:s5+s20], $0x40, s17, s20, $0xb8;
	[tilespmem:$0x16400] =	vst v63  }
0x24d: {  	_ =	swait.ge [sflag:s0], $0x4000  }
0x24e: {  	[sflag:s0] =	ssyncset.done $0x0  }
0x24f: {  	s11 =	simm.s32 $0x12500;
	[sflag:s0] =	ssyncadd.s32 $0xFFFFC000  }
0x250: {  	v0 =	vld [tilespmem:s11+$0xF0]  }
0x251: {  	v1 =	vld [tilespmem:s11+$0xFFFFFF10]  }
0x252: {  	v2 =	vld [tilespmem:s11+$0xFFFFFF20]  }
0x253: {  	v3 =	vld [tilespmem:s11+$0xFFFFFF30]  }
0x254: {  	v4 =	vld [tilespmem:s11+$0xFFFFFF40]  }
0x255: {  	v5 =	vld [tilespmem:s11+$0xFFFFFF50];
	v0 =	vmul.f32 $8.000000000e+00, v0  }
0x256: {  	v6 =	vld [tilespmem:s11+$0xFFFFFF60];
	v1 =	vmul.f32 $8.000000000e+00, v1  }
0x257: {  	v7 =	vld [tilespmem:s11+$0xFFFFFF70];
	v2 =	vmul.f32 $8.000000000e+00, v2;
	[tilespmem:s11+$0xF0] =	vst v0  }
0x258: {  	[tilespmem:s11+$0xFFFFFF10] =	vst v1;
	v0 =	vmul.f32 $8.000000000e+00, v3;
	v1 =	vld [tilespmem:s11+$0xFFFFFF80]  }
0x259: {  	[tilespmem:s11+$0xFFFFFF20] =	vst v2;
	v2 =	vmul.f32 $8.000000000e+00, v4;
	v3 =	vld [tilespmem:s11+$0xFFFFFF90]  }
0x25a: {  	v4 =	vld [tilespmem:s11+$0xFFFFFFA0];
	[tilespmem:s11+$0xFFFFFF30] =	vst v0;
	v0 =	vmul.f32 $8.000000000e+00, v5  }
0x25b: {  	[tilespmem:s11+$0xFFFFFF40] =	vst v2;
	v2 =	vmul.f32 $8.000000000e+00, v6;
	v5 =	vld [tilespmem:s11+$0xFFFFFFB0]  }
0x25c: {  	v6 =	vld [tilespmem:s11+$0xFFFFFFC0];
	[tilespmem:s11+$0xFFFFFF50] =	vst v0;
	v0 =	vmul.f32 $8.000000000e+00, v7  }
0x25d: {  	[tilespmem:s11+$0xFFFFFF60] =	vst v2;
	v2 =	vld [tilespmem:s11+$0xFFFFFFD0];
	v1 =	vmul.f32 $8.000000000e+00, v1  }
0x25e: {  	[tilespmem:s11+$0xFFFFFF70] =	vst v0;
	v0 =	vmul.f32 $8.000000000e+00, v3;
	v3 =	vld [tilespmem:s11+$0xFFFFFFE0]  }
0x25f: {  	[tilespmem:s11+$0xFFFFFF80] =	vst v1;
	v1 =	vmul.f32 $8.000000000e+00, v4;
	v4 =	vld [tilespmem:s11+$0xFFFFFFF0]  }
0x260: {  	[tilespmem:s11+$0xFFFFFF90] =	vst v0;
	v0 =	vmul.f32 $8.000000000e+00, v5;
	v5 =	vld [tilespmem:s11+$0x0]  }
0x261: {  	[tilespmem:s11+$0xFFFFFFA0] =	vst v1;
	v1 =	vmul.f32 $8.000000000e+00, v6;
	v6 =	vld [tilespmem:s11+$0x10]  }
0x262: {  	[tilespmem:s11+$0xFFFFFFB0] =	vst v0;
	v0 =	vmul.f32 $8.000000000e+00, v2;
	v2 =	vld [tilespmem:s11+$0x20]  }
0x263: {  	[tilespmem:s11+$0xFFFFFFC0] =	vst v1;
	v1 =	vmul.f32 $8.000000000e+00, v3;
	v3 =	vld [tilespmem:s11+$0x30]  }
0x264: {  	[tilespmem:s11+$0xFFFFFFD0] =	vst v0;
	v0 =	vmul.f32 $8.000000000e+00, v4;
	v4 =	vld [tilespmem:s11+$0x40]  }
0x265: {  	[tilespmem:s11+$0xFFFFFFE0] =	vst v1;
	v1 =	vmul.f32 $8.000000000e+00, v5;
	v5 =	vld [tilespmem:s11+$0x50]  }
0x266: {  	[tilespmem:s11+$0xFFFFFFF0] =	vst v0;
	v0 =	vmul.f32 $8.000000000e+00, v6;
	v6 =	vld [tilespmem:s11+$0x60]  }
0x267: {  	[tilespmem:s11+$0x0] =	vst v1;
	v1 =	vmul.f32 $8.000000000e+00, v2;
	v2 =	vld [tilespmem:s11+$0x70]  }
0x268: {  	[tilespmem:s11+$0x10] =	vst v0;
	v0 =	vmul.f32 $8.000000000e+00, v3;
	v3 =	vld [tilespmem:s11+$0x80]  }
0x269: {  	[tilespmem:s11+$0x20] =	vst v1;
	v1 =	vmul.f32 $8.000000000e+00, v4;
	v4 =	vld [tilespmem:s11+$0x90]  }
0x26a: {  	v7 =	vld [tilespmem:s11+$0xA0];
	[tilespmem:s11+$0x30] =	vst v0;
	v5 =	vmul.f32 $8.000000000e+00, v5  }
0x26b: {  	v0 =	vld [tilespmem:s11+$0xB0];
	[tilespmem:s11+$0x40] =	vst v1;
	v6 =	vmul.f32 $8.000000000e+00, v6  }
0x26c: {  	v1 =	vld [tilespmem:s11+$0xC0];
	[tilespmem:s11+$0x50] =	vst v5;
	v5 =	vmul.f32 $8.000000000e+00, v2  }
0x26d: {  	v2 =	vld [tilespmem:s11+$0xD0];
	[tilespmem:s11+$0x60] =	vst v6;
	v6 =	vmul.f32 $8.000000000e+00, v3  }
0x26e: {  	v3 =	vld [tilespmem:s11+$0xE0];
	[tilespmem:s11+$0x70] =	vst v5;
	v5 =	vmul.f32 $8.000000000e+00, v4  }
0x26f: {  	s14 =	simm.s32 $0x0;
	s15 =	simm.s32 $0x12700;
	v4 =	vld [tilespmem:s11+$0xFFFFFF00];
	[tilespmem:s11+$0x80] =	vst v6;
	v6 =	vmul.f32 $8.000000000e+00, v7  }
.LBB2_17:
0x270: {  	v7 =	vld [tilespmem:s15+$0xF0];
	s14 =	sadd.s32 $0x8, s14;
	[tilespmem:s11+$0x90] =	vst v5;
	v0 =	vmul.f32 $8.000000000e+00, v0  }
0x271: {  	v5 =	vld [tilespmem:s15+$0xFFFFFF10];
	p0 =	slt.u32 s14, $0xF8;
	[tilespmem:s11+$0xA0] =	vst v6;
	v1 =	vmul.f32 $8.000000000e+00, v1  }
0x272: {  	v6 =	vld [tilespmem:s15+$0xFFFFFF20];
	[tilespmem:s11+$0xB0] =	vst v0;
	v0 =	vmul.f32 $8.000000000e+00, v2  }
0x273: {  	v2 =	vld [tilespmem:s15+$0xFFFFFF30];
	[tilespmem:s11+$0xC0] =	vst v1;
	v1 =	vmul.f32 $8.000000000e+00, v3  }
0x274: {  	v3 =	vld [tilespmem:s15+$0xFFFFFF40];
	v4 =	vmul.f32 $8.000000000e+00, v4;
	[tilespmem:s11+$0xD0] =	vst v0  }
0x275: {  	v0 =	vld [tilespmem:s15+$0xFFFFFF50];
	v7 =	vmul.f32 $8.000000000e+00, v7;
	[tilespmem:s11+$0xE0] =	vst v1  }
0x276: {  	v1 =	vmul.f32 $8.000000000e+00, v5;
	v5 =	vld [tilespmem:s15+$0xFFFFFF60];
	[tilespmem:s11+$0xFFFFFF00] =	vst v4;
	s11 =	smov.u32 s15  }
0x277: {  	v4 =	vmul.f32 $8.000000000e+00, v6;
	v6 =	vld [tilespmem:s15+$0xFFFFFF70];
	[tilespmem:s15+$0xF0] =	vst v7  }
0x278: {  	[tilespmem:s15+$0xFFFFFF10] =	vst v1;
	v1 =	vmul.f32 $8.000000000e+00, v2;
	v2 =	vld [tilespmem:s15+$0xFFFFFF80]  }
0x279: {  	[tilespmem:s15+$0xFFFFFF20] =	vst v4;
	v3 =	vmul.f32 $8.000000000e+00, v3;
	v4 =	vld [tilespmem:s15+$0xFFFFFF90]  }
0x27a: {  	[tilespmem:s15+$0xFFFFFF30] =	vst v1;
	v0 =	vmul.f32 $8.000000000e+00, v0;
	v1 =	vld [tilespmem:s15+$0xFFFFFFA0]  }
0x27b: {  	[tilespmem:s15+$0xFFFFFF40] =	vst v3;
	v3 =	vmul.f32 $8.000000000e+00, v5;
	v5 =	vld [tilespmem:s15+$0xFFFFFFB0]  }
0x27c: {  	[tilespmem:s15+$0xFFFFFF50] =	vst v0;
	v0 =	vmul.f32 $8.000000000e+00, v6;
	v6 =	vld [tilespmem:s15+$0xFFFFFFC0]  }
0x27d: {  	[tilespmem:s15+$0xFFFFFF60] =	vst v3;
	v2 =	vmul.f32 $8.000000000e+00, v2;
	v3 =	vld [tilespmem:s15+$0xFFFFFFD0]  }
0x27e: {  	[tilespmem:s15+$0xFFFFFF70] =	vst v0;
	v0 =	vmul.f32 $8.000000000e+00, v4;
	v4 =	vld [tilespmem:s15+$0xFFFFFFE0]  }
0x27f: {  	[tilespmem:s15+$0xFFFFFF80] =	vst v2;
	v1 =	vmul.f32 $8.000000000e+00, v1;
	v2 =	vld [tilespmem:s15+$0xFFFFFFF0]  }
0x280: {  	[tilespmem:s15+$0xFFFFFF90] =	vst v0;
	v0 =	vmul.f32 $8.000000000e+00, v5;
	v5 =	vld [tilespmem:s15+$0x0]  }
0x281: {  	[tilespmem:s15+$0xFFFFFFA0] =	vst v1;
	v1 =	vmul.f32 $8.000000000e+00, v6;
	v6 =	vld [tilespmem:s15+$0x10]  }
0x282: {  	[tilespmem:s15+$0xFFFFFFB0] =	vst v0;
	v0 =	vmul.f32 $8.000000000e+00, v3;
	v3 =	vld [tilespmem:s15+$0x20]  }
0x283: {  	[tilespmem:s15+$0xFFFFFFC0] =	vst v1;
	v1 =	vmul.f32 $8.000000000e+00, v4;
	v4 =	vld [tilespmem:s15+$0x30]  }
0x284: {  	[tilespmem:s15+$0xFFFFFFD0] =	vst v0;
	v0 =	vmul.f32 $8.000000000e+00, v2;
	v2 =	vld [tilespmem:s15+$0x40]  }
0x285: {  	[tilespmem:s15+$0xFFFFFFE0] =	vst v1;
	v1 =	vmul.f32 $8.000000000e+00, v5;
	v5 =	vld [tilespmem:s15+$0x50]  }
0x286: {  	[tilespmem:s15+$0xFFFFFFF0] =	vst v0;
	v0 =	vmul.f32 $8.000000000e+00, v6;
	v6 =	vld [tilespmem:s15+$0x60]  }
0x287: {  	[tilespmem:s15+$0x0] =	vst v1;
	v1 =	vmul.f32 $8.000000000e+00, v3;
	v3 =	vld [tilespmem:s15+$0x70]  }
0x288: {  	[tilespmem:s15+$0x10] =	vst v0;
	v0 =	vmul.f32 $8.000000000e+00, v4;
	v4 =	vld [tilespmem:s15+$0x80]  }
0x289: {  	[tilespmem:s15+$0x20] =	vst v1;
	v1 =	vmul.f32 $8.000000000e+00, v2;
	v7 =	vld [tilespmem:s15+$0x90]  }
0x28a: {  	[tilespmem:s15+$0x30] =	vst v0;
	v2 =	vmul.f32 $8.000000000e+00, v5;
	v8 =	vld [tilespmem:s15+$0xA0]  }
.Ltmp7:
0x28b: {  	[tilespmem:s15+$0x40] =	vst v1;
	v5 =	vmul.f32 $8.000000000e+00, v6;
	v0 =	vld [tilespmem:s15+$0xB0];
	(pc) =	sbr.rel @p0 .LBB2_17-.Ltmp7, $4  }
0x28c: {  	[tilespmem:s15+$0x50] =	vst v2;
	v3 =	vmul.f32 $8.000000000e+00, v3;
	v1 =	vld [tilespmem:s15+$0xC0]  }
0x28d: {  	[tilespmem:s15+$0x60] =	vst v5;
	v6 =	vmul.f32 $8.000000000e+00, v4;
	v2 =	vld [tilespmem:s15+$0xD0]  }
0x28e: {  	[tilespmem:s15+$0x70] =	vst v3;
	v5 =	vmul.f32 $8.000000000e+00, v7;
	v3 =	vld [tilespmem:s15+$0xE0]  }
0x28f: {  	s15 =	sadd.s32 $0x200, s15;
	v4 =	vld [tilespmem:s11+$0xFFFFFF00];
	[tilespmem:s11+$0x80] =	vst v6;
	v6 =	vmul.f32 $8.000000000e+00, v8  }
0x290: {  	[tilespmem:s11+$0x90] =	vst v5;
	v0 =	vmul.f32 $8.000000000e+00, v0  }
0x291: {  	s9 =	sadd.s32 $0x1, s9;
	[tilespmem:s11+$0xA0] =	vst v6;
	v1 =	vmul.f32 $8.000000000e+00, v1  }
0x292: {  	p0 =	sne.s32 s9, $0x18;
	[tilespmem:s11+$0xB0] =	vst v0;
	v61 =	vmul.f32 $8.000000000e+00, v2  }
.Ltmp8:
0x293: {  	s10 =	sadd.s32 s4, s10;
	[tilespmem:s11+$0xC0] =	vst v1;
	v62 =	vmul.f32 $8.000000000e+00, v3;
	(pc) =	sbr.rel @p0 .LBB2_10-.Ltmp8, $4  }
0x294: {  	s10 =	sshll.u32 s10, $0x3;
	v63 =	vmul.f32 $8.000000000e+00, v4;
	[tilespmem:s11+$0xD0] =	vst v61  }
0x295: {  	s10 =	sand.u32 $0x1FFFF800, s10;
	[tilespmem:s11+$0xE0] =	vst v62  }
0x296: {  	s10 =	sadd.s32 s2, s10;
	[tilespmem:s11+$0xFFFFFF00] =	vst v63  }
0x297: {  	[hbm4b:s10+s3] =	stream.linear.scatter [tilespmem:s26], [sflag:$0x8], $0x4000, $0x38;
	[tilespmem:$0x16400] =	vst v63  }
0x298: {  	_ =	swait.ge [sflag:s30], $0x4000  }
0x299: {  	[sflag:s30] =	ssyncset.done $0x0  }
0x29a: {  	s9 =	simm.s32 $0x6300;
	[sflag:s30] =	ssyncadd.s32 $0xFFFFC000  }
0x29b: {  	[tilespmem:s26], [sflag:$0x4] =	stream.indirect.gather [hbm4b:s5+s20], $0x40, s9, s20, $0xb8;
	[tilespmem:$0x16400] =	vst v63  }
0x29c: {  	_ =	swait.ge [sflag:s28], $0x4000  }
0x29d: {  	[sflag:s28] =	ssyncset.done $0x0  }
0x29e: {  	s9 =	simm.s32 $0x6500;
	[sflag:s28] =	ssyncadd.s32 $0xFFFFC000  }
0x29f: {  	v0 =	vld [tilespmem:s9+$0xF0]  }
0x2a0: {  	v1 =	vld [tilespmem:s9+$0xFFFFFF10]  }
0x2a1: {  	v2 =	vld [tilespmem:s9+$0xFFFFFF20]  }
0x2a2: {  	v3 =	vld [tilespmem:s9+$0xFFFFFF30]  }
0x2a3: {  	v4 =	vld [tilespmem:s9+$0xFFFFFF40]  }
0x2a4: {  	v5 =	vld [tilespmem:s9+$0xFFFFFF50];
	v0 =	vmul.f32 $8.000000000e+00, v0  }
0x2a5: {  	v6 =	vld [tilespmem:s9+$0xFFFFFF60];
	v1 =	vmul.f32 $8.000000000e+00, v1  }
0x2a6: {  	v7 =	vld [tilespmem:s9+$0xFFFFFF70];
	v2 =	vmul.f32 $8.000000000e+00, v2;
	[tilespmem:s9+$0xF0] =	vst v0  }
0x2a7: {  	[tilespmem:s9+$0xFFFFFF10] =	vst v1;
	v0 =	vmul.f32 $8.000000000e+00, v3;
	v1 =	vld [tilespmem:s9+$0xFFFFFF80]  }
0x2a8: {  	[tilespmem:s9+$0xFFFFFF20] =	vst v2;
	v2 =	vmul.f32 $8.000000000e+00, v4;
	v3 =	vld [tilespmem:s9+$0xFFFFFF90]  }
0x2a9: {  	v4 =	vld [tilespmem:s9+$0xFFFFFFA0];
	[tilespmem:s9+$0xFFFFFF30] =	vst v0;
	v0 =	vmul.f32 $8.000000000e+00, v5  }
0x2aa: {  	[tilespmem:s9+$0xFFFFFF40] =	vst v2;
	v2 =	vmul.f32 $8.000000000e+00, v6;
	v5 =	vld [tilespmem:s9+$0xFFFFFFB0]  }
0x2ab: {  	v6 =	vld [tilespmem:s9+$0xFFFFFFC0];
	[tilespmem:s9+$0xFFFFFF50] =	vst v0;
	v0 =	vmul.f32 $8.000000000e+00, v7  }
0x2ac: {  	[tilespmem:s9+$0xFFFFFF60] =	vst v2;
	v2 =	vld [tilespmem:s9+$0xFFFFFFD0];
	v1 =	vmul.f32 $8.000000000e+00, v1  }
0x2ad: {  	[tilespmem:s9+$0xFFFFFF70] =	vst v0;
	v0 =	vmul.f32 $8.000000000e+00, v3;
	v3 =	vld [tilespmem:s9+$0xFFFFFFE0]  }
0x2ae: {  	[tilespmem:s9+$0xFFFFFF80] =	vst v1;
	v1 =	vmul.f32 $8.000000000e+00, v4;
	v4 =	vld [tilespmem:s9+$0xFFFFFFF0]  }
0x2af: {  	[tilespmem:s9+$0xFFFFFF90] =	vst v0;
	v0 =	vmul.f32 $8.000000000e+00, v5;
	v5 =	vld [tilespmem:s9+$0x0]  }
0x2b0: {  	[tilespmem:s9+$0xFFFFFFA0] =	vst v1;
	v1 =	vmul.f32 $8.000000000e+00, v6;
	v6 =	vld [tilespmem:s9+$0x10]  }
0x2b1: {  	[tilespmem:s9+$0xFFFFFFB0] =	vst v0;
	v0 =	vmul.f32 $8.000000000e+00, v2;
	v2 =	vld [tilespmem:s9+$0x20]  }
0x2b2: {  	[tilespmem:s9+$0xFFFFFFC0] =	vst v1;
	v1 =	vmul.f32 $8.000000000e+00, v3;
	v3 =	vld [tilespmem:s9+$0x30]  }
0x2b3: {  	[tilespmem:s9+$0xFFFFFFD0] =	vst v0;
	v0 =	vmul.f32 $8.000000000e+00, v4;
	v4 =	vld [tilespmem:s9+$0x40]  }
0x2b4: {  	[tilespmem:s9+$0xFFFFFFE0] =	vst v1;
	v1 =	vmul.f32 $8.000000000e+00, v5;
	v5 =	vld [tilespmem:s9+$0x50]  }
0x2b5: {  	[tilespmem:s9+$0xFFFFFFF0] =	vst v0;
	v0 =	vmul.f32 $8.000000000e+00, v6;
	v6 =	vld [tilespmem:s9+$0x60]  }
0x2b6: {  	[tilespmem:s9+$0x0] =	vst v1;
	v1 =	vmul.f32 $8.000000000e+00, v2;
	v2 =	vld [tilespmem:s9+$0x70]  }
0x2b7: {  	[tilespmem:s9+$0x10] =	vst v0;
	v0 =	vmul.f32 $8.000000000e+00, v3;
	v3 =	vld [tilespmem:s9+$0x80]  }
0x2b8: {  	[tilespmem:s9+$0x20] =	vst v1;
	v1 =	vmul.f32 $8.000000000e+00, v4;
	v4 =	vld [tilespmem:s9+$0x90]  }
0x2b9: {  	v7 =	vld [tilespmem:s9+$0xA0];
	[tilespmem:s9+$0x30] =	vst v0;
	v5 =	vmul.f32 $8.000000000e+00, v5  }
0x2ba: {  	v0 =	vld [tilespmem:s9+$0xB0];
	[tilespmem:s9+$0x40] =	vst v1;
	v6 =	vmul.f32 $8.000000000e+00, v6  }
0x2bb: {  	v1 =	vld [tilespmem:s9+$0xC0];
	[tilespmem:s9+$0x50] =	vst v5;
	v5 =	vmul.f32 $8.000000000e+00, v2  }
0x2bc: {  	v2 =	vld [tilespmem:s9+$0xD0];
	[tilespmem:s9+$0x60] =	vst v6;
	v6 =	vmul.f32 $8.000000000e+00, v3  }
0x2bd: {  	v3 =	vld [tilespmem:s9+$0xE0];
	[tilespmem:s9+$0x70] =	vst v5;
	v5 =	vmul.f32 $8.000000000e+00, v4  }
0x2be: {  	s10 =	simm.s32 $0x0;
	s11 =	simm.s32 $0x6700;
	v4 =	vld [tilespmem:s9+$0xFFFFFF00];
	[tilespmem:s9+$0x80] =	vst v6;
	v6 =	vmul.f32 $8.000000000e+00, v7  }
.LBB2_20:
0x2bf: {  	v7 =	vld [tilespmem:s11+$0xF0];
	s10 =	sadd.s32 $0x8, s10;
	[tilespmem:s9+$0x90] =	vst v5;
	v0 =	vmul.f32 $8.000000000e+00, v0  }
0x2c0: {  	v5 =	vld [tilespmem:s11+$0xFFFFFF10];
	p0 =	slt.u32 s10, $0xF8;
	[tilespmem:s9+$0xA0] =	vst v6;
	v1 =	vmul.f32 $8.000000000e+00, v1  }
0x2c1: {  	v6 =	vld [tilespmem:s11+$0xFFFFFF20];
	[tilespmem:s9+$0xB0] =	vst v0;
	v0 =	vmul.f32 $8.000000000e+00, v2  }
0x2c2: {  	v2 =	vld [tilespmem:s11+$0xFFFFFF30];
	[tilespmem:s9+$0xC0] =	vst v1;
	v1 =	vmul.f32 $8.000000000e+00, v3  }
0x2c3: {  	v3 =	vld [tilespmem:s11+$0xFFFFFF40];
	v4 =	vmul.f32 $8.000000000e+00, v4;
	[tilespmem:s9+$0xD0] =	vst v0  }
0x2c4: {  	v0 =	vld [tilespmem:s11+$0xFFFFFF50];
	v7 =	vmul.f32 $8.000000000e+00, v7;
	[tilespmem:s9+$0xE0] =	vst v1  }
0x2c5: {  	v1 =	vmul.f32 $8.000000000e+00, v5;
	v5 =	vld [tilespmem:s11+$0xFFFFFF60];
	[tilespmem:s9+$0xFFFFFF00] =	vst v4;
	s9 =	smov.u32 s11  }
0x2c6: {  	v4 =	vmul.f32 $8.000000000e+00, v6;
	v6 =	vld [tilespmem:s11+$0xFFFFFF70];
	[tilespmem:s11+$0xF0] =	vst v7  }
0x2c7: {  	[tilespmem:s11+$0xFFFFFF10] =	vst v1;
	v1 =	vmul.f32 $8.000000000e+00, v2;
	v2 =	vld [tilespmem:s11+$0xFFFFFF80]  }
0x2c8: {  	[tilespmem:s11+$0xFFFFFF20] =	vst v4;
	v3 =	vmul.f32 $8.000000000e+00, v3;
	v4 =	vld [tilespmem:s11+$0xFFFFFF90]  }
0x2c9: {  	[tilespmem:s11+$0xFFFFFF30] =	vst v1;
	v0 =	vmul.f32 $8.000000000e+00, v0;
	v1 =	vld [tilespmem:s11+$0xFFFFFFA0]  }
0x2ca: {  	[tilespmem:s11+$0xFFFFFF40] =	vst v3;
	v3 =	vmul.f32 $8.000000000e+00, v5;
	v5 =	vld [tilespmem:s11+$0xFFFFFFB0]  }
0x2cb: {  	[tilespmem:s11+$0xFFFFFF50] =	vst v0;
	v0 =	vmul.f32 $8.000000000e+00, v6;
	v6 =	vld [tilespmem:s11+$0xFFFFFFC0]  }
0x2cc: {  	[tilespmem:s11+$0xFFFFFF60] =	vst v3;
	v2 =	vmul.f32 $8.000000000e+00, v2;
	v3 =	vld [tilespmem:s11+$0xFFFFFFD0]  }
0x2cd: {  	[tilespmem:s11+$0xFFFFFF70] =	vst v0;
	v0 =	vmul.f32 $8.000000000e+00, v4;
	v4 =	vld [tilespmem:s11+$0xFFFFFFE0]  }
0x2ce: {  	[tilespmem:s11+$0xFFFFFF80] =	vst v2;
	v1 =	vmul.f32 $8.000000000e+00, v1;
	v2 =	vld [tilespmem:s11+$0xFFFFFFF0]  }
0x2cf: {  	[tilespmem:s11+$0xFFFFFF90] =	vst v0;
	v0 =	vmul.f32 $8.000000000e+00, v5;
	v5 =	vld [tilespmem:s11+$0x0]  }
0x2d0: {  	[tilespmem:s11+$0xFFFFFFA0] =	vst v1;
	v1 =	vmul.f32 $8.000000000e+00, v6;
	v6 =	vld [tilespmem:s11+$0x10]  }
0x2d1: {  	[tilespmem:s11+$0xFFFFFFB0] =	vst v0;
	v0 =	vmul.f32 $8.000000000e+00, v3;
	v3 =	vld [tilespmem:s11+$0x20]  }
0x2d2: {  	[tilespmem:s11+$0xFFFFFFC0] =	vst v1;
	v1 =	vmul.f32 $8.000000000e+00, v4;
	v4 =	vld [tilespmem:s11+$0x30]  }
0x2d3: {  	[tilespmem:s11+$0xFFFFFFD0] =	vst v0;
	v0 =	vmul.f32 $8.000000000e+00, v2;
	v2 =	vld [tilespmem:s11+$0x40]  }
0x2d4: {  	[tilespmem:s11+$0xFFFFFFE0] =	vst v1;
	v1 =	vmul.f32 $8.000000000e+00, v5;
	v5 =	vld [tilespmem:s11+$0x50]  }
0x2d5: {  	[tilespmem:s11+$0xFFFFFFF0] =	vst v0;
	v0 =	vmul.f32 $8.000000000e+00, v6;
	v6 =	vld [tilespmem:s11+$0x60]  }
0x2d6: {  	[tilespmem:s11+$0x0] =	vst v1;
	v1 =	vmul.f32 $8.000000000e+00, v3;
	v3 =	vld [tilespmem:s11+$0x70]  }
0x2d7: {  	[tilespmem:s11+$0x10] =	vst v0;
	v0 =	vmul.f32 $8.000000000e+00, v4;
	v4 =	vld [tilespmem:s11+$0x80]  }
0x2d8: {  	[tilespmem:s11+$0x20] =	vst v1;
	v1 =	vmul.f32 $8.000000000e+00, v2;
	v7 =	vld [tilespmem:s11+$0x90]  }
0x2d9: {  	[tilespmem:s11+$0x30] =	vst v0;
	v2 =	vmul.f32 $8.000000000e+00, v5;
	v8 =	vld [tilespmem:s11+$0xA0]  }
.Ltmp9:
0x2da: {  	[tilespmem:s11+$0x40] =	vst v1;
	v5 =	vmul.f32 $8.000000000e+00, v6;
	v0 =	vld [tilespmem:s11+$0xB0];
	(pc) =	sbr.rel @p0 .LBB2_20-.Ltmp9, $4  }
0x2db: {  	[tilespmem:s11+$0x50] =	vst v2;
	v3 =	vmul.f32 $8.000000000e+00, v3;
	v1 =	vld [tilespmem:s11+$0xC0]  }
0x2dc: {  	[tilespmem:s11+$0x60] =	vst v5;
	v6 =	vmul.f32 $8.000000000e+00, v4;
	v2 =	vld [tilespmem:s11+$0xD0]  }
0x2dd: {  	[tilespmem:s11+$0x70] =	vst v3;
	v5 =	vmul.f32 $8.000000000e+00, v7;
	v3 =	vld [tilespmem:s11+$0xE0]  }
0x2de: {  	s11 =	sadd.s32 $0x200, s11;
	v4 =	vld [tilespmem:s9+$0xFFFFFF00];
	[tilespmem:s9+$0x80] =	vst v6;
	v6 =	vmul.f32 $8.000000000e+00, v8  }
0x2df: {  	[tilespmem:s9+$0x90] =	vst v5;
	v0 =	vmul.f32 $8.000000000e+00, v0  }
0x2e0: {  	[tilespmem:s9+$0xA0] =	vst v6;
	v1 =	vmul.f32 $8.000000000e+00, v1  }
0x2e1: {  	[tilespmem:s9+$0xB0] =	vst v0;
	v0 =	vmul.f32 $8.000000000e+00, v2  }
0x2e2: {  	[tilespmem:s9+$0xC0] =	vst v1;
	v1 =	vmul.f32 $8.000000000e+00, v3  }
0x2e3: {  	v2 =	vmul.f32 $8.000000000e+00, v4;
	[tilespmem:s9+$0xD0] =	vst v0  }
0x2e4: {  	[tilespmem:s9+$0xE0] =	vst v1  }
0x2e5: {  	[tilespmem:s9+$0xFFFFFF00] =	vst v2  }
0x2e6: {  	s9 =	rddreg [dreg:$0x7]  }
0x2e7: {  	[hbm4b:s9+s3] =	stream.linear.scatter [tilespmem:s21], [sflag:$0x5], $0x4000, $0x38;
	[tilespmem:$0x16400] =	vst v63  }
0x2e8: {  	_ =	swait.ge [sflag:s31], $0x4000  }
0x2e9: {  	[sflag:s31] =	ssyncset.done $0x0  }
0x2ea: {  	s9 =	simm.s32 $0xA500;
	[sflag:s31] =	ssyncadd.s32 $0xFFFFC000  }
0x2eb: {  	v0 =	vld [tilespmem:s9+$0xF0]  }
0x2ec: {  	v1 =	vld [tilespmem:s9+$0xFFFFFF10]  }
0x2ed: {  	v2 =	vld [tilespmem:s9+$0xFFFFFF20]  }
0x2ee: {  	v3 =	vld [tilespmem:s9+$0xFFFFFF30]  }
0x2ef: {  	v4 =	vld [tilespmem:s9+$0xFFFFFF40]  }
0x2f0: {  	v5 =	vld [tilespmem:s9+$0xFFFFFF50];
	v0 =	vmul.f32 $8.000000000e+00, v0  }
0x2f1: {  	v6 =	vld [tilespmem:s9+$0xFFFFFF60];
	v1 =	vmul.f32 $8.000000000e+00, v1  }
0x2f2: {  	v7 =	vld [tilespmem:s9+$0xFFFFFF70];
	v2 =	vmul.f32 $8.000000000e+00, v2;
	[tilespmem:s9+$0xF0] =	vst v0  }
0x2f3: {  	[tilespmem:s9+$0xFFFFFF10] =	vst v1;
	v0 =	vmul.f32 $8.000000000e+00, v3;
	v1 =	vld [tilespmem:s9+$0xFFFFFF80]  }
0x2f4: {  	[tilespmem:s9+$0xFFFFFF20] =	vst v2;
	v2 =	vmul.f32 $8.000000000e+00, v4;
	v3 =	vld [tilespmem:s9+$0xFFFFFF90]  }
0x2f5: {  	v4 =	vld [tilespmem:s9+$0xFFFFFFA0];
	[tilespmem:s9+$0xFFFFFF30] =	vst v0;
	v0 =	vmul.f32 $8.000000000e+00, v5  }
0x2f6: {  	[tilespmem:s9+$0xFFFFFF40] =	vst v2;
	v2 =	vmul.f32 $8.000000000e+00, v6;
	v5 =	vld [tilespmem:s9+$0xFFFFFFB0]  }
0x2f7: {  	v6 =	vld [tilespmem:s9+$0xFFFFFFC0];
	[tilespmem:s9+$0xFFFFFF50] =	vst v0;
	v0 =	vmul.f32 $8.000000000e+00, v7  }
0x2f8: {  	[tilespmem:s9+$0xFFFFFF60] =	vst v2;
	v2 =	vld [tilespmem:s9+$0xFFFFFFD0];
	v1 =	vmul.f32 $8.000000000e+00, v1  }
0x2f9: {  	[tilespmem:s9+$0xFFFFFF70] =	vst v0;
	v0 =	vmul.f32 $8.000000000e+00, v3;
	v3 =	vld [tilespmem:s9+$0xFFFFFFE0]  }
0x2fa: {  	[tilespmem:s9+$0xFFFFFF80] =	vst v1;
	v1 =	vmul.f32 $8.000000000e+00, v4;
	v4 =	vld [tilespmem:s9+$0xFFFFFFF0]  }
0x2fb: {  	[tilespmem:s9+$0xFFFFFF90] =	vst v0;
	v0 =	vmul.f32 $8.000000000e+00, v5;
	v5 =	vld [tilespmem:s9+$0x0]  }
0x2fc: {  	[tilespmem:s9+$0xFFFFFFA0] =	vst v1;
	v1 =	vmul.f32 $8.000000000e+00, v6;
	v6 =	vld [tilespmem:s9+$0x10]  }
0x2fd: {  	[tilespmem:s9+$0xFFFFFFB0] =	vst v0;
	v0 =	vmul.f32 $8.000000000e+00, v2;
	v2 =	vld [tilespmem:s9+$0x20]  }
0x2fe: {  	[tilespmem:s9+$0xFFFFFFC0] =	vst v1;
	v1 =	vmul.f32 $8.000000000e+00, v3;
	v3 =	vld [tilespmem:s9+$0x30]  }
0x2ff: {  	[tilespmem:s9+$0xFFFFFFD0] =	vst v0;
	v0 =	vmul.f32 $8.000000000e+00, v4;
	v4 =	vld [tilespmem:s9+$0x40]  }
0x300: {  	[tilespmem:s9+$0xFFFFFFE0] =	vst v1;
	v1 =	vmul.f32 $8.000000000e+00, v5;
	v5 =	vld [tilespmem:s9+$0x50]  }
0x301: {  	[tilespmem:s9+$0xFFFFFFF0] =	vst v0;
	v0 =	vmul.f32 $8.000000000e+00, v6;
	v6 =	vld [tilespmem:s9+$0x60]  }
0x302: {  	[tilespmem:s9+$0x0] =	vst v1;
	v1 =	vmul.f32 $8.000000000e+00, v2;
	v2 =	vld [tilespmem:s9+$0x70]  }
0x303: {  	[tilespmem:s9+$0x10] =	vst v0;
	v0 =	vmul.f32 $8.000000000e+00, v3;
	v3 =	vld [tilespmem:s9+$0x80]  }
0x304: {  	[tilespmem:s9+$0x20] =	vst v1;
	v1 =	vmul.f32 $8.000000000e+00, v4;
	v4 =	vld [tilespmem:s9+$0x90]  }
0x305: {  	v7 =	vld [tilespmem:s9+$0xA0];
	[tilespmem:s9+$0x30] =	vst v0;
	v5 =	vmul.f32 $8.000000000e+00, v5  }
0x306: {  	v0 =	vld [tilespmem:s9+$0xB0];
	[tilespmem:s9+$0x40] =	vst v1;
	v6 =	vmul.f32 $8.000000000e+00, v6  }
0x307: {  	v1 =	vld [tilespmem:s9+$0xC0];
	[tilespmem:s9+$0x50] =	vst v5;
	v5 =	vmul.f32 $8.000000000e+00, v2  }
0x308: {  	v2 =	vld [tilespmem:s9+$0xD0];
	[tilespmem:s9+$0x60] =	vst v6;
	v6 =	vmul.f32 $8.000000000e+00, v3  }
0x309: {  	v3 =	vld [tilespmem:s9+$0xE0];
	[tilespmem:s9+$0x70] =	vst v5;
	v5 =	vmul.f32 $8.000000000e+00, v4  }
0x30a: {  	s10 =	simm.s32 $0x0;
	s11 =	simm.s32 $0xA700;
	v4 =	vld [tilespmem:s9+$0xFFFFFF00];
	[tilespmem:s9+$0x80] =	vst v6;
	v6 =	vmul.f32 $8.000000000e+00, v7  }
.LBB2_22:
0x30b: {  	v7 =	vld [tilespmem:s11+$0xF0];
	s10 =	sadd.s32 $0x8, s10;
	[tilespmem:s9+$0x90] =	vst v5;
	v0 =	vmul.f32 $8.000000000e+00, v0  }
0x30c: {  	v5 =	vld [tilespmem:s11+$0xFFFFFF10];
	p0 =	slt.u32 s10, $0xF8;
	[tilespmem:s9+$0xA0] =	vst v6;
	v1 =	vmul.f32 $8.000000000e+00, v1  }
0x30d: {  	v6 =	vld [tilespmem:s11+$0xFFFFFF20];
	[tilespmem:s9+$0xB0] =	vst v0;
	v0 =	vmul.f32 $8.000000000e+00, v2  }
0x30e: {  	v2 =	vld [tilespmem:s11+$0xFFFFFF30];
	[tilespmem:s9+$0xC0] =	vst v1;
	v1 =	vmul.f32 $8.000000000e+00, v3  }
0x30f: {  	v3 =	vld [tilespmem:s11+$0xFFFFFF40];
	v4 =	vmul.f32 $8.000000000e+00, v4;
	[tilespmem:s9+$0xD0] =	vst v0  }
0x310: {  	v0 =	vld [tilespmem:s11+$0xFFFFFF50];
	v7 =	vmul.f32 $8.000000000e+00, v7;
	[tilespmem:s9+$0xE0] =	vst v1  }
0x311: {  	v1 =	vmul.f32 $8.000000000e+00, v5;
	v5 =	vld [tilespmem:s11+$0xFFFFFF60];
	[tilespmem:s9+$0xFFFFFF00] =	vst v4;
	s9 =	smov.u32 s11  }
0x312: {  	v4 =	vmul.f32 $8.000000000e+00, v6;
	v6 =	vld [tilespmem:s11+$0xFFFFFF70];
	[tilespmem:s11+$0xF0] =	vst v7  }
0x313: {  	[tilespmem:s11+$0xFFFFFF10] =	vst v1;
	v1 =	vmul.f32 $8.000000000e+00, v2;
	v2 =	vld [tilespmem:s11+$0xFFFFFF80]  }
0x314: {  	[tilespmem:s11+$0xFFFFFF20] =	vst v4;
	v3 =	vmul.f32 $8.000000000e+00, v3;
	v4 =	vld [tilespmem:s11+$0xFFFFFF90]  }
0x315: {  	[tilespmem:s11+$0xFFFFFF30] =	vst v1;
	v0 =	vmul.f32 $8.000000000e+00, v0;
	v1 =	vld [tilespmem:s11+$0xFFFFFFA0]  }
0x316: {  	[tilespmem:s11+$0xFFFFFF40] =	vst v3;
	v3 =	vmul.f32 $8.000000000e+00, v5;
	v5 =	vld [tilespmem:s11+$0xFFFFFFB0]  }
0x317: {  	[tilespmem:s11+$0xFFFFFF50] =	vst v0;
	v0 =	vmul.f32 $8.000000000e+00, v6;
	v6 =	vld [tilespmem:s11+$0xFFFFFFC0]  }
0x318: {  	[tilespmem:s11+$0xFFFFFF60] =	vst v3;
	v2 =	vmul.f32 $8.000000000e+00, v2;
	v3 =	vld [tilespmem:s11+$0xFFFFFFD0]  }
0x319: {  	[tilespmem:s11+$0xFFFFFF70] =	vst v0;
	v0 =	vmul.f32 $8.000000000e+00, v4;
	v4 =	vld [tilespmem:s11+$0xFFFFFFE0]  }
0x31a: {  	[tilespmem:s11+$0xFFFFFF80] =	vst v2;
	v1 =	vmul.f32 $8.000000000e+00, v1;
	v2 =	vld [tilespmem:s11+$0xFFFFFFF0]  }
0x31b: {  	[tilespmem:s11+$0xFFFFFF90] =	vst v0;
	v0 =	vmul.f32 $8.000000000e+00, v5;
	v5 =	vld [tilespmem:s11+$0x0]  }
0x31c: {  	[tilespmem:s11+$0xFFFFFFA0] =	vst v1;
	v1 =	vmul.f32 $8.000000000e+00, v6;
	v6 =	vld [tilespmem:s11+$0x10]  }
0x31d: {  	[tilespmem:s11+$0xFFFFFFB0] =	vst v0;
	v0 =	vmul.f32 $8.000000000e+00, v3;
	v3 =	vld [tilespmem:s11+$0x20]  }
0x31e: {  	[tilespmem:s11+$0xFFFFFFC0] =	vst v1;
	v1 =	vmul.f32 $8.000000000e+00, v4;
	v4 =	vld [tilespmem:s11+$0x30]  }
0x31f: {  	[tilespmem:s11+$0xFFFFFFD0] =	vst v0;
	v0 =	vmul.f32 $8.000000000e+00, v2;
	v2 =	vld [tilespmem:s11+$0x40]  }
0x320: {  	[tilespmem:s11+$0xFFFFFFE0] =	vst v1;
	v1 =	vmul.f32 $8.000000000e+00, v5;
	v5 =	vld [tilespmem:s11+$0x50]  }
0x321: {  	[tilespmem:s11+$0xFFFFFFF0] =	vst v0;
	v0 =	vmul.f32 $8.000000000e+00, v6;
	v6 =	vld [tilespmem:s11+$0x60]  }
0x322: {  	[tilespmem:s11+$0x0] =	vst v1;
	v1 =	vmul.f32 $8.000000000e+00, v3;
	v3 =	vld [tilespmem:s11+$0x70]  }
0x323: {  	[tilespmem:s11+$0x10] =	vst v0;
	v0 =	vmul.f32 $8.000000000e+00, v4;
	v4 =	vld [tilespmem:s11+$0x80]  }
0x324: {  	[tilespmem:s11+$0x20] =	vst v1;
	v1 =	vmul.f32 $8.000000000e+00, v2;
	v7 =	vld [tilespmem:s11+$0x90]  }
0x325: {  	[tilespmem:s11+$0x30] =	vst v0;
	v2 =	vmul.f32 $8.000000000e+00, v5;
	v8 =	vld [tilespmem:s11+$0xA0]  }
.Ltmp10:
0x326: {  	[tilespmem:s11+$0x40] =	vst v1;
	v5 =	vmul.f32 $8.000000000e+00, v6;
	v0 =	vld [tilespmem:s11+$0xB0];
	(pc) =	sbr.rel @p0 .LBB2_22-.Ltmp10, $4  }
0x327: {  	[tilespmem:s11+$0x50] =	vst v2;
	v3 =	vmul.f32 $8.000000000e+00, v3;
	v1 =	vld [tilespmem:s11+$0xC0]  }
0x328: {  	[tilespmem:s11+$0x60] =	vst v5;
	v6 =	vmul.f32 $8.000000000e+00, v4;
	v2 =	vld [tilespmem:s11+$0xD0]  }
0x329: {  	[tilespmem:s11+$0x70] =	vst v3;
	v5 =	vmul.f32 $8.000000000e+00, v7;
	v3 =	vld [tilespmem:s11+$0xE0]  }
0x32a: {  	s11 =	sadd.s32 $0x200, s11;
	v4 =	vld [tilespmem:s9+$0xFFFFFF00];
	[tilespmem:s9+$0x80] =	vst v6;
	v6 =	vmul.f32 $8.000000000e+00, v8  }
0x32b: {  	[tilespmem:s9+$0x90] =	vst v5;
	v0 =	vmul.f32 $8.000000000e+00, v0  }
0x32c: {  	[tilespmem:s9+$0xA0] =	vst v6;
	v1 =	vmul.f32 $8.000000000e+00, v1  }
0x32d: {  	[tilespmem:s9+$0xB0] =	vst v0;
	v0 =	vmul.f32 $8.000000000e+00, v2  }
0x32e: {  	[tilespmem:s9+$0xC0] =	vst v1;
	v1 =	vmul.f32 $8.000000000e+00, v3  }
0x32f: {  	v2 =	vmul.f32 $8.000000000e+00, v4;
	[tilespmem:s9+$0xD0] =	vst v0  }
0x330: {  	[tilespmem:s9+$0xE0] =	vst v1  }
0x331: {  	[tilespmem:s9+$0xFFFFFF00] =	vst v2  }
0x332: {  	s9 =	rddreg [dreg:$0x8]  }
0x333: {  	[hbm4b:s9+s3] =	stream.linear.scatter [tilespmem:s22], [sflag:$0x6], $0x4000, $0x38;
	[tilespmem:$0x16400] =	vst v63  }
0x334: {  	_ =	swait.ge [sflag:s23], $0x4000  }
0x335: {  	[sflag:s23] =	ssyncset.done $0x0  }
0x336: {  	s9 =	simm.s32 $0xE500;
	[sflag:s23] =	ssyncadd.s32 $0xFFFFC000  }
0x337: {  	v0 =	vld [tilespmem:s9+$0xF0]  }
0x338: {  	v1 =	vld [tilespmem:s9+$0xFFFFFF10]  }
0x339: {  	v2 =	vld [tilespmem:s9+$0xFFFFFF20]  }
0x33a: {  	v3 =	vld [tilespmem:s9+$0xFFFFFF30]  }
0x33b: {  	v4 =	vld [tilespmem:s9+$0xFFFFFF40]  }
0x33c: {  	v5 =	vld [tilespmem:s9+$0xFFFFFF50];
	v0 =	vmul.f32 $8.000000000e+00, v0  }
0x33d: {  	v6 =	vld [tilespmem:s9+$0xFFFFFF60];
	v1 =	vmul.f32 $8.000000000e+00, v1  }
0x33e: {  	v7 =	vld [tilespmem:s9+$0xFFFFFF70];
	v2 =	vmul.f32 $8.000000000e+00, v2;
	[tilespmem:s9+$0xF0] =	vst v0  }
0x33f: {  	[tilespmem:s9+$0xFFFFFF10] =	vst v1;
	v0 =	vmul.f32 $8.000000000e+00, v3;
	v1 =	vld [tilespmem:s9+$0xFFFFFF80]  }
0x340: {  	[tilespmem:s9+$0xFFFFFF20] =	vst v2;
	v2 =	vmul.f32 $8.000000000e+00, v4;
	v3 =	vld [tilespmem:s9+$0xFFFFFF90]  }
0x341: {  	v4 =	vld [tilespmem:s9+$0xFFFFFFA0];
	[tilespmem:s9+$0xFFFFFF30] =	vst v0;
	v0 =	vmul.f32 $8.000000000e+00, v5  }
0x342: {  	[tilespmem:s9+$0xFFFFFF40] =	vst v2;
	v2 =	vmul.f32 $8.000000000e+00, v6;
	v5 =	vld [tilespmem:s9+$0xFFFFFFB0]  }
0x343: {  	v6 =	vld [tilespmem:s9+$0xFFFFFFC0];
	[tilespmem:s9+$0xFFFFFF50] =	vst v0;
	v0 =	vmul.f32 $8.000000000e+00, v7  }
0x344: {  	[tilespmem:s9+$0xFFFFFF60] =	vst v2;
	v2 =	vld [tilespmem:s9+$0xFFFFFFD0];
	v1 =	vmul.f32 $8.000000000e+00, v1  }
0x345: {  	[tilespmem:s9+$0xFFFFFF70] =	vst v0;
	v0 =	vmul.f32 $8.000000000e+00, v3;
	v3 =	vld [tilespmem:s9+$0xFFFFFFE0]  }
0x346: {  	[tilespmem:s9+$0xFFFFFF80] =	vst v1;
	v1 =	vmul.f32 $8.000000000e+00, v4;
	v4 =	vld [tilespmem:s9+$0xFFFFFFF0]  }
0x347: {  	[tilespmem:s9+$0xFFFFFF90] =	vst v0;
	v0 =	vmul.f32 $8.000000000e+00, v5;
	v5 =	vld [tilespmem:s9+$0x0]  }
0x348: {  	[tilespmem:s9+$0xFFFFFFA0] =	vst v1;
	v1 =	vmul.f32 $8.000000000e+00, v6;
	v6 =	vld [tilespmem:s9+$0x10]  }
0x349: {  	[tilespmem:s9+$0xFFFFFFB0] =	vst v0;
	v0 =	vmul.f32 $8.000000000e+00, v2;
	v2 =	vld [tilespmem:s9+$0x20]  }
0x34a: {  	[tilespmem:s9+$0xFFFFFFC0] =	vst v1;
	v1 =	vmul.f32 $8.000000000e+00, v3;
	v3 =	vld [tilespmem:s9+$0x30]  }
0x34b: {  	[tilespmem:s9+$0xFFFFFFD0] =	vst v0;
	v0 =	vmul.f32 $8.000000000e+00, v4;
	v4 =	vld [tilespmem:s9+$0x40]  }
0x34c: {  	[tilespmem:s9+$0xFFFFFFE0] =	vst v1;
	v1 =	vmul.f32 $8.000000000e+00, v5;
	v5 =	vld [tilespmem:s9+$0x50]  }
0x34d: {  	[tilespmem:s9+$0xFFFFFFF0] =	vst v0;
	v0 =	vmul.f32 $8.000000000e+00, v6;
	v6 =	vld [tilespmem:s9+$0x60]  }
0x34e: {  	[tilespmem:s9+$0x0] =	vst v1;
	v1 =	vmul.f32 $8.000000000e+00, v2;
	v2 =	vld [tilespmem:s9+$0x70]  }
0x34f: {  	[tilespmem:s9+$0x10] =	vst v0;
	v0 =	vmul.f32 $8.000000000e+00, v3;
	v3 =	vld [tilespmem:s9+$0x80]  }
0x350: {  	[tilespmem:s9+$0x20] =	vst v1;
	v1 =	vmul.f32 $8.000000000e+00, v4;
	v4 =	vld [tilespmem:s9+$0x90]  }
0x351: {  	v7 =	vld [tilespmem:s9+$0xA0];
	[tilespmem:s9+$0x30] =	vst v0;
	v5 =	vmul.f32 $8.000000000e+00, v5  }
0x352: {  	v0 =	vld [tilespmem:s9+$0xB0];
	[tilespmem:s9+$0x40] =	vst v1;
	v6 =	vmul.f32 $8.000000000e+00, v6  }
0x353: {  	v1 =	vld [tilespmem:s9+$0xC0];
	[tilespmem:s9+$0x50] =	vst v5;
	v5 =	vmul.f32 $8.000000000e+00, v2  }
0x354: {  	v2 =	vld [tilespmem:s9+$0xD0];
	[tilespmem:s9+$0x60] =	vst v6;
	v6 =	vmul.f32 $8.000000000e+00, v3  }
0x355: {  	v3 =	vld [tilespmem:s9+$0xE0];
	[tilespmem:s9+$0x70] =	vst v5;
	v5 =	vmul.f32 $8.000000000e+00, v4  }
0x356: {  	s10 =	simm.s32 $0x0;
	s11 =	simm.s32 $0xE700;
	v4 =	vld [tilespmem:s9+$0xFFFFFF00];
	[tilespmem:s9+$0x80] =	vst v6;
	v6 =	vmul.f32 $8.000000000e+00, v7  }
.LBB2_24:
0x357: {  	v7 =	vld [tilespmem:s11+$0xF0];
	s10 =	sadd.s32 $0x8, s10;
	[tilespmem:s9+$0x90] =	vst v5;
	v0 =	vmul.f32 $8.000000000e+00, v0  }
0x358: {  	v5 =	vld [tilespmem:s11+$0xFFFFFF10];
	p0 =	slt.u32 s10, $0xF8;
	[tilespmem:s9+$0xA0] =	vst v6;
	v1 =	vmul.f32 $8.000000000e+00, v1  }
0x359: {  	v6 =	vld [tilespmem:s11+$0xFFFFFF20];
	[tilespmem:s9+$0xB0] =	vst v0;
	v0 =	vmul.f32 $8.000000000e+00, v2  }
0x35a: {  	v2 =	vld [tilespmem:s11+$0xFFFFFF30];
	[tilespmem:s9+$0xC0] =	vst v1;
	v1 =	vmul.f32 $8.000000000e+00, v3  }
0x35b: {  	v3 =	vld [tilespmem:s11+$0xFFFFFF40];
	v4 =	vmul.f32 $8.000000000e+00, v4;
	[tilespmem:s9+$0xD0] =	vst v0  }
0x35c: {  	v0 =	vld [tilespmem:s11+$0xFFFFFF50];
	v7 =	vmul.f32 $8.000000000e+00, v7;
	[tilespmem:s9+$0xE0] =	vst v1  }
0x35d: {  	v1 =	vmul.f32 $8.000000000e+00, v5;
	v5 =	vld [tilespmem:s11+$0xFFFFFF60];
	[tilespmem:s9+$0xFFFFFF00] =	vst v4;
	s9 =	smov.u32 s11  }
0x35e: {  	v4 =	vmul.f32 $8.000000000e+00, v6;
	v6 =	vld [tilespmem:s11+$0xFFFFFF70];
	[tilespmem:s11+$0xF0] =	vst v7  }
0x35f: {  	[tilespmem:s11+$0xFFFFFF10] =	vst v1;
	v1 =	vmul.f32 $8.000000000e+00, v2;
	v2 =	vld [tilespmem:s11+$0xFFFFFF80]  }
0x360: {  	[tilespmem:s11+$0xFFFFFF20] =	vst v4;
	v3 =	vmul.f32 $8.000000000e+00, v3;
	v4 =	vld [tilespmem:s11+$0xFFFFFF90]  }
0x361: {  	[tilespmem:s11+$0xFFFFFF30] =	vst v1;
	v0 =	vmul.f32 $8.000000000e+00, v0;
	v1 =	vld [tilespmem:s11+$0xFFFFFFA0]  }
0x362: {  	[tilespmem:s11+$0xFFFFFF40] =	vst v3;
	v3 =	vmul.f32 $8.000000000e+00, v5;
	v5 =	vld [tilespmem:s11+$0xFFFFFFB0]  }
0x363: {  	[tilespmem:s11+$0xFFFFFF50] =	vst v0;
	v0 =	vmul.f32 $8.000000000e+00, v6;
	v6 =	vld [tilespmem:s11+$0xFFFFFFC0]  }
0x364: {  	[tilespmem:s11+$0xFFFFFF60] =	vst v3;
	v2 =	vmul.f32 $8.000000000e+00, v2;
	v3 =	vld [tilespmem:s11+$0xFFFFFFD0]  }
0x365: {  	[tilespmem:s11+$0xFFFFFF70] =	vst v0;
	v0 =	vmul.f32 $8.000000000e+00, v4;
	v4 =	vld [tilespmem:s11+$0xFFFFFFE0]  }
0x366: {  	[tilespmem:s11+$0xFFFFFF80] =	vst v2;
	v1 =	vmul.f32 $8.000000000e+00, v1;
	v2 =	vld [tilespmem:s11+$0xFFFFFFF0]  }
0x367: {  	[tilespmem:s11+$0xFFFFFF90] =	vst v0;
	v0 =	vmul.f32 $8.000000000e+00, v5;
	v5 =	vld [tilespmem:s11+$0x0]  }
0x368: {  	[tilespmem:s11+$0xFFFFFFA0] =	vst v1;
	v1 =	vmul.f32 $8.000000000e+00, v6;
	v6 =	vld [tilespmem:s11+$0x10]  }
0x369: {  	[tilespmem:s11+$0xFFFFFFB0] =	vst v0;
	v0 =	vmul.f32 $8.000000000e+00, v3;
	v3 =	vld [tilespmem:s11+$0x20]  }
0x36a: {  	[tilespmem:s11+$0xFFFFFFC0] =	vst v1;
	v1 =	vmul.f32 $8.000000000e+00, v4;
	v4 =	vld [tilespmem:s11+$0x30]  }
0x36b: {  	[tilespmem:s11+$0xFFFFFFD0] =	vst v0;
	v0 =	vmul.f32 $8.000000000e+00, v2;
	v2 =	vld [tilespmem:s11+$0x40]  }
0x36c: {  	[tilespmem:s11+$0xFFFFFFE0] =	vst v1;
	v1 =	vmul.f32 $8.000000000e+00, v5;
	v5 =	vld [tilespmem:s11+$0x50]  }
0x36d: {  	[tilespmem:s11+$0xFFFFFFF0] =	vst v0;
	v0 =	vmul.f32 $8.000000000e+00, v6;
	v6 =	vld [tilespmem:s11+$0x60]  }
0x36e: {  	[tilespmem:s11+$0x0] =	vst v1;
	v1 =	vmul.f32 $8.000000000e+00, v3;
	v3 =	vld [tilespmem:s11+$0x70]  }
0x36f: {  	[tilespmem:s11+$0x10] =	vst v0;
	v0 =	vmul.f32 $8.000000000e+00, v4;
	v4 =	vld [tilespmem:s11+$0x80]  }
0x370: {  	[tilespmem:s11+$0x20] =	vst v1;
	v1 =	vmul.f32 $8.000000000e+00, v2;
	v7 =	vld [tilespmem:s11+$0x90]  }
0x371: {  	[tilespmem:s11+$0x30] =	vst v0;
	v2 =	vmul.f32 $8.000000000e+00, v5;
	v8 =	vld [tilespmem:s11+$0xA0]  }
.Ltmp11:
0x372: {  	[tilespmem:s11+$0x40] =	vst v1;
	v5 =	vmul.f32 $8.000000000e+00, v6;
	v0 =	vld [tilespmem:s11+$0xB0];
	(pc) =	sbr.rel @p0 .LBB2_24-.Ltmp11, $4  }
0x373: {  	[tilespmem:s11+$0x50] =	vst v2;
	v3 =	vmul.f32 $8.000000000e+00, v3;
	v1 =	vld [tilespmem:s11+$0xC0]  }
0x374: {  	[tilespmem:s11+$0x60] =	vst v5;
	v6 =	vmul.f32 $8.000000000e+00, v4;
	v2 =	vld [tilespmem:s11+$0xD0]  }
0x375: {  	[tilespmem:s11+$0x70] =	vst v3;
	v5 =	vmul.f32 $8.000000000e+00, v7;
	v3 =	vld [tilespmem:s11+$0xE0]  }
0x376: {  	s11 =	sadd.s32 $0x200, s11;
	v4 =	vld [tilespmem:s9+$0xFFFFFF00];
	[tilespmem:s9+$0x80] =	vst v6;
	v6 =	vmul.f32 $8.000000000e+00, v8  }
0x377: {  	[tilespmem:s9+$0x90] =	vst v5;
	v0 =	vmul.f32 $8.000000000e+00, v0  }
0x378: {  	[tilespmem:s9+$0xA0] =	vst v6;
	v1 =	vmul.f32 $8.000000000e+00, v1  }
0x379: {  	[tilespmem:s9+$0xB0] =	vst v0;
	v0 =	vmul.f32 $8.000000000e+00, v2  }
0x37a: {  	[tilespmem:s9+$0xC0] =	vst v1;
	v1 =	vmul.f32 $8.000000000e+00, v3  }
0x37b: {  	v2 =	vmul.f32 $8.000000000e+00, v4;
	[tilespmem:s9+$0xD0] =	vst v0  }
0x37c: {  	[tilespmem:s9+$0xE0] =	vst v1  }
0x37d: {  	[tilespmem:s9+$0xFFFFFF00] =	vst v2  }
0x37e: {  	s9 =	rddreg [dreg:$0x9]  }
0x37f: {  	[hbm4b:s9+s3] =	stream.linear.scatter [tilespmem:s24], [sflag:$0x7], $0x4000, $0x38;
	[tilespmem:$0x16400] =	vst v63  }
0x380: {  	_ =	swait.ge [sflag:s0], $0x4000  }
0x381: {  	[sflag:s0] =	ssyncset.done $0x0  }
0x382: {  	s9 =	simm.s32 $0x12500;
	[sflag:s0] =	ssyncadd.s32 $0xFFFFC000  }
0x383: {  	v0 =	vld [tilespmem:s9+$0xF0]  }
0x384: {  	v1 =	vld [tilespmem:s9+$0xFFFFFF10]  }
0x385: {  	v2 =	vld [tilespmem:s9+$0xFFFFFF20]  }
0x386: {  	v3 =	vld [tilespmem:s9+$0xFFFFFF30]  }
0x387: {  	v4 =	vld [tilespmem:s9+$0xFFFFFF40]  }
0x388: {  	v5 =	vld [tilespmem:s9+$0xFFFFFF50];
	v0 =	vmul.f32 $8.000000000e+00, v0  }
0x389: {  	v6 =	vld [tilespmem:s9+$0xFFFFFF60];
	v1 =	vmul.f32 $8.000000000e+00, v1  }
0x38a: {  	v7 =	vld [tilespmem:s9+$0xFFFFFF70];
	v2 =	vmul.f32 $8.000000000e+00, v2;
	[tilespmem:s9+$0xF0] =	vst v0  }
0x38b: {  	[tilespmem:s9+$0xFFFFFF10] =	vst v1;
	v0 =	vmul.f32 $8.000000000e+00, v3;
	v1 =	vld [tilespmem:s9+$0xFFFFFF80]  }
0x38c: {  	[tilespmem:s9+$0xFFFFFF20] =	vst v2;
	v2 =	vmul.f32 $8.000000000e+00, v4;
	v3 =	vld [tilespmem:s9+$0xFFFFFF90]  }
0x38d: {  	v4 =	vld [tilespmem:s9+$0xFFFFFFA0];
	[tilespmem:s9+$0xFFFFFF30] =	vst v0;
	v0 =	vmul.f32 $8.000000000e+00, v5  }
0x38e: {  	[tilespmem:s9+$0xFFFFFF40] =	vst v2;
	v2 =	vmul.f32 $8.000000000e+00, v6;
	v5 =	vld [tilespmem:s9+$0xFFFFFFB0]  }
0x38f: {  	v6 =	vld [tilespmem:s9+$0xFFFFFFC0];
	[tilespmem:s9+$0xFFFFFF50] =	vst v0;
	v0 =	vmul.f32 $8.000000000e+00, v7  }
0x390: {  	[tilespmem:s9+$0xFFFFFF60] =	vst v2;
	v2 =	vld [tilespmem:s9+$0xFFFFFFD0];
	v1 =	vmul.f32 $8.000000000e+00, v1  }
0x391: {  	[tilespmem:s9+$0xFFFFFF70] =	vst v0;
	v0 =	vmul.f32 $8.000000000e+00, v3;
	v3 =	vld [tilespmem:s9+$0xFFFFFFE0]  }
0x392: {  	[tilespmem:s9+$0xFFFFFF80] =	vst v1;
	v1 =	vmul.f32 $8.000000000e+00, v4;
	v4 =	vld [tilespmem:s9+$0xFFFFFFF0]  }
0x393: {  	[tilespmem:s9+$0xFFFFFF90] =	vst v0;
	v0 =	vmul.f32 $8.000000000e+00, v5;
	v5 =	vld [tilespmem:s9+$0x0]  }
0x394: {  	[tilespmem:s9+$0xFFFFFFA0] =	vst v1;
	v1 =	vmul.f32 $8.000000000e+00, v6;
	v6 =	vld [tilespmem:s9+$0x10]  }
0x395: {  	[tilespmem:s9+$0xFFFFFFB0] =	vst v0;
	v0 =	vmul.f32 $8.000000000e+00, v2;
	v2 =	vld [tilespmem:s9+$0x20]  }
0x396: {  	[tilespmem:s9+$0xFFFFFFC0] =	vst v1;
	v1 =	vmul.f32 $8.000000000e+00, v3;
	v3 =	vld [tilespmem:s9+$0x30]  }
0x397: {  	[tilespmem:s9+$0xFFFFFFD0] =	vst v0;
	v0 =	vmul.f32 $8.000000000e+00, v4;
	v4 =	vld [tilespmem:s9+$0x40]  }
0x398: {  	[tilespmem:s9+$0xFFFFFFE0] =	vst v1;
	v1 =	vmul.f32 $8.000000000e+00, v5;
	v5 =	vld [tilespmem:s9+$0x50]  }
0x399: {  	[tilespmem:s9+$0xFFFFFFF0] =	vst v0;
	v0 =	vmul.f32 $8.000000000e+00, v6;
	v6 =	vld [tilespmem:s9+$0x60]  }
0x39a: {  	[tilespmem:s9+$0x0] =	vst v1;
	v1 =	vmul.f32 $8.000000000e+00, v2;
	v2 =	vld [tilespmem:s9+$0x70]  }
0x39b: {  	[tilespmem:s9+$0x10] =	vst v0;
	v0 =	vmul.f32 $8.000000000e+00, v3;
	v3 =	vld [tilespmem:s9+$0x80]  }
0x39c: {  	[tilespmem:s9+$0x20] =	vst v1;
	v1 =	vmul.f32 $8.000000000e+00, v4;
	v4 =	vld [tilespmem:s9+$0x90]  }
0x39d: {  	v7 =	vld [tilespmem:s9+$0xA0];
	[tilespmem:s9+$0x30] =	vst v0;
	v5 =	vmul.f32 $8.000000000e+00, v5  }
0x39e: {  	v0 =	vld [tilespmem:s9+$0xB0];
	[tilespmem:s9+$0x40] =	vst v1;
	v6 =	vmul.f32 $8.000000000e+00, v6  }
0x39f: {  	v1 =	vld [tilespmem:s9+$0xC0];
	[tilespmem:s9+$0x50] =	vst v5;
	v5 =	vmul.f32 $8.000000000e+00, v2  }
0x3a0: {  	v2 =	vld [tilespmem:s9+$0xD0];
	[tilespmem:s9+$0x60] =	vst v6;
	v6 =	vmul.f32 $8.000000000e+00, v3  }
0x3a1: {  	v3 =	vld [tilespmem:s9+$0xE0];
	[tilespmem:s9+$0x70] =	vst v5;
	v5 =	vmul.f32 $8.000000000e+00, v4  }
0x3a2: {  	s10 =	simm.s32 $0x0;
	s11 =	simm.s32 $0x12700;
	v4 =	vld [tilespmem:s9+$0xFFFFFF00];
	[tilespmem:s9+$0x80] =	vst v6;
	v6 =	vmul.f32 $8.000000000e+00, v7  }
.LBB2_26:
0x3a3: {  	v7 =	vld [tilespmem:s11+$0xF0];
	s10 =	sadd.s32 $0x8, s10;
	[tilespmem:s9+$0x90] =	vst v5;
	v0 =	vmul.f32 $8.000000000e+00, v0  }
0x3a4: {  	v5 =	vld [tilespmem:s11+$0xFFFFFF10];
	p0 =	slt.u32 s10, $0xF8;
	[tilespmem:s9+$0xA0] =	vst v6;
	v1 =	vmul.f32 $8.000000000e+00, v1  }
0x3a5: {  	v6 =	vld [tilespmem:s11+$0xFFFFFF20];
	[tilespmem:s9+$0xB0] =	vst v0;
	v0 =	vmul.f32 $8.000000000e+00, v2  }
0x3a6: {  	v2 =	vld [tilespmem:s11+$0xFFFFFF30];
	[tilespmem:s9+$0xC0] =	vst v1;
	v1 =	vmul.f32 $8.000000000e+00, v3  }
0x3a7: {  	v3 =	vld [tilespmem:s11+$0xFFFFFF40];
	v4 =	vmul.f32 $8.000000000e+00, v4;
	[tilespmem:s9+$0xD0] =	vst v0  }
0x3a8: {  	v0 =	vld [tilespmem:s11+$0xFFFFFF50];
	v7 =	vmul.f32 $8.000000000e+00, v7;
	[tilespmem:s9+$0xE0] =	vst v1  }
0x3a9: {  	v1 =	vmul.f32 $8.000000000e+00, v5;
	v5 =	vld [tilespmem:s11+$0xFFFFFF60];
	[tilespmem:s9+$0xFFFFFF00] =	vst v4;
	s9 =	smov.u32 s11  }
0x3aa: {  	v4 =	vmul.f32 $8.000000000e+00, v6;
	v6 =	vld [tilespmem:s11+$0xFFFFFF70];
	[tilespmem:s11+$0xF0] =	vst v7  }
0x3ab: {  	[tilespmem:s11+$0xFFFFFF10] =	vst v1;
	v1 =	vmul.f32 $8.000000000e+00, v2;
	v2 =	vld [tilespmem:s11+$0xFFFFFF80]  }
0x3ac: {  	[tilespmem:s11+$0xFFFFFF20] =	vst v4;
	v3 =	vmul.f32 $8.000000000e+00, v3;
	v4 =	vld [tilespmem:s11+$0xFFFFFF90]  }
0x3ad: {  	[tilespmem:s11+$0xFFFFFF30] =	vst v1;
	v0 =	vmul.f32 $8.000000000e+00, v0;
	v1 =	vld [tilespmem:s11+$0xFFFFFFA0]  }
0x3ae: {  	[tilespmem:s11+$0xFFFFFF40] =	vst v3;
	v3 =	vmul.f32 $8.000000000e+00, v5;
	v5 =	vld [tilespmem:s11+$0xFFFFFFB0]  }
0x3af: {  	[tilespmem:s11+$0xFFFFFF50] =	vst v0;
	v0 =	vmul.f32 $8.000000000e+00, v6;
	v6 =	vld [tilespmem:s11+$0xFFFFFFC0]  }
0x3b0: {  	[tilespmem:s11+$0xFFFFFF60] =	vst v3;
	v2 =	vmul.f32 $8.000000000e+00, v2;
	v3 =	vld [tilespmem:s11+$0xFFFFFFD0]  }
0x3b1: {  	[tilespmem:s11+$0xFFFFFF70] =	vst v0;
	v0 =	vmul.f32 $8.000000000e+00, v4;
	v4 =	vld [tilespmem:s11+$0xFFFFFFE0]  }
0x3b2: {  	[tilespmem:s11+$0xFFFFFF80] =	vst v2;
	v1 =	vmul.f32 $8.000000000e+00, v1;
	v2 =	vld [tilespmem:s11+$0xFFFFFFF0]  }
0x3b3: {  	[tilespmem:s11+$0xFFFFFF90] =	vst v0;
	v0 =	vmul.f32 $8.000000000e+00, v5;
	v5 =	vld [tilespmem:s11+$0x0]  }
0x3b4: {  	[tilespmem:s11+$0xFFFFFFA0] =	vst v1;
	v1 =	vmul.f32 $8.000000000e+00, v6;
	v6 =	vld [tilespmem:s11+$0x10]  }
0x3b5: {  	[tilespmem:s11+$0xFFFFFFB0] =	vst v0;
	v0 =	vmul.f32 $8.000000000e+00, v3;
	v3 =	vld [tilespmem:s11+$0x20]  }
0x3b6: {  	[tilespmem:s11+$0xFFFFFFC0] =	vst v1;
	v1 =	vmul.f32 $8.000000000e+00, v4;
	v4 =	vld [tilespmem:s11+$0x30]  }
0x3b7: {  	[tilespmem:s11+$0xFFFFFFD0] =	vst v0;
	v0 =	vmul.f32 $8.000000000e+00, v2;
	v2 =	vld [tilespmem:s11+$0x40]  }
0x3b8: {  	[tilespmem:s11+$0xFFFFFFE0] =	vst v1;
	v1 =	vmul.f32 $8.000000000e+00, v5;
	v5 =	vld [tilespmem:s11+$0x50]  }
0x3b9: {  	[tilespmem:s11+$0xFFFFFFF0] =	vst v0;
	v0 =	vmul.f32 $8.000000000e+00, v6;
	v6 =	vld [tilespmem:s11+$0x60]  }
0x3ba: {  	[tilespmem:s11+$0x0] =	vst v1;
	v1 =	vmul.f32 $8.000000000e+00, v3;
	v3 =	vld [tilespmem:s11+$0x70]  }
0x3bb: {  	[tilespmem:s11+$0x10] =	vst v0;
	v0 =	vmul.f32 $8.000000000e+00, v4;
	v4 =	vld [tilespmem:s11+$0x80]  }
0x3bc: {  	[tilespmem:s11+$0x20] =	vst v1;
	v1 =	vmul.f32 $8.000000000e+00, v2;
	v7 =	vld [tilespmem:s11+$0x90]  }
0x3bd: {  	[tilespmem:s11+$0x30] =	vst v0;
	v2 =	vmul.f32 $8.000000000e+00, v5;
	v8 =	vld [tilespmem:s11+$0xA0]  }
.Ltmp12:
0x3be: {  	[tilespmem:s11+$0x40] =	vst v1;
	v5 =	vmul.f32 $8.000000000e+00, v6;
	v0 =	vld [tilespmem:s11+$0xB0];
	(pc) =	sbr.rel @p0 .LBB2_26-.Ltmp12, $4  }
0x3bf: {  	[tilespmem:s11+$0x50] =	vst v2;
	v3 =	vmul.f32 $8.000000000e+00, v3;
	v1 =	vld [tilespmem:s11+$0xC0]  }
0x3c0: {  	[tilespmem:s11+$0x60] =	vst v5;
	v6 =	vmul.f32 $8.000000000e+00, v4;
	v2 =	vld [tilespmem:s11+$0xD0]  }
0x3c1: {  	[tilespmem:s11+$0x70] =	vst v3;
	v5 =	vmul.f32 $8.000000000e+00, v7;
	v3 =	vld [tilespmem:s11+$0xE0]  }
0x3c2: {  	s11 =	sadd.s32 $0x200, s11;
	v4 =	vld [tilespmem:s9+$0xFFFFFF00];
	[tilespmem:s9+$0x80] =	vst v6;
	v6 =	vmul.f32 $8.000000000e+00, v8  }
0x3c3: {  	[tilespmem:s9+$0x90] =	vst v5;
	v0 =	vmul.f32 $8.000000000e+00, v0  }
0x3c4: {  	[tilespmem:s9+$0xA0] =	vst v6;
	v1 =	vmul.f32 $8.000000000e+00, v1  }
0x3c5: {  	[tilespmem:s9+$0xB0] =	vst v0;
	v61 =	vmul.f32 $8.000000000e+00, v2  }
0x3c6: {  	[tilespmem:s9+$0xC0] =	vst v1;
	v62 =	vmul.f32 $8.000000000e+00, v3  }
0x3c7: {  	v63 =	vmul.f32 $8.000000000e+00, v4;
	[tilespmem:s9+$0xD0] =	vst v61  }
0x3c8: {  	[tilespmem:s9+$0xE0] =	vst v62  }
0x3c9: {  	[tilespmem:s9+$0xFFFFFF00] =	vst v63  }
0x3ca: {  	s9 =	rddreg [dreg:$0xa]  }
0x3cb: {  	[hbm4b:s9+s3] =	stream.linear.scatter [tilespmem:s26], [sflag:$0x8], $0x4000, $0x38;
	[tilespmem:$0x16400] =	vst v63  }
0x3cc: {  	_ =	swait.ge [sflag:s29], $0x4000  }
0x3cd: {  	[sflag:s29] =	ssyncset.done $0x0  }
0x3ce: {  	[sflag:s29] =	ssyncadd.s32 $0xFFFFC000  }
0x3cf: {  	_ =	swait.ge [sflag:s1], $0x4000  }
0x3d0: {  	[sflag:s1] =	ssyncset.done $0x0  }
0x3d1: {  	s7 =	sadd.s32 $0x1, s7;
	[sflag:s1] =	ssyncadd.s32 $0xFFFFC000  }
0x3d2: {  	p0 =	sne.s32 s7, s18;
	_ =	swait.ge [sflag:s25], $0x4000  }
.Ltmp13:
0x3d3: {  	[sflag:s25] =	ssyncset.done $0x0;
	(pc) =	sbr.rel @p0 .LBB2_1-.Ltmp13, $4  }
0x3d4: {  	[sflag:s25] =	ssyncadd.s32 $0xFFFFC000  }
0x3d5: {  	_ =	swait.ge [sflag:s30], $0x4000  }
0x3d6: {  	[sflag:s30] =	ssyncset.done $0x0  }
0x3d7: {  	[sflag:s30] =	ssyncadd.s32 $0xFFFFC000  }
0x3d8: {  	_ =	sfence.sel $0x180000  }
0x3d9: {  	[bflag:$0x0] =	sbarrier.arrive $0xFFFF  }
0x3da: {  	_ =	strace $0x90000047  }
0x3db: {  	s0 =	stileid.u32;
	[bflag:$0x2] =	sbarrier.arrive $0xFFFF  }
0x3dc: {  	p0 =	sne.s32 s0, $0x0;
	s0 =	rddreg [dreg:$0x2]  }
0x3dd: {  	s0 =	sadd.s32 @!p0 $0x100000, s0  }
0x3de: {  	[sflag:s0] =	ssyncadd.tile.s32 @!p0 $0x1;
	_ =	shalt  }
.Lfunc_end2:
_tile_overlayer_lowered:
.L_overlay_start_2:
0x3df: {  	(tag) =	ssettag $0x2  }
0x3e0: {  	s0 =	rddreg [dreg:$0x0];
	s2 =	stileid.u32  }
0x3e1: {  	s1 =	rddreg [dreg:$0x1];
	p0 =	sne.s32 s2, $0x0  }
0x3e2: {  	s3 =	rddreg [dreg:$0x2];
	[bflag:$0x3] =	sbarrier.arrive $0xFFFF;
	s2 =	simm.s32 @!p0 $0x1C09  }
0x3e3: {  	[timem:s3], [sflag:s2] =	dma.local @!p0 [hbm:s0], s1  }
0x3e4: {  	s0 =	simm.s32 @!p0 $0x9  }
0x3e5: {  	_ =	swait.ge @!p0 [sflag:s0], s1  }
0x3e6: {  	s1 =	ssub.s32 @!p0 $0x0, s1;
	[sflag:s0] =	ssyncset.done @!p0 $0x0  }
0x3e7: {  	[sflag:s0] =	ssyncadd.s32 @!p0 s1  }
0x3e8: {  	[bflag:$0x3] =	sbarrier.arrive $0xFFFF  }
0x3e9: {  	_ =	shalt  }

// kernel: sparse-core-data-format-call.cloned.1.call-start
scs
called_computation_lowered:
.L_overlay_start_0:
0x0: {  	s2 =	sld [smem:$0x3FD9]  }
0x1: {  	s3 =	sld [smem:$0x3FFE];
	_ =	sdelay $0x1  }
0x2: {  	s1 =	srdreg.scid  }
0x3: {  	s0 =	sand.u32 $0x1, s1  }
0x4: {  	s18 =	sshll.u32 s0, $0xA;
	s2 =	sadd.s32 s3, s2  }
0x5: {  	s2 =	sadd.s32 s2, s18  }
0x6: {  	[smem:$0x3FC6] =	sst s2  }
0x7: {  	_ = 	snop  }
0x8: {  	s2 =	sld [smem:$0x3FD0];
	(tm) =	ssettm $0x1  }
0x9: {  	s19 =	sld [smem:$0x3FFB];
	_ =	sdelay $0x3  }
0xa: {  	_ =	strace s19  }
0xb: {  	s3 =	sld [smem:$0x3FFC];
	_ =	sdelay $0x3  }
0xc: {  	_ =	strace s3  }
0xd: {  	s3 =	sld [smem:$0x3FFD];
	_ =	sdelay $0x3  }
0xe: {  	_ =	strace s3  }
0xf: {  	_ =	strace $0x8FFFFFFF  }
0x10: {  	s20 =	sld [smem:$0x3FDB];
	_ =	sdelay $0x1  }
0x11: {  	s4 =	simm.s32 $_scs_section_size  }
0x12: {  	s5 =	simm.s32 $_size__tile_overlayer_lowered;
	s6 =	simm.s32 $_tile_overlayer_lowered  }
0x13: {  	s23 =	simm.s32 $0x1BFF;
	s22 =	sshll.u32 s6, $0x1;
	s3 =	sadd.s32 s4, s20  }
0x14: {  	s7 =	simm.s32 $0x0;
	s21 =	sshll.u32 s5, $0x1;
	s5 =	sadd.s32 s22, s3  }
0x15: {  	[timem:s7], [sflag:s23] =	dma.local [hbm:s5], s21  }
0x16: {  	_ =	swait.ge [sflag:s23], s21  }
0x17: {  	s4 =	ssub.s32 $0x0, s21;
	[sflag:s23] =	ssyncset.done $0x0  }
0x18: {  	[sflag:s23] =	ssyncadd.s32 s4;
	_ =	sdelay $0x1  }
0x19: {  	s24 =	simm.s32 $0x1B8B  }
0x1a: {  	_ =	swait.ge [sflag:s24], $0x1  }
0x1b: {  	[sflag:s24] =	ssyncset.done $0x0  }
0x1c: {  	s26 =	simm.s32 $0x1B8E;
	s25 =	sld [smem:$0x3FFE];
	[sflag:s24] =	ssyncadd.s32 $0xFFFFFFFF  }
0x1d: {  	s27 =	simm.s32 $execute0_lowered;
	[smem:$0x3FD2] =	sst s26  }
0x1e: {  	s5 =	sshll.u32 s27, $0x1;
	_ =	strace $0x80000049;
	[dreg:$0x1] =	wrdreg $0xFFFFFFFF  }
0x1f: {  	s28 =	simm.s32 $_size_execute0_lowered;
	s3 =	sadd.s32 s3, s5;
	[dreg:$0x0] =	wrdreg $0x0  }
0x20: {  	s5 =	sshll.u32 s28, $0x1;
	[dreg:$0x2] =	wrdreg s3  }
0x21: {  	[dreg:$0x3] =	wrdreg s5  }
0x22: {  	[dreg:$0x4] =	wrdreg $0xC0  }
0x23: {  	_ =	task [dreg:s7], $0x5FFFF  }
0x24: {  	[dreg:$0x1] =	wrdreg $0xFFFFFFFF  }
0x25: {  	[dreg:$0x0] =	wrdreg $0x60  }
0x26: {  	[dreg:$0x2] =	wrdreg s25  }
0x27: {  	[dreg:$0x3] =	wrdreg s2  }
0x28: {  	[dreg:$0x4] =	wrdreg $0x9  }
0x29: {  	_ =	task.clear_ibuf [dreg:s7], $0x5FFFF;
	_ =	strace $0x90000049  }
0x2a: {  	s29 =	simm.s32 $0x9;
	_ =	strace $0x8000004B  }
0x2b: {  	_ =	swait.ge [sflag:s29], $0x1  }
0x2c: {  	[sflag:s29] =	ssyncadd.s32 $0xFFFFFFFF  }
0x2d: {  	_ =	strace $0x9000004B  }
0x2e: {  	_ =	sfence  }
0x2f: {  	s30 =	sld [smem:$0x0];
	_ =	sdelay $0x2  }
0x30: {  	s31 =	sshll.u32 s1, $0xD;
	s1 =	sshrl.u32 s1, $0x2  }
0x31: {  	s3 =	sand.u32 $0x4000, s31;
	s1 =	sadd.s32 s1, s30  }
0x32: {  	s0 =	sor.u32 s3, s0;
	s1 =	sshll.u32 s1, $0x11  }
0x33: {  	s0 =	sor.u32 s1, s0  }
0x34: {  	s0 =	sadd.s32 $0x8F2B, s0  }
0x35: {  	[sflag:s0] =	ssyncadd.remote.s32 $0x1  }
0x36: {  	_ =	sfence.sel $0xFFFF  }
0x37: {  	[dreg:$0x0] =	wrdreg $0xFFFFFFFF;
	(pc) =	sbr.abs _section_cstart, $3  }
0x38: {  	[dreg:$0x1] =	wrdreg $0xFFFFFFFF  }
0x39: {  	_ =	task.clear_ibuf [dreg:s7], $0x2FFFF;
	_ =	strace $0x9FFFFFFF  }
0x3a: {  	(tm) =	ssettm $0x7FFFFFFF  }
0x3b: {  	_ =	shalt  }
tec
execute0_lowered:
.L_overlay_start_1:
0x0: {  	(tag) =	ssettag $0x1  }
0x1: {  	s0 =	srdreg.scid  }
0x2: {  	s1 =	sshll.u32 s0, $0x4  }
0x3: {  	s0 =	stileid.u32;
	s1 =	sand.u32 $0x10, s1  }
0x4: {  	s1 =	sor.u32 s0, s1  }
0x5: {  	s6 =	rddreg [dreg:$0x0];
	s4 =	simm.s32 $0x1;
	s2 =	sshll.u32 s1, $0x7  }
0x6: {  	s7 =	simm.s32 $0x2;
	s12 =	simm.s32 $0x0;
	s1 =	ssub.s32 $0x1000, s2  }
0x7: {  	s8 =	simm.s32 $0x8000;
	s13 =	simm.s32 $0x0;
	s3 =	sand.u32 $0xF80, s1  }
0x8: {  	s9 =	simm.s32 $0x0;
	s5 =	sshrl.u32 s1, $0xC;
	p0 =	sne.s32 s3, $0x0  }
.Ltmp0:
0x9: {  	s1 =	rddreg [dreg:$0x2];
	s4 =	simm.s32 @!p0 $0x0;
	(pc) =	sbr.rel .LBB1_1-.Ltmp0, $4  }
0xa: {  	s11 =	simm.s32 $0x0;
	s3 =	rddreg [dreg:$0x1];
	s5 =	sadd.s32 s4, s5  }
0xb: {  	_ =	strace $0x8000004A;
	s4 =	simm.s32 $0x1;
	s5 =	smul.u32 $0xC8, s5  }
0xc: {  	s6 =	sadd.s32 $0xA00, s6;
	s10 =	smov.u32 s2;
	[sflag:s4] =	ssyncpa.u1 $0x0  }
0xd: {  	p0 =	por $0x0, $0x0;
	[sflag:s7] =	ssyncpa.u1 $0x0;
	s7 =	sor.u32 $0x1, s5  }
.LBB1_4:
0xe: {  	s16 =	sshll.u32 s13, $0x3;
	s17 =	sand.u32 $0x78, s13  }
0xf: {  	s30 =	sand.u32 $0x7E00, s13;
	s12 =	sshll.u32 s12, $0xF;
	s16 =	sand.u32 $0xC00, s16  }
0x10: {  	[tilespmem:s15+$0x810 ss:$0x81] =	vst.msk $0xffff, v2;
	s31 =	sand.u32 $0x7, s13;
	s16 =	sor.u32 s17, s16;
	s17 =	sadd.s32 s3, s30  }
0x11: {  	[tilespmem:s15+$0x1020 ss:$0x81] =	vst.msk $0xffff, v0;
	s13 =	sshll.u32 s31, $0x12;
	s12 =	sadd.s32 s12, s17;
	s16 =	sshrl.u32 s16, $0x3  }
0x12: {  	[tilespmem:s15+$0x0 ss:$0x81] =	vst.msk $0xffff, v1;
	s13 =	sor.u32 $0x400, s13;
	s12 =	sadd.s32 s16, s12  }
0x13: {  	[hbm4b:s12+s13] =	stream.strided.scatter [tilespmem:s14], [sflag:$0x2], $0x2000, s8, s13, $0x20;
	[tilespmem:$0x8080] =	vst v63  }
.LBB1_5:
0x14: {  	s14 =	sadd.s32 $0x1, s9  }
0x15: {  	s12 =	sadd.s32 $0x1000, s10;
	s16 =	smov.u32 s10;
	p2 =	sgt.s32 s14, $0xC7  }
0x16: {  	s16 =	smov.u32 @p2 s12  }
0x17: {  	s14 =	simm.s32 @p2 $0x0;
	p2 =	sgt.s32 s16, $0xFFF  }
0x18: {  	s16 =	smov.u32 @p2 s2;
	p2 =	sne.s32 s11, s7  }
.Ltmp1:
0x19: {  	p1 =	slt.u32 s11, $0x2;
	(pc) =	sbr.rel @!p2 .LBB1_6-.Ltmp1, $4  }
0x1a: {  	s15 =	simm.s32 @!p1 $0x2  }
0x1b: {  	s13 =	smov.u32 s10;
	p0 =	por !p0, !p0;
	_ =	swait.ge @!p1 [sflag:s15], $0x2000  }
0x1c: {  	s12 =	smov.u32 s9;
	[sflag:s15] =	ssyncset.done @!p1 $0x0;
	s9 =	smov.u32 s14  }
0x1d: {  	s11 =	sadd.s32 $0x1, s11;
	[sflag:s15] =	ssyncadd.s32 @!p1 $0xFFFFE000;
	s10 =	smov.u32 s16  }
.LBB1_1:
0x1e: {  	p1 =	sge.u32 s11, s5  }
0x1f: {  	s14 =	sand.u32 @!p1 $0x1FFFFFF, s9  }
0x20: {  	s15 =	smulhi.u32 @!p1 $0x147AE15, s14;
	_ =	sdelay $0x1  }
0x21: {  	s15 =	smul.u32 @!p1 $0xC8, s15  }
0x22: {  	s16 =	sxor.u32 @!p1 $0xFFFFFFFF, s11;
	s17 =	smul.u32 @!p1 $0xC80, s10  }
0x23: {  	s31 =	sadd.s32 $0xFFFFFFFF, s11;
	s16 =	sshll.u32 @!p1 s16, $0xD;
	s14 =	ssub.s32 @!p1 s14, s15  }
0x24: {  	s15 =	sand.u32 @!p1 $0x2000, s16;
	s16 =	sadd.s32 @!p1 s6, s17;
	s14 =	sshll.u32 @!p1 s14, $0x4  }
0x25: {  	s17 =	simm.s32 @!p1 $0x6400;
	s14 =	sadd.s32 @!p1 s14, s16;
	s16 =	simm.s32 @!p1 $0x40  }
0x26: {  	[tilespmem:s15], [sflag:$0x1] =	stream.strided.gather @!p1 [hbm4b:s14+s16], $0x2000, s17, s16, $0x38;
	[tilespmem:$0x8080] =	vst v63  }
0x27: {  	p1 =	sge.u32 s31, s5  }
.Ltmp2:
0x28: {  	_ = 	snop;
	(pc) =	sbr.rel @p1 .LBB1_5-.Ltmp2, $1  }
0x29: {  	_ =	sdelay $0x3  }
0x2a: {  	s14 =	simm.s32 $0x1  }
0x2b: {  	_ =	swait.ge [sflag:s4], $0x2000;
	s14 =	simm.s32 @!p0 $0x0  }
0x2c: {  	[sflag:s4] =	ssyncset.done $0x0;
	s15 =	sshll.u32 s14, $0xD  }
0x2d: {  	[sflag:s4] =	ssyncadd.s32 $0xFFFFE000;
	s18 =	sor.u32 $0x20, s15  }
0x2e: {  	s14 =	smul.u32 $0x8100, s14;
	v3 =	vld [tilespmem:s18+$0x10]  }
0x2f: {  	s30 =	sand.u32 $0x1, s11;
	v2 =	vld [tilespmem:s18+$0xFFFFFFF0]  }
0x30: {  	s15 =	smul.u32 $0x8100, s30;
	s14 =	sshrl.u32 s14, $0x2;
	v0 =	vld [tilespmem:s18+$0x0]  }
0x31: {  	v1 =	vld [tilespmem:s18+$0xFFFFFFE0];
	s16 =	sor.u32 $0x4000, s14  }
0x32: {  	s31 =	sshrl.u32 s15, $0x2;
	s15 =	sadd.s32 $0x0, s16  }
0x33: {  	s17 =	simm.s32 $0x4;
	s18 =	sadd.s32 $0x40, s18;
	s14 =	sor.u32 $0x4000, s31;
	[tilespmem:s15+$0x1830 ss:$0x81] =	vst.msk $0xffff, v3  }
.LBB1_3:
0x34: {  	v3 =	vld [tilespmem:s18+$0x10];
	p1 =	sne.s32 s17, $0x1FC;
	[tilespmem:s15+$0x810 ss:$0x81] =	vst.msk $0xffff, v2;
	s19 =	smov.u32 s17;
	s17 =	sadd.s32 $0x4, s17  }
.Ltmp3:
0x35: {  	v2 =	vld [tilespmem:s18+$0xFFFFFFF0];
	[tilespmem:s15+$0x1020 ss:$0x81] =	vst.msk $0xffff, v0;
	(pc) =	sbr.rel @p1 .LBB1_3-.Ltmp3, $4  }
0x36: {  	v0 =	vld [tilespmem:s18+$0x0];
	[tilespmem:s15+$0x0 ss:$0x81] =	vst.msk $0xffff, v1  }
0x37: {  	s15 =	sshra.s32 s19, $0x2;
	v1 =	vld [tilespmem:s18+$0xFFFFFFE0]  }
0x38: {  	s15 =	sadd.s32 s15, s16  }
0x39: {  	s18 =	sadd.s32 $0x40, s18;
	[tilespmem:s15+$0x1830 ss:$0x81] =	vst.msk $0xffff, v3  }
.Ltmp4:
0x3a: {  	_ = 	snop;
	(pc) =	sbr.rel .LBB1_4-.Ltmp4, $1  }
0x3b: {  	_ =	sdelay $0x3  }
.LBB1_6:
0x3c: {  	_ =	sfence.sel $0x180000  }
0x3d: {  	s2 =	simm.s32 $0x1;
	[bflag:$0x0] =	sbarrier.arrive $0xFFFF  }
0x3e: {  	s31 =	simm.s32 $0x2;
	[sflag:s2] =	ssyncpa.u1 $0x1  }
0x3f: {  	[sflag:s31] =	ssyncpa.u1 $0x1  }
0x40: {  	p0 =	sne.s32 s0, $0x0;
	_ =	strace $0x9000004A  }
0x41: {  	s0 =	sadd.s32 @!p0 $0x100000, s1;
	[bflag:$0x2] =	sbarrier.arrive $0xFFFF  }
0x42: {  	[sflag:s0] =	ssyncadd.tile.s32 @!p0 $0x1;
	_ =	shalt  }
.Lfunc_end1:
_tile_overlayer_lowered:
.L_overlay_start_2:
0x43: {  	(tag) =	ssettag $0x2  }
0x44: {  	s0 =	rddreg [dreg:$0x0];
	s2 =	stileid.u32  }
0x45: {  	s1 =	rddreg [dreg:$0x1];
	p0 =	sne.s32 s2, $0x0  }
0x46: {  	s3 =	rddreg [dreg:$0x2];
	[bflag:$0x3] =	sbarrier.arrive $0xFFFF;
	s2 =	simm.s32 @!p0 $0x1C01  }
0x47: {  	[timem:s3], [sflag:s2] =	dma.local @!p0 [hbm:s0], s1  }
0x48: {  	s0 =	simm.s32 @!p0 $0x1  }
0x49: {  	_ =	swait.ge @!p0 [sflag:s0], s1  }
0x4a: {  	s1 =	ssub.s32 @!p0 $0x0, s1;
	[sflag:s0] =	ssyncset.done @!p0 $0x0  }
0x4b: {  	[sflag:s0] =	ssyncadd.s32 @!p0 s1  }
0x4c: {  	[bflag:$0x3] =	sbarrier.arrive $0xFFFF  }
0x4d: {  	_ =	shalt  }

</sc_bundles>
